<compile_context>
chip_gen: v7x
topology: tpu7x:2x2x1
jax: 0.10.2.dev20260603
libtpu: 0.0.44.dev20260713+nightly
codegen_flags: <defaults>
</compile_context>

<pallas_src>
import functools

import jax
import jax.numpy as jnp
from jax import lax
from jax.experimental import pallas as pl
from jax.experimental.pallas import tpu as pltpu
from jax.experimental.pallas import tpu_sc as plsc

_NUM_SELECT = 60
_NBP = 13
_KPAD = 64
_NW = 32
_KPW = _NUM_SELECT * 16 // _NW
_L = 16


def _topk_kernel(x_ref, scores_ref, labels_ref, rows_ref, xs_ref, *, num_classes):
    B, F = x_ref.shape
    xs_ref[...] = x_ref[...]
    col = jax.lax.broadcasted_iota(jnp.int32, (B, F), 1)
    lane = jax.lax.broadcasted_iota(jnp.int32, (B, _KPAD), 1)
    neg = jnp.float32(-jnp.inf)

    def body(i, carry):
        vals, idxs = carry
        x = xs_ref[...]
        m = jnp.max(x, axis=1, keepdims=True)
        loc = jnp.min(jnp.where(x >= m, col, F), axis=1, keepdims=True)
        xs_ref[...] = jnp.where(col == loc, neg, x)
        sel = lane == i
        vals = jnp.where(sel, m, vals)
        idxs = jnp.where(sel, loc, idxs)
        return vals, idxs

    vals = jnp.full((B, _KPAD), neg, jnp.float32)
    idxs = jnp.zeros((B, _KPAD), jnp.int32)
    vals, idxs = jax.lax.fori_loop(0, _NUM_SELECT, body, (vals, idxs))
    scores_ref[...] = jax.nn.sigmoid(vals)
    labels_ref[...] = idxs % num_classes
    rows_ref[...] = idxs // num_classes


def _sc_gather_kernel(rows_hbm, ts_hbm, kp_hbm, out_hbm,
                      rows_v, row_buf, tsv, out_v, sem, *, d):
    cid = lax.axis_index("c")
    sid = lax.axis_index("s")
    wid = sid * 2 + cid
    b = sid

    pltpu.sync_copy(rows_hbm.at[wid], rows_v)
    pltpu.sync_copy(ts_hbm, tsv)

    rv0 = rows_v[pl.ds(0, _L)]
    rv1 = rows_v[pl.ds(_L, _L)]
    copies = []
    for s in range(_KPW):
        r = rv0[s] if s < _L else rv1[s - _L]
        c = pltpu.async_copy(kp_hbm.at[b, r], row_buf.at[s], sem)
        copies.append(c)
    for c in copies:
        c.wait()

    lane = lax.iota(jnp.int32, _L)
    tsb_v = jnp.broadcast_to(2 * b, (_L,))
    sv = plsc.load_gather(tsv, [tsb_v + (lane & 1)])
    for s in range(_KPW):
        va = row_buf[s, pl.ds(0, _L)] * sv
        vb = row_buf[s, pl.ds(d - _L, _L)] * sv
        out_v[pl.ds(s * d, _L)] = va
        out_v[pl.ds(s * d + d - _L, _L)] = vb

    pltpu.sync_copy(out_v, out_hbm.at[wid])


def kernel(pred_logits, pred_keypoints, target_sizes):
    B, N, C = pred_logits.shape
    D = pred_keypoints.shape[-1]
    flat = pred_logits.reshape(B, N * C)

    scores64, labels64, rows64 = pl.pallas_call(
        functools.partial(_topk_kernel, num_classes=C),
        out_shape=[
            jax.ShapeDtypeStruct((B, _KPAD), jnp.float32),
            jax.ShapeDtypeStruct((B, _KPAD), jnp.int32),
            jax.ShapeDtypeStruct((B, _KPAD), jnp.int32),
        ],
        scratch_shapes=[pltpu.VMEM((B, N * C), jnp.float32)],
    )(flat)

    rows32 = jnp.pad(
        rows64[:, :_NUM_SELECT].reshape(_NW, _KPW), ((0, 0), (0, 2))
    )
    ts_flat = target_sizes.reshape(B * 2)
    out_pad = ((_KPW * D + _L) // _L) * _L

    mesh = plsc.VectorSubcoreMesh(core_axis_name="c", subcore_axis_name="s")
    sc_gather = functools.partial(
        pl.kernel,
        mesh=mesh,
        compiler_params=pltpu.CompilerParams(needs_layout_passes=False),
        out_type=jax.ShapeDtypeStruct((_NW, out_pad), jnp.float32),
        scratch_types=[
            pltpu.VMEM((_KPW + 2,), jnp.int32),
            pltpu.VMEM((_KPW, D), jnp.float32),
            pltpu.VMEM((B * 2,), jnp.float32),
            pltpu.VMEM((out_pad,), jnp.float32),
            pltpu.SemaphoreType.DMA,
        ],
    )(functools.partial(_sc_gather_kernel, d=D))
    out32 = sc_gather(rows32, ts_flat, pred_keypoints)

    scores = scores64[:, :_NUM_SELECT]
    labels = labels64[:, :_NUM_SELECT]
    kp26 = out32[:, : _KPW * D].reshape(B, _NUM_SELECT, D)
    kpr = kp26.reshape(B, _NUM_SELECT, _NBP, 2)
    kpr = jnp.concatenate([kpr, jnp.ones_like(kpr[..., :1])], axis=-1)
    return scores, labels, kpr.reshape(B, _NUM_SELECT, _NBP * 3)

# --- scband reference (transcript-rebuilt; emitter-appended) ---
"""Pipeline reference for scband-post-process-40913858461719 (READ-ONLY COPY).

The authoritative reference and input builder live on the scoring server;
editing this copy changes nothing except your own understanding.
"""

import jax, jax.numpy as jnp
import numpy as np

NUM_SELECT = 60
NUM_BODY_POINTS = 13


def setup_inputs(seed: int = 0) -> dict:
    key = jax.random.key(seed)
    k1, k2, k3 = jax.random.split(key, 3)
    pred_logits = jax.random.normal(k1, (16, 20000, 2), dtype=jnp.float32)
    pred_keypoints = jax.random.uniform(k2, (16, 20000, 26), dtype=jnp.float32)
    target_sizes = jax.random.uniform(k3, (16, 2), dtype=jnp.float32) * 1024.0
    return {"pred_logits": pred_logits, "pred_keypoints": pred_keypoints, "target_sizes": target_sizes}


def reference(pred_logits, pred_keypoints, target_sizes):
    num_select = NUM_SELECT
    nbp = NUM_BODY_POINTS
    B, N, C = pred_logits.shape
    prob = jax.nn.sigmoid(pred_logits)
    flat = prob.reshape(B, N * C)
    topk_values, topk_indexes = jax.lax.top_k(flat, num_select)
    scores = topk_values
    topk_keypoints = topk_indexes // C  # [B, num_select]
    labels = topk_indexes % C  # [B, num_select]
    # gather keypoints: torch.gather(out_keypoints, 1, idx.unsqueeze(-1).repeat(1,1,26))
    keypoints = jnp.take_along_axis(pred_keypoints, topk_keypoints[:, :, None], axis=1)  # [B, num_select, 26]
    # keypoints * target_sizes.repeat(1, num_body_points)[:, None, :]
    keypoints = keypoints * jnp.tile(target_sizes, (1, nbp))[:, None, :]
    keypoints_res = keypoints.reshape(B, num_select, nbp, 2)
    keypoints_res = jnp.concatenate([keypoints_res, jnp.ones_like(keypoints_res[..., 0:1])], axis=-1)
    keypoints_res = keypoints_res.reshape(B, num_select, nbp * 3)
    return scores, labels, keypoints_res

if __name__ == "__main__":
    import jax
    _d = setup_inputs()
    print(jax.jit(kernel)(*tuple(_d.values())))

</pallas_src>

<mosaic_0001>
#map = affine_map<(d0, d1) -> (0, 0)>
#map1 = affine_map<(d0, d1) -> (0)>
#map2 = affine_map<(d0, d1) -> (0, 0, 0)>
module attributes {stable_mosaic.version = 14 : i64} {
  func.func @_sc_gather_kernel(%arg0: i32, %arg1: i32, %arg2: memref<32x32xi32, #tpu.memory_space<hbm>>, %arg3: memref<32xf32, #tpu.memory_space<hbm>>, %arg4: memref<16x20000x26xf32, #tpu.memory_space<hbm>>, %arg5: memref<32x784xf32, #tpu.memory_space<hbm>>, %arg6: memref<32xi32, #tpu.memory_space<vmem>>, %arg7: memref<30x26xf32, #tpu.memory_space<vmem>>, %arg8: memref<32xf32, #tpu.memory_space<vmem>>, %arg9: memref<784xf32, #tpu.memory_space<vmem>>, %arg10: memref<!tpu.dma_semaphore, #tpu.memory_space<semaphore_mem>>) attributes {dimension_semantics = [#tpu.dimension_semantics<core_parallel>, #tpu.dimension_semantics<subcore_parallel>], iteration_bounds = array<i64: 2, 16>, scalar_prefetch = 0 : i64, scratch_operands = 5 : i64, tpu.core_type = #tpu.core_type<sc_vector_subcore>, window_params = [{transform_indices = #map}, {transform_indices = #map1}, {transform_indices = #map2}, {transform_indices = #map}]} {
    %mul3A = arith.constant 2 : i32
    %mul3A_0 = arith.muli %arg1, %mul3A : i32
    %add3A = arith.addi %mul3A_0, %arg0 : i32
    "tpu.region"() ({
      %run_scoped3A = tpu.sem_alloc : memref<!tpu.dma_semaphore, #tpu.memory_space<semaphore_mem>>
      %dma_start3A_1264 = arith.constant 0 : i32
      %dma_start3A_1265 = tpu.memref_slice %arg2[%add3A, %dma_start3A_1264] : memref<32x32xi32, #tpu.memory_space<hbm>> -> memref<1x32xi32, #tpu.memory_space<hbm>>
      %dma_start3A_1266 = tpu.memref_squeeze %dma_start3A_1265 : memref<1x32xi32, #tpu.memory_space<hbm>> -> memref<32xi32, #tpu.memory_space<hbm>>
      %dma_start3A_1267 = arith.constant 0 : i32
      %dma_start3A_1268 = tpu.memref_slice %arg2[%add3A, %dma_start3A_1267] : memref<32x32xi32, #tpu.memory_space<hbm>> -> memref<1x32xi32, #tpu.memory_space<hbm>>
      %dma_start3A_1269 = tpu.memref_squeeze %dma_start3A_1268 : memref<1x32xi32, #tpu.memory_space<hbm>> -> memref<32xi32, #tpu.memory_space<hbm>>
      tpu.enqueue_dma source(%dma_start3A_1269 : memref<32xi32, #tpu.memory_space<hbm>>) target(%arg6 : memref<32xi32, #tpu.memory_space<vmem>>) target_semaphore(%run_scoped3A : memref<!tpu.dma_semaphore, #tpu.memory_space<semaphore_mem>>)
      %dma_wait3A_1270 = arith.constant 0 : i32
      %dma_wait3A_1271 = tpu.memref_slice %arg2[%add3A, %dma_wait3A_1270] : memref<32x32xi32, #tpu.memory_space<hbm>> -> memref<1x32xi32, #tpu.memory_space<hbm>>
      %dma_wait3A_1272 = tpu.memref_squeeze %dma_wait3A_1271 : memref<1x32xi32, #tpu.memory_space<hbm>> -> memref<32xi32, #tpu.memory_space<hbm>>
      %dma_wait3A_1273 = arith.constant 0 : i32
      %dma_wait3A_1274 = tpu.memref_slice %arg2[%add3A, %dma_wait3A_1273] : memref<32x32xi32, #tpu.memory_space<hbm>> -> memref<1x32xi32, #tpu.memory_space<hbm>>
      %dma_wait3A_1275 = tpu.memref_squeeze %dma_wait3A_1274 : memref<1x32xi32, #tpu.memory_space<hbm>> -> memref<32xi32, #tpu.memory_space<hbm>>
      tpu.wait_dma2 semaphore(%run_scoped3A : memref<!tpu.dma_semaphore, #tpu.memory_space<semaphore_mem>>) src(%dma_wait3A_1275 : memref<32xi32, #tpu.memory_space<hbm>>) dst(%arg6 : memref<32xi32, #tpu.memory_space<vmem>>)
      tpu.yield
    }) : () -> ()
    "tpu.region"() ({
      %run_scoped3A = tpu.sem_alloc : memref<!tpu.dma_semaphore, #tpu.memory_space<semaphore_mem>>
      tpu.enqueue_dma source(%arg3 : memref<32xf32, #tpu.memory_space<hbm>>) target(%arg8 : memref<32xf32, #tpu.memory_space<vmem>>) target_semaphore(%run_scoped3A : memref<!tpu.dma_semaphore, #tpu.memory_space<semaphore_mem>>)
      tpu.wait_dma2 semaphore(%run_scoped3A : memref<!tpu.dma_semaphore, #tpu.memory_space<semaphore_mem>>) src(%arg3 : memref<32xf32, #tpu.memory_space<hbm>>) dst(%arg8 : memref<32xf32, #tpu.memory_space<vmem>>)
      tpu.yield
    }) : () -> ()
    %get3A = arith.constant 0 : index
    %get3A_1 = tpu.vector_load %arg6[%get3A] {strides = array<i32>} : memref<32xi32, #tpu.memory_space<vmem>>, vector<16xi32>,
    %get3A_2 = arith.constant 16 : index
    %get3A_3 = tpu.vector_load %arg6[%get3A_2] {strides = array<i32>} : memref<32xi32, #tpu.memory_space<vmem>>, vector<16xi32>,
    %slice3A = vector.extract_strided_slice %get3A_1 {offsets = [0], sizes = [1], strides = [1]} : vector<16xi32> to vector<1xi32>
    %squeeze3A = vector.extract %slice3A[0] : i32 from vector<1xi32>
    %dma_start3A = arith.constant 0 : i32
    %dma_start3A_4 = arith.constant 0 : i32
    %dma_start3A_5 = tpu.memref_slice %arg7[%dma_start3A, %dma_start3A_4] : memref<30x26xf32, #tpu.memory_space<vmem>> -> memref<1x26xf32, #tpu.memory_space<vmem>>
    %dma_start3A_6 = tpu.memref_squeeze %dma_start3A_5 : memref<1x26xf32, #tpu.memory_space<vmem>> -> memref<26xf32, #tpu.memory_space<vmem>>
    %dma_start3A_7 = arith.constant 0 : i32
    %dma_start3A_8 = tpu.memref_slice %arg4[%arg1, %squeeze3A, %dma_start3A_7] : memref<16x20000x26xf32, #tpu.memory_space<hbm>> -> memref<1x1x26xf32, #tpu.memory_space<hbm>>
    %dma_start3A_9 = tpu.memref_squeeze %dma_start3A_8 : memref<1x1x26xf32, #tpu.memory_space<hbm>> -> memref<26xf32, #tpu.memory_space<hbm>>
    %dma_start3A_10 = arith.constant 0 : i32
    %dma_start3A_11 = tpu.memref_slice %arg7[%dma_start3A, %dma_start3A_10] : memref<30x26xf32, #tpu.memory_space<vmem>> -> memref<1x26xf32, #tpu.memory_space<vmem>>
    %dma_start3A_12 = tpu.memref_squeeze %dma_start3A_11 : memref<1x26xf32, #tpu.memory_space<vmem>> -> memref<26xf32, #tpu.memory_space<vmem>>
    %dma_start3A_13 = arith.constant 0 : i32
    %dma_start3A_14 = tpu.memref_slice %arg4[%arg1, %squeeze3A, %dma_start3A_13] : memref<16x20000x26xf32, #tpu.memory_space<hbm>> -> memref<1x1x26xf32, #tpu.memory_space<hbm>>
    %dma_start3A_15 = tpu.memref_squeeze %dma_start3A_14 : memref<1x1x26xf32, #tpu.memory_space<hbm>> -> memref<26xf32, #tpu.memory_space<hbm>>
    tpu.enqueue_dma source(%dma_start3A_15 : memref<26xf32, #tpu.memory_space<hbm>>) target(%dma_start3A_12 : memref<26xf32, #tpu.memory_space<vmem>>) target_semaphore(%arg10 : memref<!tpu.dma_semaphore, #tpu.memory_space<semaphore_mem>>)
    %slice3A_16 = vector.extract_strided_slice %get3A_1 {offsets = [1], sizes = [1], strides = [1]} : vector<16xi32> to vector<1xi32>
    %squeeze3A_17 = vector.extract %slice3A_16[0] : i32 from vector<1xi32>
    %dma_start3A_18 = arith.constant 1 : i32
    %dma_start3A_19 = arith.constant 0 : i32
    %dma_start3A_20 = tpu.memref_slice %arg7[%dma_start3A_18, %dma_start3A_19] : memref<30x26xf32, #tpu.memory_space<vmem>> -> memref<1x26xf32, #tpu.memory_space<vmem>>
    %dma_start3A_21 = tpu.memref_squeeze %dma_start3A_20 : memref<1x26xf32, #tpu.memory_space<vmem>> -> memref<26xf32, #tpu.memory_space<vmem>>
    %dma_start3A_22 = arith.constant 0 : i32
    %dma_start3A_23 = tpu.memref_slice %arg4[%arg1, %squeeze3A_17, %dma_start3A_22] : memref<16x20000x26xf32, #tpu.memory_space<hbm>> -> memref<1x1x26xf32, #tpu.memory_space<hbm>>
    %dma_start3A_24 = tpu.memref_squeeze %dma_start3A_23 : memref<1x1x26xf32, #tpu.memory_space<hbm>> -> memref<26xf32, #tpu.memory_space<hbm>>
    %dma_start3A_25 = arith.constant 0 : i32
    %dma_start3A_26 = tpu.memref_slice %arg7[%dma_start3A_18, %dma_start3A_25] : memref<30x26xf32, #tpu.memory_space<vmem>> -> memref<1x26xf32, #tpu.memory_space<vmem>>
    %dma_start3A_27 = tpu.memref_squeeze %dma_start3A_26 : memref<1x26xf32, #tpu.memory_space<vmem>> -> memref<26xf32, #tpu.memory_space<vmem>>
    %dma_start3A_28 = arith.constant 0 : i32
    %dma_start3A_29 = tpu.memref_slice %arg4[%arg1, %squeeze3A_17, %dma_start3A_28] : memref<16x20000x26xf32, #tpu.memory_space<hbm>> -> memref<1x1x26xf32, #tpu.memory_space<hbm>>
    %dma_start3A_30 = tpu.memref_squeeze %dma_start3A_29 : memref<1x1x26xf32, #tpu.memory_space<hbm>> -> memref<26xf32, #tpu.memory_space<hbm>>
    tpu.enqueue_dma source(%dma_start3A_30 : memref<26xf32, #tpu.memory_space<hbm>>) target(%dma_start3A_27 : memref<26xf32, #tpu.memory_space<vmem>>) target_semaphore(%arg10 : memref<!tpu.dma_semaphore, #tpu.memory_space<semaphore_mem>>)
    %slice3A_31 = vector.extract_strided_slice %get3A_1 {offsets = [2], sizes = [1], strides = [1]} : vector<16xi32> to vector<1xi32>
    %squeeze3A_32 = vector.extract %slice3A_31[0] : i32 from vector<1xi32>
    %dma_start3A_33 = arith.constant 2 : i32
    %dma_start3A_34 = arith.constant 0 : i32
    %dma_start3A_35 = tpu.memref_slice %arg7[%dma_start3A_33, %dma_start3A_34] : memref<30x26xf32, #tpu.memory_space<vmem>> -> memref<1x26xf32, #tpu.memory_space<vmem>>
    %dma_start3A_36 = tpu.memref_squeeze %dma_start3A_35 : memref<1x26xf32, #tpu.memory_space<vmem>> -> memref<26xf32, #tpu.memory_space<vmem>>
    %dma_start3A_37 = arith.constant 0 : i32
    %dma_start3A_38 = tpu.memref_slice %arg4[%arg1, %squeeze3A_32, %dma_start3A_37] : memref<16x20000x26xf32, #tpu.memory_space<hbm>> -> memref<1x1x26xf32, #tpu.memory_space<hbm>>
    %dma_start3A_39 = tpu.memref_squeeze %dma_start3A_38 : memref<1x1x26xf32, #tpu.memory_space<hbm>> -> memref<26xf32, #tpu.memory_space<hbm>>
    %dma_start3A_40 = arith.constant 0 : i32
    %dma_start3A_41 = tpu.memref_slice %arg7[%dma_start3A_33, %dma_start3A_40] : memref<30x26xf32, #tpu.memory_space<vmem>> -> memref<1x26xf32, #tpu.memory_space<vmem>>
    %dma_start3A_42 = tpu.memref_squeeze %dma_start3A_41 : memref<1x26xf32, #tpu.memory_space<vmem>> -> memref<26xf32, #tpu.memory_space<vmem>>
    %dma_start3A_43 = arith.constant 0 : i32
    %dma_start3A_44 = tpu.memref_slice %arg4[%arg1, %squeeze3A_32, %dma_start3A_43] : memref<16x20000x26xf32, #tpu.memory_space<hbm>> -> memref<1x1x26xf32, #tpu.memory_space<hbm>>
    %dma_start3A_45 = tpu.memref_squeeze %dma_start3A_44 : memref<1x1x26xf32, #tpu.memory_space<hbm>> -> memref<26xf32, #tpu.memory_space<hbm>>
    tpu.enqueue_dma source(%dma_start3A_45 : memref<26xf32, #tpu.memory_space<hbm>>) target(%dma_start3A_42 : memref<26xf32, #tpu.memory_space<vmem>>) target_semaphore(%arg10 : memref<!tpu.dma_semaphore, #tpu.memory_space<semaphore_mem>>)
    %slice3A_46 = vector.extract_strided_slice %get3A_1 {offsets = [3], sizes = [1], strides = [1]} : vector<16xi32> to vector<1xi32>
    %squeeze3A_47 = vector.extract %slice3A_46[0] : i32 from vector<1xi32>
    %dma_start3A_48 = arith.constant 3 : i32
    %dma_start3A_49 = arith.constant 0 : i32
    %dma_start3A_50 = tpu.memref_slice %arg7[%dma_start3A_48, %dma_start3A_49] : memref<30x26xf32, #tpu.memory_space<vmem>> -> memref<1x26xf32, #tpu.memory_space<vmem>>
    %dma_start3A_51 = tpu.memref_squeeze %dma_start3A_50 : memref<1x26xf32, #tpu.memory_space<vmem>> -> memref<26xf32, #tpu.memory_space<vmem>>
    %dma_start3A_52 = arith.constant 0 : i32
    %dma_start3A_53 = tpu.memref_slice %arg4[%arg1, %squeeze3A_47, %dma_start3A_52] : memref<16x20000x26xf32, #tpu.memory_space<hbm>> -> memref<1x1x26xf32, #tpu.memory_space<hbm>>
    %dma_start3A_54 = tpu.memref_squeeze %dma_start3A_53 : memref<1x1x26xf32, #tpu.memory_space<hbm>> -> memref<26xf32, #tpu.memory_space<hbm>>
    %dma_start3A_55 = arith.constant 0 : i32
    %dma_start3A_56 = tpu.memref_slice %arg7[%dma_start3A_48, %dma_start3A_55] : memref<30x26xf32, #tpu.memory_space<vmem>> -> memref<1x26xf32, #tpu.memory_space<vmem>>
    %dma_start3A_57 = tpu.memref_squeeze %dma_start3A_56 : memref<1x26xf32, #tpu.memory_space<vmem>> -> memref<26xf32, #tpu.memory_space<vmem>>
    %dma_start3A_58 = arith.constant 0 : i32
    %dma_start3A_59 = tpu.memref_slice %arg4[%arg1, %squeeze3A_47, %dma_start3A_58] : memref<16x20000x26xf32, #tpu.memory_space<hbm>> -> memref<1x1x26xf32, #tpu.memory_space<hbm>>
    %dma_start3A_60 = tpu.memref_squeeze %dma_start3A_59 : memref<1x1x26xf32, #tpu.memory_space<hbm>> -> memref<26xf32, #tpu.memory_space<hbm>>
    tpu.enqueue_dma source(%dma_start3A_60 : memref<26xf32, #tpu.memory_space<hbm>>) target(%dma_start3A_57 : memref<26xf32, #tpu.memory_space<vmem>>) target_semaphore(%arg10 : memref<!tpu.dma_semaphore, #tpu.memory_space<semaphore_mem>>)
    %slice3A_61 = vector.extract_strided_slice %get3A_1 {offsets = [4], sizes = [1], strides = [1]} : vector<16xi32> to vector<1xi32>
    %squeeze3A_62 = vector.extract %slice3A_61[0] : i32 from vector<1xi32>
    %dma_start3A_63 = arith.constant 4 : i32
    %dma_start3A_64 = arith.constant 0 : i32
    %dma_start3A_65 = tpu.memref_slice %arg7[%dma_start3A_63, %dma_start3A_64] : memref<30x26xf32, #tpu.memory_space<vmem>> -> memref<1x26xf32, #tpu.memory_space<vmem>>
    %dma_start3A_66 = tpu.memref_squeeze %dma_start3A_65 : memref<1x26xf32, #tpu.memory_space<vmem>> -> memref<26xf32, #tpu.memory_space<vmem>>
    %dma_start3A_67 = arith.constant 0 : i32
    %dma_start3A_68 = tpu.memref_slice %arg4[%arg1, %squeeze3A_62, %dma_start3A_67] : memref<16x20000x26xf32, #tpu.memory_space<hbm>> -> memref<1x1x26xf32, #tpu.memory_space<hbm>>
    %dma_start3A_69 = tpu.memref_squeeze %dma_start3A_68 : memref<1x1x26xf32, #tpu.memory_space<hbm>> -> memref<26xf32, #tpu.memory_space<hbm>>
    %dma_start3A_70 = arith.constant 0 : i32
    %dma_start3A_71 = tpu.memref_slice %arg7[%dma_start3A_63, %dma_start3A_70] : memref<30x26xf32, #tpu.memory_space<vmem>> -> memref<1x26xf32, #tpu.memory_space<vmem>>
    %dma_start3A_72 = tpu.memref_squeeze %dma_start3A_71 : memref<1x26xf32, #tpu.memory_space<vmem>> -> memref<26xf32, #tpu.memory_space<vmem>>
    %dma_start3A_73 = arith.constant 0 : i32
    %dma_start3A_74 = tpu.memref_slice %arg4[%arg1, %squeeze3A_62, %dma_start3A_73] : memref<16x20000x26xf32, #tpu.memory_space<hbm>> -> memref<1x1x26xf32, #tpu.memory_space<hbm>>
    %dma_start3A_75 = tpu.memref_squeeze %dma_start3A_74 : memref<1x1x26xf32, #tpu.memory_space<hbm>> -> memref<26xf32, #tpu.memory_space<hbm>>
    tpu.enqueue_dma source(%dma_start3A_75 : memref<26xf32, #tpu.memory_space<hbm>>) target(%dma_start3A_72 : memref<26xf32, #tpu.memory_space<vmem>>) target_semaphore(%arg10 : memref<!tpu.dma_semaphore, #tpu.memory_space<semaphore_mem>>)
    %slice3A_76 = vector.extract_strided_slice %get3A_1 {offsets = [5], sizes = [1], strides = [1]} : vector<16xi32> to vector<1xi32>
    %squeeze3A_77 = vector.extract %slice3A_76[0] : i32 from vector<1xi32>
    %dma_start3A_78 = arith.constant 5 : i32
    %dma_start3A_79 = arith.constant 0 : i32
    %dma_start3A_80 = tpu.memref_slice %arg7[%dma_start3A_78, %dma_start3A_79] : memref<30x26xf32, #tpu.memory_space<vmem>> -> memref<1x26xf32, #tpu.memory_space<vmem>>
    %dma_start3A_81 = tpu.memref_squeeze %dma_start3A_80 : memref<1x26xf32, #tpu.memory_space<vmem>> -> memref<26xf32, #tpu.memory_space<vmem>>
    %dma_start3A_82 = arith.constant 0 : i32
    %dma_start3A_83 = tpu.memref_slice %arg4[%arg1, %squeeze3A_77, %dma_start3A_82] : memref<16x20000x26xf32, #tpu.memory_space<hbm>> -> memref<1x1x26xf32, #tpu.memory_space<hbm>>
    %dma_start3A_84 = tpu.memref_squeeze %dma_start3A_83 : memref<1x1x26xf32, #tpu.memory_space<hbm>> -> memref<26xf32, #tpu.memory_space<hbm>>
    %dma_start3A_85 = arith.constant 0 : i32
    %dma_start3A_86 = tpu.memref_slice %arg7[%dma_start3A_78, %dma_start3A_85] : memref<30x26xf32, #tpu.memory_space<vmem>> -> memref<1x26xf32, #tpu.memory_space<vmem>>
    %dma_start3A_87 = tpu.memref_squeeze %dma_start3A_86 : memref<1x26xf32, #tpu.memory_space<vmem>> -> memref<26xf32, #tpu.memory_space<vmem>>
    %dma_start3A_88 = arith.constant 0 : i32
    %dma_start3A_89 = tpu.memref_slice %arg4[%arg1, %squeeze3A_77, %dma_start3A_88] : memref<16x20000x26xf32, #tpu.memory_space<hbm>> -> memref<1x1x26xf32, #tpu.memory_space<hbm>>
    %dma_start3A_90 = tpu.memref_squeeze %dma_start3A_89 : memref<1x1x26xf32, #tpu.memory_space<hbm>> -> memref<26xf32, #tpu.memory_space<hbm>>
    tpu.enqueue_dma source(%dma_start3A_90 : memref<26xf32, #tpu.memory_space<hbm>>) target(%dma_start3A_87 : memref<26xf32, #tpu.memory_space<vmem>>) target_semaphore(%arg10 : memref<!tpu.dma_semaphore, #tpu.memory_space<semaphore_mem>>)
    %slice3A_91 = vector.extract_strided_slice %get3A_1 {offsets = [6], sizes = [1], strides = [1]} : vector<16xi32> to vector<1xi32>
    %squeeze3A_92 = vector.extract %slice3A_91[0] : i32 from vector<1xi32>
    %dma_start3A_93 = arith.constant 6 : i32
    %dma_start3A_94 = arith.constant 0 : i32
    %dma_start3A_95 = tpu.memref_slice %arg7[%dma_start3A_93, %dma_start3A_94] : memref<30x26xf32, #tpu.memory_space<vmem>> -> memref<1x26xf32, #tpu.memory_space<vmem>>
    %dma_start3A_96 = tpu.memref_squeeze %dma_start3A_95 : memref<1x26xf32, #tpu.memory_space<vmem>> -> memref<26xf32, #tpu.memory_space<vmem>>
    %dma_start3A_97 = arith.constant 0 : i32
    %dma_start3A_98 = tpu.memref_slice %arg4[%arg1, %squeeze3A_92, %dma_start3A_97] : memref<16x20000x26xf32, #tpu.memory_space<hbm>> -> memref<1x1x26xf32, #tpu.memory_space<hbm>>
    %dma_start3A_99 = tpu.memref_squeeze %dma_start3A_98 : memref<1x1x26xf32, #tpu.memory_space<hbm>> -> memref<26xf32, #tpu.memory_space<hbm>>
    %dma_start3A_100 = arith.constant 0 : i32
    %dma_start3A_101 = tpu.memref_slice %arg7[%dma_start3A_93, %dma_start3A_100] : memref<30x26xf32, #tpu.memory_space<vmem>> -> memref<1x26xf32, #tpu.memory_space<vmem>>
    %dma_start3A_102 = tpu.memref_squeeze %dma_start3A_101 : memref<1x26xf32, #tpu.memory_space<vmem>> -> memref<26xf32, #tpu.memory_space<vmem>>
    %dma_start3A_103 = arith.constant 0 : i32
    %dma_start3A_104 = tpu.memref_slice %arg4[%arg1, %squeeze3A_92, %dma_start3A_103] : memref<16x20000x26xf32, #tpu.memory_space<hbm>> -> memref<1x1x26xf32, #tpu.memory_space<hbm>>
    %dma_start3A_105 = tpu.memref_squeeze %dma_start3A_104 : memref<1x1x26xf32, #tpu.memory_space<hbm>> -> memref<26xf32, #tpu.memory_space<hbm>>
    tpu.enqueue_dma source(%dma_start3A_105 : memref<26xf32, #tpu.memory_space<hbm>>) target(%dma_start3A_102 : memref<26xf32, #tpu.memory_space<vmem>>) target_semaphore(%arg10 : memref<!tpu.dma_semaphore, #tpu.memory_space<semaphore_mem>>)
    %slice3A_106 = vector.extract_strided_slice %get3A_1 {offsets = [7], sizes = [1], strides = [1]} : vector<16xi32> to vector<1xi32>
    %squeeze3A_107 = vector.extract %slice3A_106[0] : i32 from vector<1xi32>
    %dma_start3A_108 = arith.constant 7 : i32
    %dma_start3A_109 = arith.constant 0 : i32
    %dma_start3A_110 = tpu.memref_slice %arg7[%dma_start3A_108, %dma_start3A_109] : memref<30x26xf32, #tpu.memory_space<vmem>> -> memref<1x26xf32, #tpu.memory_space<vmem>>
    %dma_start3A_111 = tpu.memref_squeeze %dma_start3A_110 : memref<1x26xf32, #tpu.memory_space<vmem>> -> memref<26xf32, #tpu.memory_space<vmem>>
    %dma_start3A_112 = arith.constant 0 : i32
    %dma_start3A_113 = tpu.memref_slice %arg4[%arg1, %squeeze3A_107, %dma_start3A_112] : memref<16x20000x26xf32, #tpu.memory_space<hbm>> -> memref<1x1x26xf32, #tpu.memory_space<hbm>>
    %dma_start3A_114 = tpu.memref_squeeze %dma_start3A_113 : memref<1x1x26xf32, #tpu.memory_space<hbm>> -> memref<26xf32, #tpu.memory_space<hbm>>
    %dma_start3A_115 = arith.constant 0 : i32
    %dma_start3A_116 = tpu.memref_slice %arg7[%dma_start3A_108, %dma_start3A_115] : memref<30x26xf32, #tpu.memory_space<vmem>> -> memref<1x26xf32, #tpu.memory_space<vmem>>
    %dma_start3A_117 = tpu.memref_squeeze %dma_start3A_116 : memref<1x26xf32, #tpu.memory_space<vmem>> -> memref<26xf32, #tpu.memory_space<vmem>>
    %dma_start3A_118 = arith.constant 0 : i32
    %dma_start3A_119 = tpu.memref_slice %arg4[%arg1, %squeeze3A_107, %dma_start3A_118] : memref<16x20000x26xf32, #tpu.memory_space<hbm>> -> memref<1x1x26xf32, #tpu.memory_space<hbm>>
    %dma_start3A_120 = tpu.memref_squeeze %dma_start3A_119 : memref<1x1x26xf32, #tpu.memory_space<hbm>> -> memref<26xf32, #tpu.memory_space<hbm>>
    tpu.enqueue_dma source(%dma_start3A_120 : memref<26xf32, #tpu.memory_space<hbm>>) target(%dma_start3A_117 : memref<26xf32, #tpu.memory_space<vmem>>) target_semaphore(%arg10 : memref<!tpu.dma_semaphore, #tpu.memory_space<semaphore_mem>>)
    %slice3A_121 = vector.extract_strided_slice %get3A_1 {offsets = [8], sizes = [1], strides = [1]} : vector<16xi32> to vector<1xi32>
    %squeeze3A_122 = vector.extract %slice3A_121[0] : i32 from vector<1xi32>
    %dma_start3A_123 = arith.constant 8 : i32
    %dma_start3A_124 = arith.constant 0 : i32
    %dma_start3A_125 = tpu.memref_slice %arg7[%dma_start3A_123, %dma_start3A_124] : memref<30x26xf32, #tpu.memory_space<vmem>> -> memref<1x26xf32, #tpu.memory_space<vmem>>
    %dma_start3A_126 = tpu.memref_squeeze %dma_start3A_125 : memref<1x26xf32, #tpu.memory_space<vmem>> -> memref<26xf32, #tpu.memory_space<vmem>>
    %dma_start3A_127 = arith.constant 0 : i32
    %dma_start3A_128 = tpu.memref_slice %arg4[%arg1, %squeeze3A_122, %dma_start3A_127] : memref<16x20000x26xf32, #tpu.memory_space<hbm>> -> memref<1x1x26xf32, #tpu.memory_space<hbm>>
    %dma_start3A_129 = tpu.memref_squeeze %dma_start3A_128 : memref<1x1x26xf32, #tpu.memory_space<hbm>> -> memref<26xf32, #tpu.memory_space<hbm>>
    %dma_start3A_130 = arith.constant 0 : i32
    %dma_start3A_131 = tpu.memref_slice %arg7[%dma_start3A_123, %dma_start3A_130] : memref<30x26xf32, #tpu.memory_space<vmem>> -> memref<1x26xf32, #tpu.memory_space<vmem>>
    %dma_start3A_132 = tpu.memref_squeeze %dma_start3A_131 : memref<1x26xf32, #tpu.memory_space<vmem>> -> memref<26xf32, #tpu.memory_space<vmem>>
    %dma_start3A_133 = arith.constant 0 : i32
    %dma_start3A_134 = tpu.memref_slice %arg4[%arg1, %squeeze3A_122, %dma_start3A_133] : memref<16x20000x26xf32, #tpu.memory_space<hbm>> -> memref<1x1x26xf32, #tpu.memory_space<hbm>>
    %dma_start3A_135 = tpu.memref_squeeze %dma_start3A_134 : memref<1x1x26xf32, #tpu.memory_space<hbm>> -> memref<26xf32, #tpu.memory_space<hbm>>
    tpu.enqueue_dma source(%dma_start3A_135 : memref<26xf32, #tpu.memory_space<hbm>>) target(%dma_start3A_132 : memref<26xf32, #tpu.memory_space<vmem>>) target_semaphore(%arg10 : memref<!tpu.dma_semaphore, #tpu.memory_space<semaphore_mem>>)
    %slice3A_136 = vector.extract_strided_slice %get3A_1 {offsets = [9], sizes = [1], strides = [1]} : vector<16xi32> to vector<1xi32>
    %squeeze3A_137 = vector.extract %slice3A_136[0] : i32 from vector<1xi32>
    %dma_start3A_138 = arith.constant 9 : i32
    %dma_start3A_139 = arith.constant 0 : i32
    %dma_start3A_140 = tpu.memref_slice %arg7[%dma_start3A_138, %dma_start3A_139] : memref<30x26xf32, #tpu.memory_space<vmem>> -> memref<1x26xf32, #tpu.memory_space<vmem>>
    %dma_start3A_141 = tpu.memref_squeeze %dma_start3A_140 : memref<1x26xf32, #tpu.memory_space<vmem>> -> memref<26xf32, #tpu.memory_space<vmem>>
    %dma_start3A_142 = arith.constant 0 : i32
    %dma_start3A_143 = tpu.memref_slice %arg4[%arg1, %squeeze3A_137, %dma_start3A_142] : memref<16x20000x26xf32, #tpu.memory_space<hbm>> -> memref<1x1x26xf32, #tpu.memory_space<hbm>>
    %dma_start3A_144 = tpu.memref_squeeze %dma_start3A_143 : memref<1x1x26xf32, #tpu.memory_space<hbm>> -> memref<26xf32, #tpu.memory_space<hbm>>
    %dma_start3A_145 = arith.constant 0 : i32
    %dma_start3A_146 = tpu.memref_slice %arg7[%dma_start3A_138, %dma_start3A_145] : memref<30x26xf32, #tpu.memory_space<vmem>> -> memref<1x26xf32, #tpu.memory_space<vmem>>
    %dma_start3A_147 = tpu.memref_squeeze %dma_start3A_146 : memref<1x26xf32, #tpu.memory_space<vmem>> -> memref<26xf32, #tpu.memory_space<vmem>>
    %dma_start3A_148 = arith.constant 0 : i32
    %dma_start3A_149 = tpu.memref_slice %arg4[%arg1, %squeeze3A_137, %dma_start3A_148] : memref<16x20000x26xf32, #tpu.memory_space<hbm>> -> memref<1x1x26xf32, #tpu.memory_space<hbm>>
    %dma_start3A_150 = tpu.memref_squeeze %dma_start3A_149 : memref<1x1x26xf32, #tpu.memory_space<hbm>> -> memref<26xf32, #tpu.memory_space<hbm>>
    tpu.enqueue_dma source(%dma_start3A_150 : memref<26xf32, #tpu.memory_space<hbm>>) target(%dma_start3A_147 : memref<26xf32, #tpu.memory_space<vmem>>) target_semaphore(%arg10 : memref<!tpu.dma_semaphore, #tpu.memory_space<semaphore_mem>>)
    %slice3A_151 = vector.extract_strided_slice %get3A_1 {offsets = [10], sizes = [1], strides = [1]} : vector<16xi32> to vector<1xi32>
    %squeeze3A_152 = vector.extract %slice3A_151[0] : i32 from vector<1xi32>
    %dma_start3A_153 = arith.constant 10 : i32
    %dma_start3A_154 = arith.constant 0 : i32
    %dma_start3A_155 = tpu.memref_slice %arg7[%dma_start3A_153, %dma_start3A_154] : memref<30x26xf32, #tpu.memory_space<vmem>> -> memref<1x26xf32, #tpu.memory_space<vmem>>
    %dma_start3A_156 = tpu.memref_squeeze %dma_start3A_155 : memref<1x26xf32, #tpu.memory_space<vmem>> -> memref<26xf32, #tpu.memory_space<vmem>>
    %dma_start3A_157 = arith.constant 0 : i32
    %dma_start3A_158 = tpu.memref_slice %arg4[%arg1, %squeeze3A_152, %dma_start3A_157] : memref<16x20000x26xf32, #tpu.memory_space<hbm>> -> memref<1x1x26xf32, #tpu.memory_space<hbm>>
    %dma_start3A_159 = tpu.memref_squeeze %dma_start3A_158 : memref<1x1x26xf32, #tpu.memory_space<hbm>> -> memref<26xf32, #tpu.memory_space<hbm>>
    %dma_start3A_160 = arith.constant 0 : i32
    %dma_start3A_161 = tpu.memref_slice %arg7[%dma_start3A_153, %dma_start3A_160] : memref<30x26xf32, #tpu.memory_space<vmem>> -> memref<1x26xf32, #tpu.memory_space<vmem>>
    %dma_start3A_162 = tpu.memref_squeeze %dma_start3A_161 : memref<1x26xf32, #tpu.memory_space<vmem>> -> memref<26xf32, #tpu.memory_space<vmem>>
    %dma_start3A_163 = arith.constant 0 : i32
    %dma_start3A_164 = tpu.memref_slice %arg4[%arg1, %squeeze3A_152, %dma_start3A_163] : memref<16x20000x26xf32, #tpu.memory_space<hbm>> -> memref<1x1x26xf32, #tpu.memory_space<hbm>>
    %dma_start3A_165 = tpu.memref_squeeze %dma_start3A_164 : memref<1x1x26xf32, #tpu.memory_space<hbm>> -> memref<26xf32, #tpu.memory_space<hbm>>
    tpu.enqueue_dma source(%dma_start3A_165 : memref<26xf32, #tpu.memory_space<hbm>>) target(%dma_start3A_162 : memref<26xf32, #tpu.memory_space<vmem>>) target_semaphore(%arg10 : memref<!tpu.dma_semaphore, #tpu.memory_space<semaphore_mem>>)
    %slice3A_166 = vector.extract_strided_slice %get3A_1 {offsets = [11], sizes = [1], strides = [1]} : vector<16xi32> to vector<1xi32>
    %squeeze3A_167 = vector.extract %slice3A_166[0] : i32 from vector<1xi32>
    %dma_start3A_168 = arith.constant 11 : i32
    %dma_start3A_169 = arith.constant 0 : i32
    %dma_start3A_170 = tpu.memref_slice %arg7[%dma_start3A_168, %dma_start3A_169] : memref<30x26xf32, #tpu.memory_space<vmem>> -> memref<1x26xf32, #tpu.memory_space<vmem>>
    %dma_start3A_171 = tpu.memref_squeeze %dma_start3A_170 : memref<1x26xf32, #tpu.memory_space<vmem>> -> memref<26xf32, #tpu.memory_space<vmem>>
    %dma_start3A_172 = arith.constant 0 : i32
    %dma_start3A_173 = tpu.memref_slice %arg4[%arg1, %squeeze3A_167, %dma_start3A_172] : memref<16x20000x26xf32, #tpu.memory_space<hbm>> -> memref<1x1x26xf32, #tpu.memory_space<hbm>>
    %dma_start3A_174 = tpu.memref_squeeze %dma_start3A_173 : memref<1x1x26xf32, #tpu.memory_space<hbm>> -> memref<26xf32, #tpu.memory_space<hbm>>
    %dma_start3A_175 = arith.constant 0 : i32
    %dma_start3A_176 = tpu.memref_slice %arg7[%dma_start3A_168, %dma_start3A_175] : memref<30x26xf32, #tpu.memory_space<vmem>> -> memref<1x26xf32, #tpu.memory_space<vmem>>
    %dma_start3A_177 = tpu.memref_squeeze %dma_start3A_176 : memref<1x26xf32, #tpu.memory_space<vmem>> -> memref<26xf32, #tpu.memory_space<vmem>>
    %dma_start3A_178 = arith.constant 0 : i32
    %dma_start3A_179 = tpu.memref_slice %arg4[%arg1, %squeeze3A_167, %dma_start3A_178] : memref<16x20000x26xf32, #tpu.memory_space<hbm>> -> memref<1x1x26xf32, #tpu.memory_space<hbm>>
    %dma_start3A_180 = tpu.memref_squeeze %dma_start3A_179 : memref<1x1x26xf32, #tpu.memory_space<hbm>> -> memref<26xf32, #tpu.memory_space<hbm>>
    tpu.enqueue_dma source(%dma_start3A_180 : memref<26xf32, #tpu.memory_space<hbm>>) target(%dma_start3A_177 : memref<26xf32, #tpu.memory_space<vmem>>) target_semaphore(%arg10 : memref<!tpu.dma_semaphore, #tpu.memory_space<semaphore_mem>>)
    %slice3A_181 = vector.extract_strided_slice %get3A_1 {offsets = [12], sizes = [1], strides = [1]} : vector<16xi32> to vector<1xi32>
    %squeeze3A_182 = vector.extract %slice3A_181[0] : i32 from vector<1xi32>
    %dma_start3A_183 = arith.constant 12 : i32
    %dma_start3A_184 = arith.constant 0 : i32
    %dma_start3A_185 = tpu.memref_slice %arg7[%dma_start3A_183, %dma_start3A_184] : memref<30x26xf32, #tpu.memory_space<vmem>> -> memref<1x26xf32, #tpu.memory_space<vmem>>
    %dma_start3A_186 = tpu.memref_squeeze %dma_start3A_185 : memref<1x26xf32, #tpu.memory_space<vmem>> -> memref<26xf32, #tpu.memory_space<vmem>>
    %dma_start3A_187 = arith.constant 0 : i32
    %dma_start3A_188 = tpu.memref_slice %arg4[%arg1, %squeeze3A_182, %dma_start3A_187] : memref<16x20000x26xf32, #tpu.memory_space<hbm>> -> memref<1x1x26xf32, #tpu.memory_space<hbm>>
    %dma_start3A_189 = tpu.memref_squeeze %dma_start3A_188 : memref<1x1x26xf32, #tpu.memory_space<hbm>> -> memref<26xf32, #tpu.memory_space<hbm>>
    %dma_start3A_190 = arith.constant 0 : i32
    %dma_start3A_191 = tpu.memref_slice %arg7[%dma_start3A_183, %dma_start3A_190] : memref<30x26xf32, #tpu.memory_space<vmem>> -> memref<1x26xf32, #tpu.memory_space<vmem>>
    %dma_start3A_192 = tpu.memref_squeeze %dma_start3A_191 : memref<1x26xf32, #tpu.memory_space<vmem>> -> memref<26xf32, #tpu.memory_space<vmem>>
    %dma_start3A_193 = arith.constant 0 : i32
    %dma_start3A_194 = tpu.memref_slice %arg4[%arg1, %squeeze3A_182, %dma_start3A_193] : memref<16x20000x26xf32, #tpu.memory_space<hbm>> -> memref<1x1x26xf32, #tpu.memory_space<hbm>>
    %dma_start3A_195 = tpu.memref_squeeze %dma_start3A_194 : memref<1x1x26xf32, #tpu.memory_space<hbm>> -> memref<26xf32, #tpu.memory_space<hbm>>
    tpu.enqueue_dma source(%dma_start3A_195 : memref<26xf32, #tpu.memory_space<hbm>>) target(%dma_start3A_192 : memref<26xf32, #tpu.memory_space<vmem>>) target_semaphore(%arg10 : memref<!tpu.dma_semaphore, #tpu.memory_space<semaphore_mem>>)
    %slice3A_196 = vector.extract_strided_slice %get3A_1 {offsets = [13], sizes = [1], strides = [1]} : vector<16xi32> to vector<1xi32>
    %squeeze3A_197 = vector.extract %slice3A_196[0] : i32 from vector<1xi32>
    %dma_start3A_198 = arith.constant 13 : i32
    %dma_start3A_199 = arith.constant 0 : i32
    %dma_start3A_200 = tpu.memref_slice %arg7[%dma_start3A_198, %dma_start3A_199] : memref<30x26xf32, #tpu.memory_space<vmem>> -> memref<1x26xf32, #tpu.memory_space<vmem>>
    %dma_start3A_201 = tpu.memref_squeeze %dma_start3A_200 : memref<1x26xf32, #tpu.memory_space<vmem>> -> memref<26xf32, #tpu.memory_space<vmem>>
    %dma_start3A_202 = arith.constant 0 : i32
    %dma_start3A_203 = tpu.memref_slice %arg4[%arg1, %squeeze3A_197, %dma_start3A_202] : memref<16x20000x26xf32, #tpu.memory_space<hbm>> -> memref<1x1x26xf32, #tpu.memory_space<hbm>>
    %dma_start3A_204 = tpu.memref_squeeze %dma_start3A_203 : memref<1x1x26xf32, #tpu.memory_space<hbm>> -> memref<26xf32, #tpu.memory_space<hbm>>
    %dma_start3A_205 = arith.constant 0 : i32
    %dma_start3A_206 = tpu.memref_slice %arg7[%dma_start3A_198, %dma_start3A_205] : memref<30x26xf32, #tpu.memory_space<vmem>> -> memref<1x26xf32, #tpu.memory_space<vmem>>
    %dma_start3A_207 = tpu.memref_squeeze %dma_start3A_206 : memref<1x26xf32, #tpu.memory_space<vmem>> -> memref<26xf32, #tpu.memory_space<vmem>>
    %dma_start3A_208 = arith.constant 0 : i32
    %dma_start3A_209 = tpu.memref_slice %arg4[%arg1, %squeeze3A_197, %dma_start3A_208] : memref<16x20000x26xf32, #tpu.memory_space<hbm>> -> memref<1x1x26xf32, #tpu.memory_space<hbm>>
    %dma_start3A_210 = tpu.memref_squeeze %dma_start3A_209 : memref<1x1x26xf32, #tpu.memory_space<hbm>> -> memref<26xf32, #tpu.memory_space<hbm>>
    tpu.enqueue_dma source(%dma_start3A_210 : memref<26xf32, #tpu.memory_space<hbm>>) target(%dma_start3A_207 : memref<26xf32, #tpu.memory_space<vmem>>) target_semaphore(%arg10 : memref<!tpu.dma_semaphore, #tpu.memory_space<semaphore_mem>>)
    %slice3A_211 = vector.extract_strided_slice %get3A_1 {offsets = [14], sizes = [1], strides = [1]} : vector<16xi32> to vector<1xi32>
    %squeeze3A_212 = vector.extract %slice3A_211[0] : i32 from vector<1xi32>
    %dma_start3A_213 = arith.constant 14 : i32
    %dma_start3A_214 = arith.constant 0 : i32
    %dma_start3A_215 = tpu.memref_slice %arg7[%dma_start3A_213, %dma_start3A_214] : memref<30x26xf32, #tpu.memory_space<vmem>> -> memref<1x26xf32, #tpu.memory_space<vmem>>
    %dma_start3A_216 = tpu.memref_squeeze %dma_start3A_215 : memref<1x26xf32, #tpu.memory_space<vmem>> -> memref<26xf32, #tpu.memory_space<vmem>>
    %dma_start3A_217 = arith.constant 0 : i32
    %dma_start3A_218 = tpu.memref_slice %arg4[%arg1, %squeeze3A_212, %dma_start3A_217] : memref<16x20000x26xf32, #tpu.memory_space<hbm>> -> memref<1x1x26xf32, #tpu.memory_space<hbm>>
    %dma_start3A_219 = tpu.memref_squeeze %dma_start3A_218 : memref<1x1x26xf32, #tpu.memory_space<hbm>> -> memref<26xf32, #tpu.memory_space<hbm>>
    %dma_start3A_220 = arith.constant 0 : i32
    %dma_start3A_221 = tpu.memref_slice %arg7[%dma_start3A_213, %dma_start3A_220] : memref<30x26xf32, #tpu.memory_space<vmem>> -> memref<1x26xf32, #tpu.memory_space<vmem>>
    %dma_start3A_222 = tpu.memref_squeeze %dma_start3A_221 : memref<1x26xf32, #tpu.memory_space<vmem>> -> memref<26xf32, #tpu.memory_space<vmem>>
    %dma_start3A_223 = arith.constant 0 : i32
    %dma_start3A_224 = tpu.memref_slice %arg4[%arg1, %squeeze3A_212, %dma_start3A_223] : memref<16x20000x26xf32, #tpu.memory_space<hbm>> -> memref<1x1x26xf32, #tpu.memory_space<hbm>>
    %dma_start3A_225 = tpu.memref_squeeze %dma_start3A_224 : memref<1x1x26xf32, #tpu.memory_space<hbm>> -> memref<26xf32, #tpu.memory_space<hbm>>
    tpu.enqueue_dma source(%dma_start3A_225 : memref<26xf32, #tpu.memory_space<hbm>>) target(%dma_start3A_222 : memref<26xf32, #tpu.memory_space<vmem>>) target_semaphore(%arg10 : memref<!tpu.dma_semaphore, #tpu.memory_space<semaphore_mem>>)
    %slice3A_226 = vector.extract_strided_slice %get3A_1 {offsets = [15], sizes = [1], strides = [1]} : vector<16xi32> to vector<1xi32>
    %squeeze3A_227 = vector.extract %slice3A_226[0] : i32 from vector<1xi32>
    %dma_start3A_228 = arith.constant 15 : i32
    %dma_start3A_229 = arith.constant 0 : i32
    %dma_start3A_230 = tpu.memref_slice %arg7[%dma_start3A_228, %dma_start3A_229] : memref<30x26xf32, #tpu.memory_space<vmem>> -> memref<1x26xf32, #tpu.memory_space<vmem>>
    %dma_start3A_231 = tpu.memref_squeeze %dma_start3A_230 : memref<1x26xf32, #tpu.memory_space<vmem>> -> memref<26xf32, #tpu.memory_space<vmem>>
    %dma_start3A_232 = arith.constant 0 : i32
    %dma_start3A_233 = tpu.memref_slice %arg4[%arg1, %squeeze3A_227, %dma_start3A_232] : memref<16x20000x26xf32, #tpu.memory_space<hbm>> -> memref<1x1x26xf32, #tpu.memory_space<hbm>>
    %dma_start3A_234 = tpu.memref_squeeze %dma_start3A_233 : memref<1x1x26xf32, #tpu.memory_space<hbm>> -> memref<26xf32, #tpu.memory_space<hbm>>
    %dma_start3A_235 = arith.constant 0 : i32
    %dma_start3A_236 = tpu.memref_slice %arg7[%dma_start3A_228, %dma_start3A_235] : memref<30x26xf32, #tpu.memory_space<vmem>> -> memref<1x26xf32, #tpu.memory_space<vmem>>
    %dma_start3A_237 = tpu.memref_squeeze %dma_start3A_236 : memref<1x26xf32, #tpu.memory_space<vmem>> -> memref<26xf32, #tpu.memory_space<vmem>>
    %dma_start3A_238 = arith.constant 0 : i32
    %dma_start3A_239 = tpu.memref_slice %arg4[%arg1, %squeeze3A_227, %dma_start3A_238] : memref<16x20000x26xf32, #tpu.memory_space<hbm>> -> memref<1x1x26xf32, #tpu.memory_space<hbm>>
    %dma_start3A_240 = tpu.memref_squeeze %dma_start3A_239 : memref<1x1x26xf32, #tpu.memory_space<hbm>> -> memref<26xf32, #tpu.memory_space<hbm>>
    tpu.enqueue_dma source(%dma_start3A_240 : memref<26xf32, #tpu.memory_space<hbm>>) target(%dma_start3A_237 : memref<26xf32, #tpu.memory_space<vmem>>) target_semaphore(%arg10 : memref<!tpu.dma_semaphore, #tpu.memory_space<semaphore_mem>>)
    %slice3A_241 = vector.extract_strided_slice %get3A_3 {offsets = [0], sizes = [1], strides = [1]} : vector<16xi32> to vector<1xi32>
    %squeeze3A_242 = vector.extract %slice3A_241[0] : i32 from vector<1xi32>
    %dma_start3A_243 = arith.constant 16 : i32
    %dma_start3A_244 = arith.constant 0 : i32
    %dma_start3A_245 = tpu.memref_slice %arg7[%dma_start3A_243, %dma_start3A_244] : memref<30x26xf32, #tpu.memory_space<vmem>> -> memref<1x26xf32, #tpu.memory_space<vmem>>
    %dma_start3A_246 = tpu.memref_squeeze %dma_start3A_245 : memref<1x26xf32, #tpu.memory_space<vmem>> -> memref<26xf32, #tpu.memory_space<vmem>>
    %dma_start3A_247 = arith.constant 0 : i32
    %dma_start3A_248 = tpu.memref_slice %arg4[%arg1, %squeeze3A_242, %dma_start3A_247] : memref<16x20000x26xf32, #tpu.memory_space<hbm>> -> memref<1x1x26xf32, #tpu.memory_space<hbm>>
    %dma_start3A_249 = tpu.memref_squeeze %dma_start3A_248 : memref<1x1x26xf32, #tpu.memory_space<hbm>> -> memref<26xf32, #tpu.memory_space<hbm>>
    %dma_start3A_250 = arith.constant 0 : i32
    %dma_start3A_251 = tpu.memref_slice %arg7[%dma_start3A_243, %dma_start3A_250] : memref<30x26xf32, #tpu.memory_space<vmem>> -> memref<1x26xf32, #tpu.memory_space<vmem>>
    %dma_start3A_252 = tpu.memref_squeeze %dma_start3A_251 : memref<1x26xf32, #tpu.memory_space<vmem>> -> memref<26xf32, #tpu.memory_space<vmem>>
    %dma_start3A_253 = arith.constant 0 : i32
    %dma_start3A_254 = tpu.memref_slice %arg4[%arg1, %squeeze3A_242, %dma_start3A_253] : memref<16x20000x26xf32, #tpu.memory_space<hbm>> -> memref<1x1x26xf32, #tpu.memory_space<hbm>>
    %dma_start3A_255 = tpu.memref_squeeze %dma_start3A_254 : memref<1x1x26xf32, #tpu.memory_space<hbm>> -> memref<26xf32, #tpu.memory_space<hbm>>
    tpu.enqueue_dma source(%dma_start3A_255 : memref<26xf32, #tpu.memory_space<hbm>>) target(%dma_start3A_252 : memref<26xf32, #tpu.memory_space<vmem>>) target_semaphore(%arg10 : memref<!tpu.dma_semaphore, #tpu.memory_space<semaphore_mem>>)
    %slice3A_256 = vector.extract_strided_slice %get3A_3 {offsets = [1], sizes = [1], strides = [1]} : vector<16xi32> to vector<1xi32>
    %squeeze3A_257 = vector.extract %slice3A_256[0] : i32 from vector<1xi32>
    %dma_start3A_258 = arith.constant 17 : i32
    %dma_start3A_259 = arith.constant 0 : i32
    %dma_start3A_260 = tpu.memref_slice %arg7[%dma_start3A_258, %dma_start3A_259] : memref<30x26xf32, #tpu.memory_space<vmem>> -> memref<1x26xf32, #tpu.memory_space<vmem>>
    %dma_start3A_261 = tpu.memref_squeeze %dma_start3A_260 : memref<1x26xf32, #tpu.memory_space<vmem>> -> memref<26xf32, #tpu.memory_space<vmem>>
    %dma_start3A_262 = arith.constant 0 : i32
    %dma_start3A_263 = tpu.memref_slice %arg4[%arg1, %squeeze3A_257, %dma_start3A_262] : memref<16x20000x26xf32, #tpu.memory_space<hbm>> -> memref<1x1x26xf32, #tpu.memory_space<hbm>>
    %dma_start3A_264 = tpu.memref_squeeze %dma_start3A_263 : memref<1x1x26xf32, #tpu.memory_space<hbm>> -> memref<26xf32, #tpu.memory_space<hbm>>
    %dma_start3A_265 = arith.constant 0 : i32
    %dma_start3A_266 = tpu.memref_slice %arg7[%dma_start3A_258, %dma_start3A_265] : memref<30x26xf32, #tpu.memory_space<vmem>> -> memref<1x26xf32, #tpu.memory_space<vmem>>
    %dma_start3A_267 = tpu.memref_squeeze %dma_start3A_266 : memref<1x26xf32, #tpu.memory_space<vmem>> -> memref<26xf32, #tpu.memory_space<vmem>>
    %dma_start3A_268 = arith.constant 0 : i32
    %dma_start3A_269 = tpu.memref_slice %arg4[%arg1, %squeeze3A_257, %dma_start3A_268] : memref<16x20000x26xf32, #tpu.memory_space<hbm>> -> memref<1x1x26xf32, #tpu.memory_space<hbm>>
    %dma_start3A_270 = tpu.memref_squeeze %dma_start3A_269 : memref<1x1x26xf32, #tpu.memory_space<hbm>> -> memref<26xf32, #tpu.memory_space<hbm>>
    tpu.enqueue_dma source(%dma_start3A_270 : memref<26xf32, #tpu.memory_space<hbm>>) target(%dma_start3A_267 : memref<26xf32, #tpu.memory_space<vmem>>) target_semaphore(%arg10 : memref<!tpu.dma_semaphore, #tpu.memory_space<semaphore_mem>>)
    %slice3A_271 = vector.extract_strided_slice %get3A_3 {offsets = [2], sizes = [1], strides = [1]} : vector<16xi32> to vector<1xi32>
    %squeeze3A_272 = vector.extract %slice3A_271[0] : i32 from vector<1xi32>
    %dma_start3A_273 = arith.constant 18 : i32
    %dma_start3A_274 = arith.constant 0 : i32
    %dma_start3A_275 = tpu.memref_slice %arg7[%dma_start3A_273, %dma_start3A_274] : memref<30x26xf32, #tpu.memory_space<vmem>> -> memref<1x26xf32, #tpu.memory_space<vmem>>
    %dma_start3A_276 = tpu.memref_squeeze %dma_start3A_275 : memref<1x26xf32, #tpu.memory_space<vmem>> -> memref<26xf32, #tpu.memory_space<vmem>>
    %dma_start3A_277 = arith.constant 0 : i32
    %dma_start3A_278 = tpu.memref_slice %arg4[%arg1, %squeeze3A_272, %dma_start3A_277] : memref<16x20000x26xf32, #tpu.memory_space<hbm>> -> memref<1x1x26xf32, #tpu.memory_space<hbm>>
    %dma_start3A_279 = tpu.memref_squeeze %dma_start3A_278 : memref<1x1x26xf32, #tpu.memory_space<hbm>> -> memref<26xf32, #tpu.memory_space<hbm>>
    %dma_start3A_280 = arith.constant 0 : i32
    %dma_start3A_281 = tpu.memref_slice %arg7[%dma_start3A_273, %dma_start3A_280] : memref<30x26xf32, #tpu.memory_space<vmem>> -> memref<1x26xf32, #tpu.memory_space<vmem>>
    %dma_start3A_282 = tpu.memref_squeeze %dma_start3A_281 : memref<1x26xf32, #tpu.memory_space<vmem>> -> memref<26xf32, #tpu.memory_space<vmem>>
    %dma_start3A_283 = arith.constant 0 : i32
    %dma_start3A_284 = tpu.memref_slice %arg4[%arg1, %squeeze3A_272, %dma_start3A_283] : memref<16x20000x26xf32, #tpu.memory_space<hbm>> -> memref<1x1x26xf32, #tpu.memory_space<hbm>>
    %dma_start3A_285 = tpu.memref_squeeze %dma_start3A_284 : memref<1x1x26xf32, #tpu.memory_space<hbm>> -> memref<26xf32, #tpu.memory_space<hbm>>
    tpu.enqueue_dma source(%dma_start3A_285 : memref<26xf32, #tpu.memory_space<hbm>>) target(%dma_start3A_282 : memref<26xf32, #tpu.memory_space<vmem>>) target_semaphore(%arg10 : memref<!tpu.dma_semaphore, #tpu.memory_space<semaphore_mem>>)
    %slice3A_286 = vector.extract_strided_slice %get3A_3 {offsets = [3], sizes = [1], strides = [1]} : vector<16xi32> to vector<1xi32>
    %squeeze3A_287 = vector.extract %slice3A_286[0] : i32 from vector<1xi32>
    %dma_start3A_288 = arith.constant 19 : i32
    %dma_start3A_289 = arith.constant 0 : i32
    %dma_start3A_290 = tpu.memref_slice %arg7[%dma_start3A_288, %dma_start3A_289] : memref<30x26xf32, #tpu.memory_space<vmem>> -> memref<1x26xf32, #tpu.memory_space<vmem>>
    %dma_start3A_291 = tpu.memref_squeeze %dma_start3A_290 : memref<1x26xf32, #tpu.memory_space<vmem>> -> memref<26xf32, #tpu.memory_space<vmem>>
    %dma_start3A_292 = arith.constant 0 : i32
    %dma_start3A_293 = tpu.memref_slice %arg4[%arg1, %squeeze3A_287, %dma_start3A_292] : memref<16x20000x26xf32, #tpu.memory_space<hbm>> -> memref<1x1x26xf32, #tpu.memory_space<hbm>>
    %dma_start3A_294 = tpu.memref_squeeze %dma_start3A_293 : memref<1x1x26xf32, #tpu.memory_space<hbm>> -> memref<26xf32, #tpu.memory_space<hbm>>
    %dma_start3A_295 = arith.constant 0 : i32
    %dma_start3A_296 = tpu.memref_slice %arg7[%dma_start3A_288, %dma_start3A_295] : memref<30x26xf32, #tpu.memory_space<vmem>> -> memref<1x26xf32, #tpu.memory_space<vmem>>
    %dma_start3A_297 = tpu.memref_squeeze %dma_start3A_296 : memref<1x26xf32, #tpu.memory_space<vmem>> -> memref<26xf32, #tpu.memory_space<vmem>>
    %dma_start3A_298 = arith.constant 0 : i32
    %dma_start3A_299 = tpu.memref_slice %arg4[%arg1, %squeeze3A_287, %dma_start3A_298] : memref<16x20000x26xf32, #tpu.memory_space<hbm>> -> memref<1x1x26xf32, #tpu.memory_space<hbm>>
    %dma_start3A_300 = tpu.memref_squeeze %dma_start3A_299 : memref<1x1x26xf32, #tpu.memory_space<hbm>> -> memref<26xf32, #tpu.memory_space<hbm>>
    tpu.enqueue_dma source(%dma_start3A_300 : memref<26xf32, #tpu.memory_space<hbm>>) target(%dma_start3A_297 : memref<26xf32, #tpu.memory_space<vmem>>) target_semaphore(%arg10 : memref<!tpu.dma_semaphore, #tpu.memory_space<semaphore_mem>>)
    %slice3A_301 = vector.extract_strided_slice %get3A_3 {offsets = [4], sizes = [1], strides = [1]} : vector<16xi32> to vector<1xi32>
    %squeeze3A_302 = vector.extract %slice3A_301[0] : i32 from vector<1xi32>
    %dma_start3A_303 = arith.constant 20 : i32
    %dma_start3A_304 = arith.constant 0 : i32
    %dma_start3A_305 = tpu.memref_slice %arg7[%dma_start3A_303, %dma_start3A_304] : memref<30x26xf32, #tpu.memory_space<vmem>> -> memref<1x26xf32, #tpu.memory_space<vmem>>
    %dma_start3A_306 = tpu.memref_squeeze %dma_start3A_305 : memref<1x26xf32, #tpu.memory_space<vmem>> -> memref<26xf32, #tpu.memory_space<vmem>>
    %dma_start3A_307 = arith.constant 0 : i32
    %dma_start3A_308 = tpu.memref_slice %arg4[%arg1, %squeeze3A_302, %dma_start3A_307] : memref<16x20000x26xf32, #tpu.memory_space<hbm>> -> memref<1x1x26xf32, #tpu.memory_space<hbm>>
    %dma_start3A_309 = tpu.memref_squeeze %dma_start3A_308 : memref<1x1x26xf32, #tpu.memory_space<hbm>> -> memref<26xf32, #tpu.memory_space<hbm>>
    %dma_start3A_310 = arith.constant 0 : i32
    %dma_start3A_311 = tpu.memref_slice %arg7[%dma_start3A_303, %dma_start3A_310] : memref<30x26xf32, #tpu.memory_space<vmem>> -> memref<1x26xf32, #tpu.memory_space<vmem>>
    %dma_start3A_312 = tpu.memref_squeeze %dma_start3A_311 : memref<1x26xf32, #tpu.memory_space<vmem>> -> memref<26xf32, #tpu.memory_space<vmem>>
    %dma_start3A_313 = arith.constant 0 : i32
    %dma_start3A_314 = tpu.memref_slice %arg4[%arg1, %squeeze3A_302, %dma_start3A_313] : memref<16x20000x26xf32, #tpu.memory_space<hbm>> -> memref<1x1x26xf32, #tpu.memory_space<hbm>>
    %dma_start3A_315 = tpu.memref_squeeze %dma_start3A_314 : memref<1x1x26xf32, #tpu.memory_space<hbm>> -> memref<26xf32, #tpu.memory_space<hbm>>
    tpu.enqueue_dma source(%dma_start3A_315 : memref<26xf32, #tpu.memory_space<hbm>>) target(%dma_start3A_312 : memref<26xf32, #tpu.memory_space<vmem>>) target_semaphore(%arg10 : memref<!tpu.dma_semaphore, #tpu.memory_space<semaphore_mem>>)
    %slice3A_316 = vector.extract_strided_slice %get3A_3 {offsets = [5], sizes = [1], strides = [1]} : vector<16xi32> to vector<1xi32>
    %squeeze3A_317 = vector.extract %slice3A_316[0] : i32 from vector<1xi32>
    %dma_start3A_318 = arith.constant 21 : i32
    %dma_start3A_319 = arith.constant 0 : i32
    %dma_start3A_320 = tpu.memref_slice %arg7[%dma_start3A_318, %dma_start3A_319] : memref<30x26xf32, #tpu.memory_space<vmem>> -> memref<1x26xf32, #tpu.memory_space<vmem>>
    %dma_start3A_321 = tpu.memref_squeeze %dma_start3A_320 : memref<1x26xf32, #tpu.memory_space<vmem>> -> memref<26xf32, #tpu.memory_space<vmem>>
    %dma_start3A_322 = arith.constant 0 : i32
    %dma_start3A_323 = tpu.memref_slice %arg4[%arg1, %squeeze3A_317, %dma_start3A_322] : memref<16x20000x26xf32, #tpu.memory_space<hbm>> -> memref<1x1x26xf32, #tpu.memory_space<hbm>>
    %dma_start3A_324 = tpu.memref_squeeze %dma_start3A_323 : memref<1x1x26xf32, #tpu.memory_space<hbm>> -> memref<26xf32, #tpu.memory_space<hbm>>
    %dma_start3A_325 = arith.constant 0 : i32
    %dma_start3A_326 = tpu.memref_slice %arg7[%dma_start3A_318, %dma_start3A_325] : memref<30x26xf32, #tpu.memory_space<vmem>> -> memref<1x26xf32, #tpu.memory_space<vmem>>
    %dma_start3A_327 = tpu.memref_squeeze %dma_start3A_326 : memref<1x26xf32, #tpu.memory_space<vmem>> -> memref<26xf32, #tpu.memory_space<vmem>>
    %dma_start3A_328 = arith.constant 0 : i32
    %dma_start3A_329 = tpu.memref_slice %arg4[%arg1, %squeeze3A_317, %dma_start3A_328] : memref<16x20000x26xf32, #tpu.memory_space<hbm>> -> memref<1x1x26xf32, #tpu.memory_space<hbm>>
    %dma_start3A_330 = tpu.memref_squeeze %dma_start3A_329 : memref<1x1x26xf32, #tpu.memory_space<hbm>> -> memref<26xf32, #tpu.memory_space<hbm>>
    tpu.enqueue_dma source(%dma_start3A_330 : memref<26xf32, #tpu.memory_space<hbm>>) target(%dma_start3A_327 : memref<26xf32, #tpu.memory_space<vmem>>) target_semaphore(%arg10 : memref<!tpu.dma_semaphore, #tpu.memory_space<semaphore_mem>>)
    %slice3A_331 = vector.extract_strided_slice %get3A_3 {offsets = [6], sizes = [1], strides = [1]} : vector<16xi32> to vector<1xi32>
    %squeeze3A_332 = vector.extract %slice3A_331[0] : i32 from vector<1xi32>
    %dma_start3A_333 = arith.constant 22 : i32
    %dma_start3A_334 = arith.constant 0 : i32
    %dma_start3A_335 = tpu.memref_slice %arg7[%dma_start3A_333, %dma_start3A_334] : memref<30x26xf32, #tpu.memory_space<vmem>> -> memref<1x26xf32, #tpu.memory_space<vmem>>
    %dma_start3A_336 = tpu.memref_squeeze %dma_start3A_335 : memref<1x26xf32, #tpu.memory_space<vmem>> -> memref<26xf32, #tpu.memory_space<vmem>>
    %dma_start3A_337 = arith.constant 0 : i32
    %dma_start3A_338 = tpu.memref_slice %arg4[%arg1, %squeeze3A_332, %dma_start3A_337] : memref<16x20000x26xf32, #tpu.memory_space<hbm>> -> memref<1x1x26xf32, #tpu.memory_space<hbm>>
    %dma_start3A_339 = tpu.memref_squeeze %dma_start3A_338 : memref<1x1x26xf32, #tpu.memory_space<hbm>> -> memref<26xf32, #tpu.memory_space<hbm>>
    %dma_start3A_340 = arith.constant 0 : i32
    %dma_start3A_341 = tpu.memref_slice %arg7[%dma_start3A_333, %dma_start3A_340] : memref<30x26xf32, #tpu.memory_space<vmem>> -> memref<1x26xf32, #tpu.memory_space<vmem>>
    %dma_start3A_342 = tpu.memref_squeeze %dma_start3A_341 : memref<1x26xf32, #tpu.memory_space<vmem>> -> memref<26xf32, #tpu.memory_space<vmem>>
    %dma_start3A_343 = arith.constant 0 : i32
    %dma_start3A_344 = tpu.memref_slice %arg4[%arg1, %squeeze3A_332, %dma_start3A_343] : memref<16x20000x26xf32, #tpu.memory_space<hbm>> -> memref<1x1x26xf32, #tpu.memory_space<hbm>>
    %dma_start3A_345 = tpu.memref_squeeze %dma_start3A_344 : memref<1x1x26xf32, #tpu.memory_space<hbm>> -> memref<26xf32, #tpu.memory_space<hbm>>
    tpu.enqueue_dma source(%dma_start3A_345 : memref<26xf32, #tpu.memory_space<hbm>>) target(%dma_start3A_342 : memref<26xf32, #tpu.memory_space<vmem>>) target_semaphore(%arg10 : memref<!tpu.dma_semaphore, #tpu.memory_space<semaphore_mem>>)
    %slice3A_346 = vector.extract_strided_slice %get3A_3 {offsets = [7], sizes = [1], strides = [1]} : vector<16xi32> to vector<1xi32>
    %squeeze3A_347 = vector.extract %slice3A_346[0] : i32 from vector<1xi32>
    %dma_start3A_348 = arith.constant 23 : i32
    %dma_start3A_349 = arith.constant 0 : i32
    %dma_start3A_350 = tpu.memref_slice %arg7[%dma_start3A_348, %dma_start3A_349] : memref<30x26xf32, #tpu.memory_space<vmem>> -> memref<1x26xf32, #tpu.memory_space<vmem>>
    %dma_start3A_351 = tpu.memref_squeeze %dma_start3A_350 : memref<1x26xf32, #tpu.memory_space<vmem>> -> memref<26xf32, #tpu.memory_space<vmem>>
    %dma_start3A_352 = arith.constant 0 : i32
    %dma_start3A_353 = tpu.memref_slice %arg4[%arg1, %squeeze3A_347, %dma_start3A_352] : memref<16x20000x26xf32, #tpu.memory_space<hbm>> -> memref<1x1x26xf32, #tpu.memory_space<hbm>>
    %dma_start3A_354 = tpu.memref_squeeze %dma_start3A_353 : memref<1x1x26xf32, #tpu.memory_space<hbm>> -> memref<26xf32, #tpu.memory_space<hbm>>
    %dma_start3A_355 = arith.constant 0 : i32
    %dma_start3A_356 = tpu.memref_slice %arg7[%dma_start3A_348, %dma_start3A_355] : memref<30x26xf32, #tpu.memory_space<vmem>> -> memref<1x26xf32, #tpu.memory_space<vmem>>
    %dma_start3A_357 = tpu.memref_squeeze %dma_start3A_356 : memref<1x26xf32, #tpu.memory_space<vmem>> -> memref<26xf32, #tpu.memory_space<vmem>>
    %dma_start3A_358 = arith.constant 0 : i32
    %dma_start3A_359 = tpu.memref_slice %arg4[%arg1, %squeeze3A_347, %dma_start3A_358] : memref<16x20000x26xf32, #tpu.memory_space<hbm>> -> memref<1x1x26xf32, #tpu.memory_space<hbm>>
    %dma_start3A_360 = tpu.memref_squeeze %dma_start3A_359 : memref<1x1x26xf32, #tpu.memory_space<hbm>> -> memref<26xf32, #tpu.memory_space<hbm>>
    tpu.enqueue_dma source(%dma_start3A_360 : memref<26xf32, #tpu.memory_space<hbm>>) target(%dma_start3A_357 : memref<26xf32, #tpu.memory_space<vmem>>) target_semaphore(%arg10 : memref<!tpu.dma_semaphore, #tpu.memory_space<semaphore_mem>>)
    %slice3A_361 = vector.extract_strided_slice %get3A_3 {offsets = [8], sizes = [1], strides = [1]} : vector<16xi32> to vector<1xi32>
    %squeeze3A_362 = vector.extract %slice3A_361[0] : i32 from vector<1xi32>
    %dma_start3A_363 = arith.constant 24 : i32
    %dma_start3A_364 = arith.constant 0 : i32
    %dma_start3A_365 = tpu.memref_slice %arg7[%dma_start3A_363, %dma_start3A_364] : memref<30x26xf32, #tpu.memory_space<vmem>> -> memref<1x26xf32, #tpu.memory_space<vmem>>
    %dma_start3A_366 = tpu.memref_squeeze %dma_start3A_365 : memref<1x26xf32, #tpu.memory_space<vmem>> -> memref<26xf32, #tpu.memory_space<vmem>>
    %dma_start3A_367 = arith.constant 0 : i32
    %dma_start3A_368 = tpu.memref_slice %arg4[%arg1, %squeeze3A_362, %dma_start3A_367] : memref<16x20000x26xf32, #tpu.memory_space<hbm>> -> memref<1x1x26xf32, #tpu.memory_space<hbm>>
    %dma_start3A_369 = tpu.memref_squeeze %dma_start3A_368 : memref<1x1x26xf32, #tpu.memory_space<hbm>> -> memref<26xf32, #tpu.memory_space<hbm>>
    %dma_start3A_370 = arith.constant 0 : i32
    %dma_start3A_371 = tpu.memref_slice %arg7[%dma_start3A_363, %dma_start3A_370] : memref<30x26xf32, #tpu.memory_space<vmem>> -> memref<1x26xf32, #tpu.memory_space<vmem>>
    %dma_start3A_372 = tpu.memref_squeeze %dma_start3A_371 : memref<1x26xf32, #tpu.memory_space<vmem>> -> memref<26xf32, #tpu.memory_space<vmem>>
    %dma_start3A_373 = arith.constant 0 : i32
    %dma_start3A_374 = tpu.memref_slice %arg4[%arg1, %squeeze3A_362, %dma_start3A_373] : memref<16x20000x26xf32, #tpu.memory_space<hbm>> -> memref<1x1x26xf32, #tpu.memory_space<hbm>>
    %dma_start3A_375 = tpu.memref_squeeze %dma_start3A_374 : memref<1x1x26xf32, #tpu.memory_space<hbm>> -> memref<26xf32, #tpu.memory_space<hbm>>
    tpu.enqueue_dma source(%dma_start3A_375 : memref<26xf32, #tpu.memory_space<hbm>>) target(%dma_start3A_372 : memref<26xf32, #tpu.memory_space<vmem>>) target_semaphore(%arg10 : memref<!tpu.dma_semaphore, #tpu.memory_space<semaphore_mem>>)
    %slice3A_376 = vector.extract_strided_slice %get3A_3 {offsets = [9], sizes = [1], strides = [1]} : vector<16xi32> to vector<1xi32>
    %squeeze3A_377 = vector.extract %slice3A_376[0] : i32 from vector<1xi32>
    %dma_start3A_378 = arith.constant 25 : i32
    %dma_start3A_379 = arith.constant 0 : i32
    %dma_start3A_380 = tpu.memref_slice %arg7[%dma_start3A_378, %dma_start3A_379] : memref<30x26xf32, #tpu.memory_space<vmem>> -> memref<1x26xf32, #tpu.memory_space<vmem>>
    %dma_start3A_381 = tpu.memref_squeeze %dma_start3A_380 : memref<1x26xf32, #tpu.memory_space<vmem>> -> memref<26xf32, #tpu.memory_space<vmem>>
    %dma_start3A_382 = arith.constant 0 : i32
    %dma_start3A_383 = tpu.memref_slice %arg4[%arg1, %squeeze3A_377, %dma_start3A_382] : memref<16x20000x26xf32, #tpu.memory_space<hbm>> -> memref<1x1x26xf32, #tpu.memory_space<hbm>>
    %dma_start3A_384 = tpu.memref_squeeze %dma_start3A_383 : memref<1x1x26xf32, #tpu.memory_space<hbm>> -> memref<26xf32, #tpu.memory_space<hbm>>
    %dma_start3A_385 = arith.constant 0 : i32
    %dma_start3A_386 = tpu.memref_slice %arg7[%dma_start3A_378, %dma_start3A_385] : memref<30x26xf32, #tpu.memory_space<vmem>> -> memref<1x26xf32, #tpu.memory_space<vmem>>
    %dma_start3A_387 = tpu.memref_squeeze %dma_start3A_386 : memref<1x26xf32, #tpu.memory_space<vmem>> -> memref<26xf32, #tpu.memory_space<vmem>>
    %dma_start3A_388 = arith.constant 0 : i32
    %dma_start3A_389 = tpu.memref_slice %arg4[%arg1, %squeeze3A_377, %dma_start3A_388] : memref<16x20000x26xf32, #tpu.memory_space<hbm>> -> memref<1x1x26xf32, #tpu.memory_space<hbm>>
    %dma_start3A_390 = tpu.memref_squeeze %dma_start3A_389 : memref<1x1x26xf32, #tpu.memory_space<hbm>> -> memref<26xf32, #tpu.memory_space<hbm>>
    tpu.enqueue_dma source(%dma_start3A_390 : memref<26xf32, #tpu.memory_space<hbm>>) target(%dma_start3A_387 : memref<26xf32, #tpu.memory_space<vmem>>) target_semaphore(%arg10 : memref<!tpu.dma_semaphore, #tpu.memory_space<semaphore_mem>>)
    %slice3A_391 = vector.extract_strided_slice %get3A_3 {offsets = [10], sizes = [1], strides = [1]} : vector<16xi32> to vector<1xi32>
    %squeeze3A_392 = vector.extract %slice3A_391[0] : i32 from vector<1xi32>
    %dma_start3A_393 = arith.constant 26 : i32
    %dma_start3A_394 = arith.constant 0 : i32
    %dma_start3A_395 = tpu.memref_slice %arg7[%dma_start3A_393, %dma_start3A_394] : memref<30x26xf32, #tpu.memory_space<vmem>> -> memref<1x26xf32, #tpu.memory_space<vmem>>
    %dma_start3A_396 = tpu.memref_squeeze %dma_start3A_395 : memref<1x26xf32, #tpu.memory_space<vmem>> -> memref<26xf32, #tpu.memory_space<vmem>>
    %dma_start3A_397 = arith.constant 0 : i32
    %dma_start3A_398 = tpu.memref_slice %arg4[%arg1, %squeeze3A_392, %dma_start3A_397] : memref<16x20000x26xf32, #tpu.memory_space<hbm>> -> memref<1x1x26xf32, #tpu.memory_space<hbm>>
    %dma_start3A_399 = tpu.memref_squeeze %dma_start3A_398 : memref<1x1x26xf32, #tpu.memory_space<hbm>> -> memref<26xf32, #tpu.memory_space<hbm>>
    %dma_start3A_400 = arith.constant 0 : i32
    %dma_start3A_401 = tpu.memref_slice %arg7[%dma_start3A_393, %dma_start3A_400] : memref<30x26xf32, #tpu.memory_space<vmem>> -> memref<1x26xf32, #tpu.memory_space<vmem>>
    %dma_start3A_402 = tpu.memref_squeeze %dma_start3A_401 : memref<1x26xf32, #tpu.memory_space<vmem>> -> memref<26xf32, #tpu.memory_space<vmem>>
    %dma_start3A_403 = arith.constant 0 : i32
    %dma_start3A_404 = tpu.memref_slice %arg4[%arg1, %squeeze3A_392, %dma_start3A_403] : memref<16x20000x26xf32, #tpu.memory_space<hbm>> -> memref<1x1x26xf32, #tpu.memory_space<hbm>>
    %dma_start3A_405 = tpu.memref_squeeze %dma_start3A_404 : memref<1x1x26xf32, #tpu.memory_space<hbm>> -> memref<26xf32, #tpu.memory_space<hbm>>
    tpu.enqueue_dma source(%dma_start3A_405 : memref<26xf32, #tpu.memory_space<hbm>>) target(%dma_start3A_402 : memref<26xf32, #tpu.memory_space<vmem>>) target_semaphore(%arg10 : memref<!tpu.dma_semaphore, #tpu.memory_space<semaphore_mem>>)
    %slice3A_406 = vector.extract_strided_slice %get3A_3 {offsets = [11], sizes = [1], strides = [1]} : vector<16xi32> to vector<1xi32>
    %squeeze3A_407 = vector.extract %slice3A_406[0] : i32 from vector<1xi32>
    %dma_start3A_408 = arith.constant 27 : i32
    %dma_start3A_409 = arith.constant 0 : i32
    %dma_start3A_410 = tpu.memref_slice %arg7[%dma_start3A_408, %dma_start3A_409] : memref<30x26xf32, #tpu.memory_space<vmem>> -> memref<1x26xf32, #tpu.memory_space<vmem>>
    %dma_start3A_411 = tpu.memref_squeeze %dma_start3A_410 : memref<1x26xf32, #tpu.memory_space<vmem>> -> memref<26xf32, #tpu.memory_space<vmem>>
    %dma_start3A_412 = arith.constant 0 : i32
    %dma_start3A_413 = tpu.memref_slice %arg4[%arg1, %squeeze3A_407, %dma_start3A_412] : memref<16x20000x26xf32, #tpu.memory_space<hbm>> -> memref<1x1x26xf32, #tpu.memory_space<hbm>>
    %dma_start3A_414 = tpu.memref_squeeze %dma_start3A_413 : memref<1x1x26xf32, #tpu.memory_space<hbm>> -> memref<26xf32, #tpu.memory_space<hbm>>
    %dma_start3A_415 = arith.constant 0 : i32
    %dma_start3A_416 = tpu.memref_slice %arg7[%dma_start3A_408, %dma_start3A_415] : memref<30x26xf32, #tpu.memory_space<vmem>> -> memref<1x26xf32, #tpu.memory_space<vmem>>
    %dma_start3A_417 = tpu.memref_squeeze %dma_start3A_416 : memref<1x26xf32, #tpu.memory_space<vmem>> -> memref<26xf32, #tpu.memory_space<vmem>>
    %dma_start3A_418 = arith.constant 0 : i32
    %dma_start3A_419 = tpu.memref_slice %arg4[%arg1, %squeeze3A_407, %dma_start3A_418] : memref<16x20000x26xf32, #tpu.memory_space<hbm>> -> memref<1x1x26xf32, #tpu.memory_space<hbm>>
    %dma_start3A_420 = tpu.memref_squeeze %dma_start3A_419 : memref<1x1x26xf32, #tpu.memory_space<hbm>> -> memref<26xf32, #tpu.memory_space<hbm>>
    tpu.enqueue_dma source(%dma_start3A_420 : memref<26xf32, #tpu.memory_space<hbm>>) target(%dma_start3A_417 : memref<26xf32, #tpu.memory_space<vmem>>) target_semaphore(%arg10 : memref<!tpu.dma_semaphore, #tpu.memory_space<semaphore_mem>>)
    %slice3A_421 = vector.extract_strided_slice %get3A_3 {offsets = [12], sizes = [1], strides = [1]} : vector<16xi32> to vector<1xi32>
    %squeeze3A_422 = vector.extract %slice3A_421[0] : i32 from vector<1xi32>
    %dma_start3A_423 = arith.constant 28 : i32
    %dma_start3A_424 = arith.constant 0 : i32
    %dma_start3A_425 = tpu.memref_slice %arg7[%dma_start3A_423, %dma_start3A_424] : memref<30x26xf32, #tpu.memory_space<vmem>> -> memref<1x26xf32, #tpu.memory_space<vmem>>
    %dma_start3A_426 = tpu.memref_squeeze %dma_start3A_425 : memref<1x26xf32, #tpu.memory_space<vmem>> -> memref<26xf32, #tpu.memory_space<vmem>>
    %dma_start3A_427 = arith.constant 0 : i32
    %dma_start3A_428 = tpu.memref_slice %arg4[%arg1, %squeeze3A_422, %dma_start3A_427] : memref<16x20000x26xf32, #tpu.memory_space<hbm>> -> memref<1x1x26xf32, #tpu.memory_space<hbm>>
    %dma_start3A_429 = tpu.memref_squeeze %dma_start3A_428 : memref<1x1x26xf32, #tpu.memory_space<hbm>> -> memref<26xf32, #tpu.memory_space<hbm>>
    %dma_start3A_430 = arith.constant 0 : i32
    %dma_start3A_431 = tpu.memref_slice %arg7[%dma_start3A_423, %dma_start3A_430] : memref<30x26xf32, #tpu.memory_space<vmem>> -> memref<1x26xf32, #tpu.memory_space<vmem>>
    %dma_start3A_432 = tpu.memref_squeeze %dma_start3A_431 : memref<1x26xf32, #tpu.memory_space<vmem>> -> memref<26xf32, #tpu.memory_space<vmem>>
    %dma_start3A_433 = arith.constant 0 : i32
    %dma_start3A_434 = tpu.memref_slice %arg4[%arg1, %squeeze3A_422, %dma_start3A_433] : memref<16x20000x26xf32, #tpu.memory_space<hbm>> -> memref<1x1x26xf32, #tpu.memory_space<hbm>>
    %dma_start3A_435 = tpu.memref_squeeze %dma_start3A_434 : memref<1x1x26xf32, #tpu.memory_space<hbm>> -> memref<26xf32, #tpu.memory_space<hbm>>
    tpu.enqueue_dma source(%dma_start3A_435 : memref<26xf32, #tpu.memory_space<hbm>>) target(%dma_start3A_432 : memref<26xf32, #tpu.memory_space<vmem>>) target_semaphore(%arg10 : memref<!tpu.dma_semaphore, #tpu.memory_space<semaphore_mem>>)
    %slice3A_436 = vector.extract_strided_slice %get3A_3 {offsets = [13], sizes = [1], strides = [1]} : vector<16xi32> to vector<1xi32>
    %squeeze3A_437 = vector.extract %slice3A_436[0] : i32 from vector<1xi32>
    %dma_start3A_438 = arith.constant 29 : i32
    %dma_start3A_439 = arith.constant 0 : i32
    %dma_start3A_440 = tpu.memref_slice %arg7[%dma_start3A_438, %dma_start3A_439] : memref<30x26xf32, #tpu.memory_space<vmem>> -> memref<1x26xf32, #tpu.memory_space<vmem>>
    %dma_start3A_441 = tpu.memref_squeeze %dma_start3A_440 : memref<1x26xf32, #tpu.memory_space<vmem>> -> memref<26xf32, #tpu.memory_space<vmem>>
    %dma_start3A_442 = arith.constant 0 : i32
    %dma_start3A_443 = tpu.memref_slice %arg4[%arg1, %squeeze3A_437, %dma_start3A_442] : memref<16x20000x26xf32, #tpu.memory_space<hbm>> -> memref<1x1x26xf32, #tpu.memory_space<hbm>>
    %dma_start3A_444 = tpu.memref_squeeze %dma_start3A_443 : memref<1x1x26xf32, #tpu.memory_space<hbm>> -> memref<26xf32, #tpu.memory_space<hbm>>
    %dma_start3A_445 = arith.constant 0 : i32
    %dma_start3A_446 = tpu.memref_slice %arg7[%dma_start3A_438, %dma_start3A_445] : memref<30x26xf32, #tpu.memory_space<vmem>> -> memref<1x26xf32, #tpu.memory_space<vmem>>
    %dma_start3A_447 = tpu.memref_squeeze %dma_start3A_446 : memref<1x26xf32, #tpu.memory_space<vmem>> -> memref<26xf32, #tpu.memory_space<vmem>>
    %dma_start3A_448 = arith.constant 0 : i32
    %dma_start3A_449 = tpu.memref_slice %arg4[%arg1, %squeeze3A_437, %dma_start3A_448] : memref<16x20000x26xf32, #tpu.memory_space<hbm>> -> memref<1x1x26xf32, #tpu.memory_space<hbm>>
    %dma_start3A_450 = tpu.memref_squeeze %dma_start3A_449 : memref<1x1x26xf32, #tpu.memory_space<hbm>> -> memref<26xf32, #tpu.memory_space<hbm>>
    tpu.enqueue_dma source(%dma_start3A_450 : memref<26xf32, #tpu.memory_space<hbm>>) target(%dma_start3A_447 : memref<26xf32, #tpu.memory_space<vmem>>) target_semaphore(%arg10 : memref<!tpu.dma_semaphore, #tpu.memory_space<semaphore_mem>>)
    %dma_wait3A = arith.constant 0 : i32
    %dma_wait3A_451 = arith.constant 0 : i32
    %dma_wait3A_452 = tpu.memref_slice %arg7[%dma_wait3A, %dma_wait3A_451] : memref<30x26xf32, #tpu.memory_space<vmem>> -> memref<1x26xf32, #tpu.memory_space<vmem>>
    %dma_wait3A_453 = tpu.memref_squeeze %dma_wait3A_452 : memref<1x26xf32, #tpu.memory_space<vmem>> -> memref<26xf32, #tpu.memory_space<vmem>>
    %dma_wait3A_454 = arith.constant 0 : i32
    %dma_wait3A_455 = tpu.memref_slice %arg4[%arg1, %squeeze3A, %dma_wait3A_454] : memref<16x20000x26xf32, #tpu.memory_space<hbm>> -> memref<1x1x26xf32, #tpu.memory_space<hbm>>
    %dma_wait3A_456 = tpu.memref_squeeze %dma_wait3A_455 : memref<1x1x26xf32, #tpu.memory_space<hbm>> -> memref<26xf32, #tpu.memory_space<hbm>>
    %dma_wait3A_457 = arith.constant 0 : i32
    %dma_wait3A_458 = tpu.memref_slice %arg7[%dma_wait3A, %dma_wait3A_457] : memref<30x26xf32, #tpu.memory_space<vmem>> -> memref<1x26xf32, #tpu.memory_space<vmem>>
    %dma_wait3A_459 = tpu.memref_squeeze %dma_wait3A_458 : memref<1x26xf32, #tpu.memory_space<vmem>> -> memref<26xf32, #tpu.memory_space<vmem>>
    %dma_wait3A_460 = arith.constant 0 : i32
    %dma_wait3A_461 = tpu.memref_slice %arg4[%arg1, %squeeze3A, %dma_wait3A_460] : memref<16x20000x26xf32, #tpu.memory_space<hbm>> -> memref<1x1x26xf32, #tpu.memory_space<hbm>>
    %dma_wait3A_462 = tpu.memref_squeeze %dma_wait3A_461 : memref<1x1x26xf32, #tpu.memory_space<hbm>> -> memref<26xf32, #tpu.memory_space<hbm>>
    tpu.wait_dma2 semaphore(%arg10 : memref<!tpu.dma_semaphore, #tpu.memory_space<semaphore_mem>>) src(%dma_wait3A_462 : memref<26xf32, #tpu.memory_space<hbm>>) dst(%dma_wait3A_459 : memref<26xf32, #tpu.memory_space<vmem>>)
    %dma_wait3A_463 = arith.constant 1 : i32
    %dma_wait3A_464 = arith.constant 0 : i32
    %dma_wait3A_465 = tpu.memref_slice %arg7[%dma_wait3A_463, %dma_wait3A_464] : memref<30x26xf32, #tpu.memory_space<vmem>> -> memref<1x26xf32, #tpu.memory_space<vmem>>
    %dma_wait3A_466 = tpu.memref_squeeze %dma_wait3A_465 : memref<1x26xf32, #tpu.memory_space<vmem>> -> memref<26xf32, #tpu.memory_space<vmem>>
    %dma_wait3A_467 = arith.constant 0 : i32
    %dma_wait3A_468 = tpu.memref_slice %arg4[%arg1, %squeeze3A_17, %dma_wait3A_467] : memref<16x20000x26xf32, #tpu.memory_space<hbm>> -> memref<1x1x26xf32, #tpu.memory_space<hbm>>
    %dma_wait3A_469 = tpu.memref_squeeze %dma_wait3A_468 : memref<1x1x26xf32, #tpu.memory_space<hbm>> -> memref<26xf32, #tpu.memory_space<hbm>>
    %dma_wait3A_470 = arith.constant 0 : i32
    %dma_wait3A_471 = tpu.memref_slice %arg7[%dma_wait3A_463, %dma_wait3A_470] : memref<30x26xf32, #tpu.memory_space<vmem>> -> memref<1x26xf32, #tpu.memory_space<vmem>>
    %dma_wait3A_472 = tpu.memref_squeeze %dma_wait3A_471 : memref<1x26xf32, #tpu.memory_space<vmem>> -> memref<26xf32, #tpu.memory_space<vmem>>
    %dma_wait3A_473 = arith.constant 0 : i32
    %dma_wait3A_474 = tpu.memref_slice %arg4[%arg1, %squeeze3A_17, %dma_wait3A_473] : memref<16x20000x26xf32, #tpu.memory_space<hbm>> -> memref<1x1x26xf32, #tpu.memory_space<hbm>>
    %dma_wait3A_475 = tpu.memref_squeeze %dma_wait3A_474 : memref<1x1x26xf32, #tpu.memory_space<hbm>> -> memref<26xf32, #tpu.memory_space<hbm>>
    tpu.wait_dma2 semaphore(%arg10 : memref<!tpu.dma_semaphore, #tpu.memory_space<semaphore_mem>>) src(%dma_wait3A_475 : memref<26xf32, #tpu.memory_space<hbm>>) dst(%dma_wait3A_472 : memref<26xf32, #tpu.memory_space<vmem>>)
    %dma_wait3A_476 = arith.constant 2 : i32
    %dma_wait3A_477 = arith.constant 0 : i32
    %dma_wait3A_478 = tpu.memref_slice %arg7[%dma_wait3A_476, %dma_wait3A_477] : memref<30x26xf32, #tpu.memory_space<vmem>> -> memref<1x26xf32, #tpu.memory_space<vmem>>
    %dma_wait3A_479 = tpu.memref_squeeze %dma_wait3A_478 : memref<1x26xf32, #tpu.memory_space<vmem>> -> memref<26xf32, #tpu.memory_space<vmem>>
    %dma_wait3A_480 = arith.constant 0 : i32
    %dma_wait3A_481 = tpu.memref_slice %arg4[%arg1, %squeeze3A_32, %dma_wait3A_480] : memref<16x20000x26xf32, #tpu.memory_space<hbm>> -> memref<1x1x26xf32, #tpu.memory_space<hbm>>
    %dma_wait3A_482 = tpu.memref_squeeze %dma_wait3A_481 : memref<1x1x26xf32, #tpu.memory_space<hbm>> -> memref<26xf32, #tpu.memory_space<hbm>>
    %dma_wait3A_483 = arith.constant 0 : i32
    %dma_wait3A_484 = tpu.memref_slice %arg7[%dma_wait3A_476, %dma_wait3A_483] : memref<30x26xf32, #tpu.memory_space<vmem>> -> memref<1x26xf32, #tpu.memory_space<vmem>>
    %dma_wait3A_485 = tpu.memref_squeeze %dma_wait3A_484 : memref<1x26xf32, #tpu.memory_space<vmem>> -> memref<26xf32, #tpu.memory_space<vmem>>
    %dma_wait3A_486 = arith.constant 0 : i32
    %dma_wait3A_487 = tpu.memref_slice %arg4[%arg1, %squeeze3A_32, %dma_wait3A_486] : memref<16x20000x26xf32, #tpu.memory_space<hbm>> -> memref<1x1x26xf32, #tpu.memory_space<hbm>>
    %dma_wait3A_488 = tpu.memref_squeeze %dma_wait3A_487 : memref<1x1x26xf32, #tpu.memory_space<hbm>> -> memref<26xf32, #tpu.memory_space<hbm>>
    tpu.wait_dma2 semaphore(%arg10 : memref<!tpu.dma_semaphore, #tpu.memory_space<semaphore_mem>>) src(%dma_wait3A_488 : memref<26xf32, #tpu.memory_space<hbm>>) dst(%dma_wait3A_485 : memref<26xf32, #tpu.memory_space<vmem>>)
    %dma_wait3A_489 = arith.constant 3 : i32
    %dma_wait3A_490 = arith.constant 0 : i32
    %dma_wait3A_491 = tpu.memref_slice %arg7[%dma_wait3A_489, %dma_wait3A_490] : memref<30x26xf32, #tpu.memory_space<vmem>> -> memref<1x26xf32, #tpu.memory_space<vmem>>
    %dma_wait3A_492 = tpu.memref_squeeze %dma_wait3A_491 : memref<1x26xf32, #tpu.memory_space<vmem>> -> memref<26xf32, #tpu.memory_space<vmem>>
    %dma_wait3A_493 = arith.constant 0 : i32
    %dma_wait3A_494 = tpu.memref_slice %arg4[%arg1, %squeeze3A_47, %dma_wait3A_493] : memref<16x20000x26xf32, #tpu.memory_space<hbm>> -> memref<1x1x26xf32, #tpu.memory_space<hbm>>
    %dma_wait3A_495 = tpu.memref_squeeze %dma_wait3A_494 : memref<1x1x26xf32, #tpu.memory_space<hbm>> -> memref<26xf32, #tpu.memory_space<hbm>>
    %dma_wait3A_496 = arith.constant 0 : i32
    %dma_wait3A_497 = tpu.memref_slice %arg7[%dma_wait3A_489, %dma_wait3A_496] : memref<30x26xf32, #tpu.memory_space<vmem>> -> memref<1x26xf32, #tpu.memory_space<vmem>>
    %dma_wait3A_498 = tpu.memref_squeeze %dma_wait3A_497 : memref<1x26xf32, #tpu.memory_space<vmem>> -> memref<26xf32, #tpu.memory_space<vmem>>
    %dma_wait3A_499 = arith.constant 0 : i32
    %dma_wait3A_500 = tpu.memref_slice %arg4[%arg1, %squeeze3A_47, %dma_wait3A_499] : memref<16x20000x26xf32, #tpu.memory_space<hbm>> -> memref<1x1x26xf32, #tpu.memory_space<hbm>>
    %dma_wait3A_501 = tpu.memref_squeeze %dma_wait3A_500 : memref<1x1x26xf32, #tpu.memory_space<hbm>> -> memref<26xf32, #tpu.memory_space<hbm>>
    tpu.wait_dma2 semaphore(%arg10 : memref<!tpu.dma_semaphore, #tpu.memory_space<semaphore_mem>>) src(%dma_wait3A_501 : memref<26xf32, #tpu.memory_space<hbm>>) dst(%dma_wait3A_498 : memref<26xf32, #tpu.memory_space<vmem>>)
    %dma_wait3A_502 = arith.constant 4 : i32
    %dma_wait3A_503 = arith.constant 0 : i32
    %dma_wait3A_504 = tpu.memref_slice %arg7[%dma_wait3A_502, %dma_wait3A_503] : memref<30x26xf32, #tpu.memory_space<vmem>> -> memref<1x26xf32, #tpu.memory_space<vmem>>
    %dma_wait3A_505 = tpu.memref_squeeze %dma_wait3A_504 : memref<1x26xf32, #tpu.memory_space<vmem>> -> memref<26xf32, #tpu.memory_space<vmem>>
    %dma_wait3A_506 = arith.constant 0 : i32
    %dma_wait3A_507 = tpu.memref_slice %arg4[%arg1, %squeeze3A_62, %dma_wait3A_506] : memref<16x20000x26xf32, #tpu.memory_space<hbm>> -> memref<1x1x26xf32, #tpu.memory_space<hbm>>
    %dma_wait3A_508 = tpu.memref_squeeze %dma_wait3A_507 : memref<1x1x26xf32, #tpu.memory_space<hbm>> -> memref<26xf32, #tpu.memory_space<hbm>>
    %dma_wait3A_509 = arith.constant 0 : i32
    %dma_wait3A_510 = tpu.memref_slice %arg7[%dma_wait3A_502, %dma_wait3A_509] : memref<30x26xf32, #tpu.memory_space<vmem>> -> memref<1x26xf32, #tpu.memory_space<vmem>>
    %dma_wait3A_511 = tpu.memref_squeeze %dma_wait3A_510 : memref<1x26xf32, #tpu.memory_space<vmem>> -> memref<26xf32, #tpu.memory_space<vmem>>
    %dma_wait3A_512 = arith.constant 0 : i32
    %dma_wait3A_513 = tpu.memref_slice %arg4[%arg1, %squeeze3A_62, %dma_wait3A_512] : memref<16x20000x26xf32, #tpu.memory_space<hbm>> -> memref<1x1x26xf32, #tpu.memory_space<hbm>>
    %dma_wait3A_514 = tpu.memref_squeeze %dma_wait3A_513 : memref<1x1x26xf32, #tpu.memory_space<hbm>> -> memref<26xf32, #tpu.memory_space<hbm>>
    tpu.wait_dma2 semaphore(%arg10 : memref<!tpu.dma_semaphore, #tpu.memory_space<semaphore_mem>>) src(%dma_wait3A_514 : memref<26xf32, #tpu.memory_space<hbm>>) dst(%dma_wait3A_511 : memref<26xf32, #tpu.memory_space<vmem>>)
    %dma_wait3A_515 = arith.constant 5 : i32
    %dma_wait3A_516 = arith.constant 0 : i32
    %dma_wait3A_517 = tpu.memref_slice %arg7[%dma_wait3A_515, %dma_wait3A_516] : memref<30x26xf32, #tpu.memory_space<vmem>> -> memref<1x26xf32, #tpu.memory_space<vmem>>
    %dma_wait3A_518 = tpu.memref_squeeze %dma_wait3A_517 : memref<1x26xf32, #tpu.memory_space<vmem>> -> memref<26xf32, #tpu.memory_space<vmem>>
    %dma_wait3A_519 = arith.constant 0 : i32
    %dma_wait3A_520 = tpu.memref_slice %arg4[%arg1, %squeeze3A_77, %dma_wait3A_519] : memref<16x20000x26xf32, #tpu.memory_space<hbm>> -> memref<1x1x26xf32, #tpu.memory_space<hbm>>
    %dma_wait3A_521 = tpu.memref_squeeze %dma_wait3A_520 : memref<1x1x26xf32, #tpu.memory_space<hbm>> -> memref<26xf32, #tpu.memory_space<hbm>>
    %dma_wait3A_522 = arith.constant 0 : i32
    %dma_wait3A_523 = tpu.memref_slice %arg7[%dma_wait3A_515, %dma_wait3A_522] : memref<30x26xf32, #tpu.memory_space<vmem>> -> memref<1x26xf32, #tpu.memory_space<vmem>>
    %dma_wait3A_524 = tpu.memref_squeeze %dma_wait3A_523 : memref<1x26xf32, #tpu.memory_space<vmem>> -> memref<26xf32, #tpu.memory_space<vmem>>
    %dma_wait3A_525 = arith.constant 0 : i32
    %dma_wait3A_526 = tpu.memref_slice %arg4[%arg1, %squeeze3A_77, %dma_wait3A_525] : memref<16x20000x26xf32, #tpu.memory_space<hbm>> -> memref<1x1x26xf32, #tpu.memory_space<hbm>>
    %dma_wait3A_527 = tpu.memref_squeeze %dma_wait3A_526 : memref<1x1x26xf32, #tpu.memory_space<hbm>> -> memref<26xf32, #tpu.memory_space<hbm>>
    tpu.wait_dma2 semaphore(%arg10 : memref<!tpu.dma_semaphore, #tpu.memory_space<semaphore_mem>>) src(%dma_wait3A_527 : memref<26xf32, #tpu.memory_space<hbm>>) dst(%dma_wait3A_524 : memref<26xf32, #tpu.memory_space<vmem>>)
    %dma_wait3A_528 = arith.constant 6 : i32
    %dma_wait3A_529 = arith.constant 0 : i32
    %dma_wait3A_530 = tpu.memref_slice %arg7[%dma_wait3A_528, %dma_wait3A_529] : memref<30x26xf32, #tpu.memory_space<vmem>> -> memref<1x26xf32, #tpu.memory_space<vmem>>
    %dma_wait3A_531 = tpu.memref_squeeze %dma_wait3A_530 : memref<1x26xf32, #tpu.memory_space<vmem>> -> memref<26xf32, #tpu.memory_space<vmem>>
    %dma_wait3A_532 = arith.constant 0 : i32
    %dma_wait3A_533 = tpu.memref_slice %arg4[%arg1, %squeeze3A_92, %dma_wait3A_532] : memref<16x20000x26xf32, #tpu.memory_space<hbm>> -> memref<1x1x26xf32, #tpu.memory_space<hbm>>
    %dma_wait3A_534 = tpu.memref_squeeze %dma_wait3A_533 : memref<1x1x26xf32, #tpu.memory_space<hbm>> -> memref<26xf32, #tpu.memory_space<hbm>>
    %dma_wait3A_535 = arith.constant 0 : i32
    %dma_wait3A_536 = tpu.memref_slice %arg7[%dma_wait3A_528, %dma_wait3A_535] : memref<30x26xf32, #tpu.memory_space<vmem>> -> memref<1x26xf32, #tpu.memory_space<vmem>>
    %dma_wait3A_537 = tpu.memref_squeeze %dma_wait3A_536 : memref<1x26xf32, #tpu.memory_space<vmem>> -> memref<26xf32, #tpu.memory_space<vmem>>
    %dma_wait3A_538 = arith.constant 0 : i32
    %dma_wait3A_539 = tpu.memref_slice %arg4[%arg1, %squeeze3A_92, %dma_wait3A_538] : memref<16x20000x26xf32, #tpu.memory_space<hbm>> -> memref<1x1x26xf32, #tpu.memory_space<hbm>>
    %dma_wait3A_540 = tpu.memref_squeeze %dma_wait3A_539 : memref<1x1x26xf32, #tpu.memory_space<hbm>> -> memref<26xf32, #tpu.memory_space<hbm>>
    tpu.wait_dma2 semaphore(%arg10 : memref<!tpu.dma_semaphore, #tpu.memory_space<semaphore_mem>>) src(%dma_wait3A_540 : memref<26xf32, #tpu.memory_space<hbm>>) dst(%dma_wait3A_537 : memref<26xf32, #tpu.memory_space<vmem>>)
    %dma_wait3A_541 = arith.constant 7 : i32
    %dma_wait3A_542 = arith.constant 0 : i32
    %dma_wait3A_543 = tpu.memref_slice %arg7[%dma_wait3A_541, %dma_wait3A_542] : memref<30x26xf32, #tpu.memory_space<vmem>> -> memref<1x26xf32, #tpu.memory_space<vmem>>
    %dma_wait3A_544 = tpu.memref_squeeze %dma_wait3A_543 : memref<1x26xf32, #tpu.memory_space<vmem>> -> memref<26xf32, #tpu.memory_space<vmem>>
    %dma_wait3A_545 = arith.constant 0 : i32
    %dma_wait3A_546 = tpu.memref_slice %arg4[%arg1, %squeeze3A_107, %dma_wait3A_545] : memref<16x20000x26xf32, #tpu.memory_space<hbm>> -> memref<1x1x26xf32, #tpu.memory_space<hbm>>
    %dma_wait3A_547 = tpu.memref_squeeze %dma_wait3A_546 : memref<1x1x26xf32, #tpu.memory_space<hbm>> -> memref<26xf32, #tpu.memory_space<hbm>>
    %dma_wait3A_548 = arith.constant 0 : i32
    %dma_wait3A_549 = tpu.memref_slice %arg7[%dma_wait3A_541, %dma_wait3A_548] : memref<30x26xf32, #tpu.memory_space<vmem>> -> memref<1x26xf32, #tpu.memory_space<vmem>>
    %dma_wait3A_550 = tpu.memref_squeeze %dma_wait3A_549 : memref<1x26xf32, #tpu.memory_space<vmem>> -> memref<26xf32, #tpu.memory_space<vmem>>
    %dma_wait3A_551 = arith.constant 0 : i32
    %dma_wait3A_552 = tpu.memref_slice %arg4[%arg1, %squeeze3A_107, %dma_wait3A_551] : memref<16x20000x26xf32, #tpu.memory_space<hbm>> -> memref<1x1x26xf32, #tpu.memory_space<hbm>>
    %dma_wait3A_553 = tpu.memref_squeeze %dma_wait3A_552 : memref<1x1x26xf32, #tpu.memory_space<hbm>> -> memref<26xf32, #tpu.memory_space<hbm>>
    tpu.wait_dma2 semaphore(%arg10 : memref<!tpu.dma_semaphore, #tpu.memory_space<semaphore_mem>>) src(%dma_wait3A_553 : memref<26xf32, #tpu.memory_space<hbm>>) dst(%dma_wait3A_550 : memref<26xf32, #tpu.memory_space<vmem>>)
    %dma_wait3A_554 = arith.constant 8 : i32
    %dma_wait3A_555 = arith.constant 0 : i32
    %dma_wait3A_556 = tpu.memref_slice %arg7[%dma_wait3A_554, %dma_wait3A_555] : memref<30x26xf32, #tpu.memory_space<vmem>> -> memref<1x26xf32, #tpu.memory_space<vmem>>
    %dma_wait3A_557 = tpu.memref_squeeze %dma_wait3A_556 : memref<1x26xf32, #tpu.memory_space<vmem>> -> memref<26xf32, #tpu.memory_space<vmem>>
    %dma_wait3A_558 = arith.constant 0 : i32
    %dma_wait3A_559 = tpu.memref_slice %arg4[%arg1, %squeeze3A_122, %dma_wait3A_558] : memref<16x20000x26xf32, #tpu.memory_space<hbm>> -> memref<1x1x26xf32, #tpu.memory_space<hbm>>
    %dma_wait3A_560 = tpu.memref_squeeze %dma_wait3A_559 : memref<1x1x26xf32, #tpu.memory_space<hbm>> -> memref<26xf32, #tpu.memory_space<hbm>>
    %dma_wait3A_561 = arith.constant 0 : i32
    %dma_wait3A_562 = tpu.memref_slice %arg7[%dma_wait3A_554, %dma_wait3A_561] : memref<30x26xf32, #tpu.memory_space<vmem>> -> memref<1x26xf32, #tpu.memory_space<vmem>>
    %dma_wait3A_563 = tpu.memref_squeeze %dma_wait3A_562 : memref<1x26xf32, #tpu.memory_space<vmem>> -> memref<26xf32, #tpu.memory_space<vmem>>
    %dma_wait3A_564 = arith.constant 0 : i32
    %dma_wait3A_565 = tpu.memref_slice %arg4[%arg1, %squeeze3A_122, %dma_wait3A_564] : memref<16x20000x26xf32, #tpu.memory_space<hbm>> -> memref<1x1x26xf32, #tpu.memory_space<hbm>>
    %dma_wait3A_566 = tpu.memref_squeeze %dma_wait3A_565 : memref<1x1x26xf32, #tpu.memory_space<hbm>> -> memref<26xf32, #tpu.memory_space<hbm>>
    tpu.wait_dma2 semaphore(%arg10 : memref<!tpu.dma_semaphore, #tpu.memory_space<semaphore_mem>>) src(%dma_wait3A_566 : memref<26xf32, #tpu.memory_space<hbm>>) dst(%dma_wait3A_563 : memref<26xf32, #tpu.memory_space<vmem>>)
    %dma_wait3A_567 = arith.constant 9 : i32
    %dma_wait3A_568 = arith.constant 0 : i32
    %dma_wait3A_569 = tpu.memref_slice %arg7[%dma_wait3A_567, %dma_wait3A_568] : memref<30x26xf32, #tpu.memory_space<vmem>> -> memref<1x26xf32, #tpu.memory_space<vmem>>
    %dma_wait3A_570 = tpu.memref_squeeze %dma_wait3A_569 : memref<1x26xf32, #tpu.memory_space<vmem>> -> memref<26xf32, #tpu.memory_space<vmem>>
    %dma_wait3A_571 = arith.constant 0 : i32
    %dma_wait3A_572 = tpu.memref_slice %arg4[%arg1, %squeeze3A_137, %dma_wait3A_571] : memref<16x20000x26xf32, #tpu.memory_space<hbm>> -> memref<1x1x26xf32, #tpu.memory_space<hbm>>
    %dma_wait3A_573 = tpu.memref_squeeze %dma_wait3A_572 : memref<1x1x26xf32, #tpu.memory_space<hbm>> -> memref<26xf32, #tpu.memory_space<hbm>>
    %dma_wait3A_574 = arith.constant 0 : i32
    %dma_wait3A_575 = tpu.memref_slice %arg7[%dma_wait3A_567, %dma_wait3A_574] : memref<30x26xf32, #tpu.memory_space<vmem>> -> memref<1x26xf32, #tpu.memory_space<vmem>>
    %dma_wait3A_576 = tpu.memref_squeeze %dma_wait3A_575 : memref<1x26xf32, #tpu.memory_space<vmem>> -> memref<26xf32, #tpu.memory_space<vmem>>
    %dma_wait3A_577 = arith.constant 0 : i32
    %dma_wait3A_578 = tpu.memref_slice %arg4[%arg1, %squeeze3A_137, %dma_wait3A_577] : memref<16x20000x26xf32, #tpu.memory_space<hbm>> -> memref<1x1x26xf32, #tpu.memory_space<hbm>>
    %dma_wait3A_579 = tpu.memref_squeeze %dma_wait3A_578 : memref<1x1x26xf32, #tpu.memory_space<hbm>> -> memref<26xf32, #tpu.memory_space<hbm>>
    tpu.wait_dma2 semaphore(%arg10 : memref<!tpu.dma_semaphore, #tpu.memory_space<semaphore_mem>>) src(%dma_wait3A_579 : memref<26xf32, #tpu.memory_space<hbm>>) dst(%dma_wait3A_576 : memref<26xf32, #tpu.memory_space<vmem>>)
    %dma_wait3A_580 = arith.constant 10 : i32
    %dma_wait3A_581 = arith.constant 0 : i32
    %dma_wait3A_582 = tpu.memref_slice %arg7[%dma_wait3A_580, %dma_wait3A_581] : memref<30x26xf32, #tpu.memory_space<vmem>> -> memref<1x26xf32, #tpu.memory_space<vmem>>
    %dma_wait3A_583 = tpu.memref_squeeze %dma_wait3A_582 : memref<1x26xf32, #tpu.memory_space<vmem>> -> memref<26xf32, #tpu.memory_space<vmem>>
    %dma_wait3A_584 = arith.constant 0 : i32
    %dma_wait3A_585 = tpu.memref_slice %arg4[%arg1, %squeeze3A_152, %dma_wait3A_584] : memref<16x20000x26xf32, #tpu.memory_space<hbm>> -> memref<1x1x26xf32, #tpu.memory_space<hbm>>
    %dma_wait3A_586 = tpu.memref_squeeze %dma_wait3A_585 : memref<1x1x26xf32, #tpu.memory_space<hbm>> -> memref<26xf32, #tpu.memory_space<hbm>>
    %dma_wait3A_587 = arith.constant 0 : i32
    %dma_wait3A_588 = tpu.memref_slice %arg7[%dma_wait3A_580, %dma_wait3A_587] : memref<30x26xf32, #tpu.memory_space<vmem>> -> memref<1x26xf32, #tpu.memory_space<vmem>>
    %dma_wait3A_589 = tpu.memref_squeeze %dma_wait3A_588 : memref<1x26xf32, #tpu.memory_space<vmem>> -> memref<26xf32, #tpu.memory_space<vmem>>
    %dma_wait3A_590 = arith.constant 0 : i32
    %dma_wait3A_591 = tpu.memref_slice %arg4[%arg1, %squeeze3A_152, %dma_wait3A_590] : memref<16x20000x26xf32, #tpu.memory_space<hbm>> -> memref<1x1x26xf32, #tpu.memory_space<hbm>>
    %dma_wait3A_592 = tpu.memref_squeeze %dma_wait3A_591 : memref<1x1x26xf32, #tpu.memory_space<hbm>> -> memref<26xf32, #tpu.memory_space<hbm>>
    tpu.wait_dma2 semaphore(%arg10 : memref<!tpu.dma_semaphore, #tpu.memory_space<semaphore_mem>>) src(%dma_wait3A_592 : memref<26xf32, #tpu.memory_space<hbm>>) dst(%dma_wait3A_589 : memref<26xf32, #tpu.memory_space<vmem>>)
    %dma_wait3A_593 = arith.constant 11 : i32
    %dma_wait3A_594 = arith.constant 0 : i32
    %dma_wait3A_595 = tpu.memref_slice %arg7[%dma_wait3A_593, %dma_wait3A_594] : memref<30x26xf32, #tpu.memory_space<vmem>> -> memref<1x26xf32, #tpu.memory_space<vmem>>
    %dma_wait3A_596 = tpu.memref_squeeze %dma_wait3A_595 : memref<1x26xf32, #tpu.memory_space<vmem>> -> memref<26xf32, #tpu.memory_space<vmem>>
    %dma_wait3A_597 = arith.constant 0 : i32
    %dma_wait3A_598 = tpu.memref_slice %arg4[%arg1, %squeeze3A_167, %dma_wait3A_597] : memref<16x20000x26xf32, #tpu.memory_space<hbm>> -> memref<1x1x26xf32, #tpu.memory_space<hbm>>
    %dma_wait3A_599 = tpu.memref_squeeze %dma_wait3A_598 : memref<1x1x26xf32, #tpu.memory_space<hbm>> -> memref<26xf32, #tpu.memory_space<hbm>>
    %dma_wait3A_600 = arith.constant 0 : i32
    %dma_wait3A_601 = tpu.memref_slice %arg7[%dma_wait3A_593, %dma_wait3A_600] : memref<30x26xf32, #tpu.memory_space<vmem>> -> memref<1x26xf32, #tpu.memory_space<vmem>>
    %dma_wait3A_602 = tpu.memref_squeeze %dma_wait3A_601 : memref<1x26xf32, #tpu.memory_space<vmem>> -> memref<26xf32, #tpu.memory_space<vmem>>
    %dma_wait3A_603 = arith.constant 0 : i32
    %dma_wait3A_604 = tpu.memref_slice %arg4[%arg1, %squeeze3A_167, %dma_wait3A_603] : memref<16x20000x26xf32, #tpu.memory_space<hbm>> -> memref<1x1x26xf32, #tpu.memory_space<hbm>>
    %dma_wait3A_605 = tpu.memref_squeeze %dma_wait3A_604 : memref<1x1x26xf32, #tpu.memory_space<hbm>> -> memref<26xf32, #tpu.memory_space<hbm>>
    tpu.wait_dma2 semaphore(%arg10 : memref<!tpu.dma_semaphore, #tpu.memory_space<semaphore_mem>>) src(%dma_wait3A_605 : memref<26xf32, #tpu.memory_space<hbm>>) dst(%dma_wait3A_602 : memref<26xf32, #tpu.memory_space<vmem>>)
    %dma_wait3A_606 = arith.constant 12 : i32
    %dma_wait3A_607 = arith.constant 0 : i32
    %dma_wait3A_608 = tpu.memref_slice %arg7[%dma_wait3A_606, %dma_wait3A_607] : memref<30x26xf32, #tpu.memory_space<vmem>> -> memref<1x26xf32, #tpu.memory_space<vmem>>
    %dma_wait3A_609 = tpu.memref_squeeze %dma_wait3A_608 : memref<1x26xf32, #tpu.memory_space<vmem>> -> memref<26xf32, #tpu.memory_space<vmem>>
    %dma_wait3A_610 = arith.constant 0 : i32
    %dma_wait3A_611 = tpu.memref_slice %arg4[%arg1, %squeeze3A_182, %dma_wait3A_610] : memref<16x20000x26xf32, #tpu.memory_space<hbm>> -> memref<1x1x26xf32, #tpu.memory_space<hbm>>
    %dma_wait3A_612 = tpu.memref_squeeze %dma_wait3A_611 : memref<1x1x26xf32, #tpu.memory_space<hbm>> -> memref<26xf32, #tpu.memory_space<hbm>>
    %dma_wait3A_613 = arith.constant 0 : i32
    %dma_wait3A_614 = tpu.memref_slice %arg7[%dma_wait3A_606, %dma_wait3A_613] : memref<30x26xf32, #tpu.memory_space<vmem>> -> memref<1x26xf32, #tpu.memory_space<vmem>>
    %dma_wait3A_615 = tpu.memref_squeeze %dma_wait3A_614 : memref<1x26xf32, #tpu.memory_space<vmem>> -> memref<26xf32, #tpu.memory_space<vmem>>
    %dma_wait3A_616 = arith.constant 0 : i32
    %dma_wait3A_617 = tpu.memref_slice %arg4[%arg1, %squeeze3A_182, %dma_wait3A_616] : memref<16x20000x26xf32, #tpu.memory_space<hbm>> -> memref<1x1x26xf32, #tpu.memory_space<hbm>>
    %dma_wait3A_618 = tpu.memref_squeeze %dma_wait3A_617 : memref<1x1x26xf32, #tpu.memory_space<hbm>> -> memref<26xf32, #tpu.memory_space<hbm>>
    tpu.wait_dma2 semaphore(%arg10 : memref<!tpu.dma_semaphore, #tpu.memory_space<semaphore_mem>>) src(%dma_wait3A_618 : memref<26xf32, #tpu.memory_space<hbm>>) dst(%dma_wait3A_615 : memref<26xf32, #tpu.memory_space<vmem>>)
    %dma_wait3A_619 = arith.constant 13 : i32
    %dma_wait3A_620 = arith.constant 0 : i32
    %dma_wait3A_621 = tpu.memref_slice %arg7[%dma_wait3A_619, %dma_wait3A_620] : memref<30x26xf32, #tpu.memory_space<vmem>> -> memref<1x26xf32, #tpu.memory_space<vmem>>
    %dma_wait3A_622 = tpu.memref_squeeze %dma_wait3A_621 : memref<1x26xf32, #tpu.memory_space<vmem>> -> memref<26xf32, #tpu.memory_space<vmem>>
    %dma_wait3A_623 = arith.constant 0 : i32
    %dma_wait3A_624 = tpu.memref_slice %arg4[%arg1, %squeeze3A_197, %dma_wait3A_623] : memref<16x20000x26xf32, #tpu.memory_space<hbm>> -> memref<1x1x26xf32, #tpu.memory_space<hbm>>
    %dma_wait3A_625 = tpu.memref_squeeze %dma_wait3A_624 : memref<1x1x26xf32, #tpu.memory_space<hbm>> -> memref<26xf32, #tpu.memory_space<hbm>>
    %dma_wait3A_626 = arith.constant 0 : i32
    %dma_wait3A_627 = tpu.memref_slice %arg7[%dma_wait3A_619, %dma_wait3A_626] : memref<30x26xf32, #tpu.memory_space<vmem>> -> memref<1x26xf32, #tpu.memory_space<vmem>>
    %dma_wait3A_628 = tpu.memref_squeeze %dma_wait3A_627 : memref<1x26xf32, #tpu.memory_space<vmem>> -> memref<26xf32, #tpu.memory_space<vmem>>
    %dma_wait3A_629 = arith.constant 0 : i32
    %dma_wait3A_630 = tpu.memref_slice %arg4[%arg1, %squeeze3A_197, %dma_wait3A_629] : memref<16x20000x26xf32, #tpu.memory_space<hbm>> -> memref<1x1x26xf32, #tpu.memory_space<hbm>>
    %dma_wait3A_631 = tpu.memref_squeeze %dma_wait3A_630 : memref<1x1x26xf32, #tpu.memory_space<hbm>> -> memref<26xf32, #tpu.memory_space<hbm>>
    tpu.wait_dma2 semaphore(%arg10 : memref<!tpu.dma_semaphore, #tpu.memory_space<semaphore_mem>>) src(%dma_wait3A_631 : memref<26xf32, #tpu.memory_space<hbm>>) dst(%dma_wait3A_628 : memref<26xf32, #tpu.memory_space<vmem>>)
    %dma_wait3A_632 = arith.constant 14 : i32
    %dma_wait3A_633 = arith.constant 0 : i32
    %dma_wait3A_634 = tpu.memref_slice %arg7[%dma_wait3A_632, %dma_wait3A_633] : memref<30x26xf32, #tpu.memory_space<vmem>> -> memref<1x26xf32, #tpu.memory_space<vmem>>
    %dma_wait3A_635 = tpu.memref_squeeze %dma_wait3A_634 : memref<1x26xf32, #tpu.memory_space<vmem>> -> memref<26xf32, #tpu.memory_space<vmem>>
    %dma_wait3A_636 = arith.constant 0 : i32
    %dma_wait3A_637 = tpu.memref_slice %arg4[%arg1, %squeeze3A_212, %dma_wait3A_636] : memref<16x20000x26xf32, #tpu.memory_space<hbm>> -> memref<1x1x26xf32, #tpu.memory_space<hbm>>
    %dma_wait3A_638 = tpu.memref_squeeze %dma_wait3A_637 : memref<1x1x26xf32, #tpu.memory_space<hbm>> -> memref<26xf32, #tpu.memory_space<hbm>>
    %dma_wait3A_639 = arith.constant 0 : i32
    %dma_wait3A_640 = tpu.memref_slice %arg7[%dma_wait3A_632, %dma_wait3A_639] : memref<30x26xf32, #tpu.memory_space<vmem>> -> memref<1x26xf32, #tpu.memory_space<vmem>>
    %dma_wait3A_641 = tpu.memref_squeeze %dma_wait3A_640 : memref<1x26xf32, #tpu.memory_space<vmem>> -> memref<26xf32, #tpu.memory_space<vmem>>
    %dma_wait3A_642 = arith.constant 0 : i32
    %dma_wait3A_643 = tpu.memref_slice %arg4[%arg1, %squeeze3A_212, %dma_wait3A_642] : memref<16x20000x26xf32, #tpu.memory_space<hbm>> -> memref<1x1x26xf32, #tpu.memory_space<hbm>>
    %dma_wait3A_644 = tpu.memref_squeeze %dma_wait3A_643 : memref<1x1x26xf32, #tpu.memory_space<hbm>> -> memref<26xf32, #tpu.memory_space<hbm>>
    tpu.wait_dma2 semaphore(%arg10 : memref<!tpu.dma_semaphore, #tpu.memory_space<semaphore_mem>>) src(%dma_wait3A_644 : memref<26xf32, #tpu.memory_space<hbm>>) dst(%dma_wait3A_641 : memref<26xf32, #tpu.memory_space<vmem>>)
    %dma_wait3A_645 = arith.constant 15 : i32
    %dma_wait3A_646 = arith.constant 0 : i32
    %dma_wait3A_647 = tpu.memref_slice %arg7[%dma_wait3A_645, %dma_wait3A_646] : memref<30x26xf32, #tpu.memory_space<vmem>> -> memref<1x26xf32, #tpu.memory_space<vmem>>
    %dma_wait3A_648 = tpu.memref_squeeze %dma_wait3A_647 : memref<1x26xf32, #tpu.memory_space<vmem>> -> memref<26xf32, #tpu.memory_space<vmem>>
    %dma_wait3A_649 = arith.constant 0 : i32
    %dma_wait3A_650 = tpu.memref_slice %arg4[%arg1, %squeeze3A_227, %dma_wait3A_649] : memref<16x20000x26xf32, #tpu.memory_space<hbm>> -> memref<1x1x26xf32, #tpu.memory_space<hbm>>
    %dma_wait3A_651 = tpu.memref_squeeze %dma_wait3A_650 : memref<1x1x26xf32, #tpu.memory_space<hbm>> -> memref<26xf32, #tpu.memory_space<hbm>>
    %dma_wait3A_652 = arith.constant 0 : i32
    %dma_wait3A_653 = tpu.memref_slice %arg7[%dma_wait3A_645, %dma_wait3A_652] : memref<30x26xf32, #tpu.memory_space<vmem>> -> memref<1x26xf32, #tpu.memory_space<vmem>>
    %dma_wait3A_654 = tpu.memref_squeeze %dma_wait3A_653 : memref<1x26xf32, #tpu.memory_space<vmem>> -> memref<26xf32, #tpu.memory_space<vmem>>
    %dma_wait3A_655 = arith.constant 0 : i32
    %dma_wait3A_656 = tpu.memref_slice %arg4[%arg1, %squeeze3A_227, %dma_wait3A_655] : memref<16x20000x26xf32, #tpu.memory_space<hbm>> -> memref<1x1x26xf32, #tpu.memory_space<hbm>>
    %dma_wait3A_657 = tpu.memref_squeeze %dma_wait3A_656 : memref<1x1x26xf32, #tpu.memory_space<hbm>> -> memref<26xf32, #tpu.memory_space<hbm>>
    tpu.wait_dma2 semaphore(%arg10 : memref<!tpu.dma_semaphore, #tpu.memory_space<semaphore_mem>>) src(%dma_wait3A_657 : memref<26xf32, #tpu.memory_space<hbm>>) dst(%dma_wait3A_654 : memref<26xf32, #tpu.memory_space<vmem>>)
    %dma_wait3A_658 = arith.constant 16 : i32
    %dma_wait3A_659 = arith.constant 0 : i32
    %dma_wait3A_660 = tpu.memref_slice %arg7[%dma_wait3A_658, %dma_wait3A_659] : memref<30x26xf32, #tpu.memory_space<vmem>> -> memref<1x26xf32, #tpu.memory_space<vmem>>
    %dma_wait3A_661 = tpu.memref_squeeze %dma_wait3A_660 : memref<1x26xf32, #tpu.memory_space<vmem>> -> memref<26xf32, #tpu.memory_space<vmem>>
    %dma_wait3A_662 = arith.constant 0 : i32
    %dma_wait3A_663 = tpu.memref_slice %arg4[%arg1, %squeeze3A_242, %dma_wait3A_662] : memref<16x20000x26xf32, #tpu.memory_space<hbm>> -> memref<1x1x26xf32, #tpu.memory_space<hbm>>
    %dma_wait3A_664 = tpu.memref_squeeze %dma_wait3A_663 : memref<1x1x26xf32, #tpu.memory_space<hbm>> -> memref<26xf32, #tpu.memory_space<hbm>>
    %dma_wait3A_665 = arith.constant 0 : i32
    %dma_wait3A_666 = tpu.memref_slice %arg7[%dma_wait3A_658, %dma_wait3A_665] : memref<30x26xf32, #tpu.memory_space<vmem>> -> memref<1x26xf32, #tpu.memory_space<vmem>>
    %dma_wait3A_667 = tpu.memref_squeeze %dma_wait3A_666 : memref<1x26xf32, #tpu.memory_space<vmem>> -> memref<26xf32, #tpu.memory_space<vmem>>
    %dma_wait3A_668 = arith.constant 0 : i32
    %dma_wait3A_669 = tpu.memref_slice %arg4[%arg1, %squeeze3A_242, %dma_wait3A_668] : memref<16x20000x26xf32, #tpu.memory_space<hbm>> -> memref<1x1x26xf32, #tpu.memory_space<hbm>>
    %dma_wait3A_670 = tpu.memref_squeeze %dma_wait3A_669 : memref<1x1x26xf32, #tpu.memory_space<hbm>> -> memref<26xf32, #tpu.memory_space<hbm>>
    tpu.wait_dma2 semaphore(%arg10 : memref<!tpu.dma_semaphore, #tpu.memory_space<semaphore_mem>>) src(%dma_wait3A_670 : memref<26xf32, #tpu.memory_space<hbm>>) dst(%dma_wait3A_667 : memref<26xf32, #tpu.memory_space<vmem>>)
    %dma_wait3A_671 = arith.constant 17 : i32
    %dma_wait3A_672 = arith.constant 0 : i32
    %dma_wait3A_673 = tpu.memref_slice %arg7[%dma_wait3A_671, %dma_wait3A_672] : memref<30x26xf32, #tpu.memory_space<vmem>> -> memref<1x26xf32, #tpu.memory_space<vmem>>
    %dma_wait3A_674 = tpu.memref_squeeze %dma_wait3A_673 : memref<1x26xf32, #tpu.memory_space<vmem>> -> memref<26xf32, #tpu.memory_space<vmem>>
    %dma_wait3A_675 = arith.constant 0 : i32
    %dma_wait3A_676 = tpu.memref_slice %arg4[%arg1, %squeeze3A_257, %dma_wait3A_675] : memref<16x20000x26xf32, #tpu.memory_space<hbm>> -> memref<1x1x26xf32, #tpu.memory_space<hbm>>
    %dma_wait3A_677 = tpu.memref_squeeze %dma_wait3A_676 : memref<1x1x26xf32, #tpu.memory_space<hbm>> -> memref<26xf32, #tpu.memory_space<hbm>>
    %dma_wait3A_678 = arith.constant 0 : i32
    %dma_wait3A_679 = tpu.memref_slice %arg7[%dma_wait3A_671, %dma_wait3A_678] : memref<30x26xf32, #tpu.memory_space<vmem>> -> memref<1x26xf32, #tpu.memory_space<vmem>>
    %dma_wait3A_680 = tpu.memref_squeeze %dma_wait3A_679 : memref<1x26xf32, #tpu.memory_space<vmem>> -> memref<26xf32, #tpu.memory_space<vmem>>
    %dma_wait3A_681 = arith.constant 0 : i32
    %dma_wait3A_682 = tpu.memref_slice %arg4[%arg1, %squeeze3A_257, %dma_wait3A_681] : memref<16x20000x26xf32, #tpu.memory_space<hbm>> -> memref<1x1x26xf32, #tpu.memory_space<hbm>>
    %dma_wait3A_683 = tpu.memref_squeeze %dma_wait3A_682 : memref<1x1x26xf32, #tpu.memory_space<hbm>> -> memref<26xf32, #tpu.memory_space<hbm>>
    tpu.wait_dma2 semaphore(%arg10 : memref<!tpu.dma_semaphore, #tpu.memory_space<semaphore_mem>>) src(%dma_wait3A_683 : memref<26xf32, #tpu.memory_space<hbm>>) dst(%dma_wait3A_680 : memref<26xf32, #tpu.memory_space<vmem>>)
    %dma_wait3A_684 = arith.constant 18 : i32
    %dma_wait3A_685 = arith.constant 0 : i32
    %dma_wait3A_686 = tpu.memref_slice %arg7[%dma_wait3A_684, %dma_wait3A_685] : memref<30x26xf32, #tpu.memory_space<vmem>> -> memref<1x26xf32, #tpu.memory_space<vmem>>
    %dma_wait3A_687 = tpu.memref_squeeze %dma_wait3A_686 : memref<1x26xf32, #tpu.memory_space<vmem>> -> memref<26xf32, #tpu.memory_space<vmem>>
    %dma_wait3A_688 = arith.constant 0 : i32
    %dma_wait3A_689 = tpu.memref_slice %arg4[%arg1, %squeeze3A_272, %dma_wait3A_688] : memref<16x20000x26xf32, #tpu.memory_space<hbm>> -> memref<1x1x26xf32, #tpu.memory_space<hbm>>
    %dma_wait3A_690 = tpu.memref_squeeze %dma_wait3A_689 : memref<1x1x26xf32, #tpu.memory_space<hbm>> -> memref<26xf32, #tpu.memory_space<hbm>>
    %dma_wait3A_691 = arith.constant 0 : i32
    %dma_wait3A_692 = tpu.memref_slice %arg7[%dma_wait3A_684, %dma_wait3A_691] : memref<30x26xf32, #tpu.memory_space<vmem>> -> memref<1x26xf32, #tpu.memory_space<vmem>>
    %dma_wait3A_693 = tpu.memref_squeeze %dma_wait3A_692 : memref<1x26xf32, #tpu.memory_space<vmem>> -> memref<26xf32, #tpu.memory_space<vmem>>
    %dma_wait3A_694 = arith.constant 0 : i32
    %dma_wait3A_695 = tpu.memref_slice %arg4[%arg1, %squeeze3A_272, %dma_wait3A_694] : memref<16x20000x26xf32, #tpu.memory_space<hbm>> -> memref<1x1x26xf32, #tpu.memory_space<hbm>>
    %dma_wait3A_696 = tpu.memref_squeeze %dma_wait3A_695 : memref<1x1x26xf32, #tpu.memory_space<hbm>> -> memref<26xf32, #tpu.memory_space<hbm>>
    tpu.wait_dma2 semaphore(%arg10 : memref<!tpu.dma_semaphore, #tpu.memory_space<semaphore_mem>>) src(%dma_wait3A_696 : memref<26xf32, #tpu.memory_space<hbm>>) dst(%dma_wait3A_693 : memref<26xf32, #tpu.memory_space<vmem>>)
    %dma_wait3A_697 = arith.constant 19 : i32
    %dma_wait3A_698 = arith.constant 0 : i32
    %dma_wait3A_699 = tpu.memref_slice %arg7[%dma_wait3A_697, %dma_wait3A_698] : memref<30x26xf32, #tpu.memory_space<vmem>> -> memref<1x26xf32, #tpu.memory_space<vmem>>
    %dma_wait3A_700 = tpu.memref_squeeze %dma_wait3A_699 : memref<1x26xf32, #tpu.memory_space<vmem>> -> memref<26xf32, #tpu.memory_space<vmem>>
    %dma_wait3A_701 = arith.constant 0 : i32
    %dma_wait3A_702 = tpu.memref_slice %arg4[%arg1, %squeeze3A_287, %dma_wait3A_701] : memref<16x20000x26xf32, #tpu.memory_space<hbm>> -> memref<1x1x26xf32, #tpu.memory_space<hbm>>
    %dma_wait3A_703 = tpu.memref_squeeze %dma_wait3A_702 : memref<1x1x26xf32, #tpu.memory_space<hbm>> -> memref<26xf32, #tpu.memory_space<hbm>>
    %dma_wait3A_704 = arith.constant 0 : i32
    %dma_wait3A_705 = tpu.memref_slice %arg7[%dma_wait3A_697, %dma_wait3A_704] : memref<30x26xf32, #tpu.memory_space<vmem>> -> memref<1x26xf32, #tpu.memory_space<vmem>>
    %dma_wait3A_706 = tpu.memref_squeeze %dma_wait3A_705 : memref<1x26xf32, #tpu.memory_space<vmem>> -> memref<26xf32, #tpu.memory_space<vmem>>
    %dma_wait3A_707 = arith.constant 0 : i32
    %dma_wait3A_708 = tpu.memref_slice %arg4[%arg1, %squeeze3A_287, %dma_wait3A_707] : memref<16x20000x26xf32, #tpu.memory_space<hbm>> -> memref<1x1x26xf32, #tpu.memory_space<hbm>>
    %dma_wait3A_709 = tpu.memref_squeeze %dma_wait3A_708 : memref<1x1x26xf32, #tpu.memory_space<hbm>> -> memref<26xf32, #tpu.memory_space<hbm>>
    tpu.wait_dma2 semaphore(%arg10 : memref<!tpu.dma_semaphore, #tpu.memory_space<semaphore_mem>>) src(%dma_wait3A_709 : memref<26xf32, #tpu.memory_space<hbm>>) dst(%dma_wait3A_706 : memref<26xf32, #tpu.memory_space<vmem>>)
    %dma_wait3A_710 = arith.constant 20 : i32
    %dma_wait3A_711 = arith.constant 0 : i32
    %dma_wait3A_712 = tpu.memref_slice %arg7[%dma_wait3A_710, %dma_wait3A_711] : memref<30x26xf32, #tpu.memory_space<vmem>> -> memref<1x26xf32, #tpu.memory_space<vmem>>
    %dma_wait3A_713 = tpu.memref_squeeze %dma_wait3A_712 : memref<1x26xf32, #tpu.memory_space<vmem>> -> memref<26xf32, #tpu.memory_space<vmem>>
    %dma_wait3A_714 = arith.constant 0 : i32
    %dma_wait3A_715 = tpu.memref_slice %arg4[%arg1, %squeeze3A_302, %dma_wait3A_714] : memref<16x20000x26xf32, #tpu.memory_space<hbm>> -> memref<1x1x26xf32, #tpu.memory_space<hbm>>
    %dma_wait3A_716 = tpu.memref_squeeze %dma_wait3A_715 : memref<1x1x26xf32, #tpu.memory_space<hbm>> -> memref<26xf32, #tpu.memory_space<hbm>>
    %dma_wait3A_717 = arith.constant 0 : i32
    %dma_wait3A_718 = tpu.memref_slice %arg7[%dma_wait3A_710, %dma_wait3A_717] : memref<30x26xf32, #tpu.memory_space<vmem>> -> memref<1x26xf32, #tpu.memory_space<vmem>>
    %dma_wait3A_719 = tpu.memref_squeeze %dma_wait3A_718 : memref<1x26xf32, #tpu.memory_space<vmem>> -> memref<26xf32, #tpu.memory_space<vmem>>
    %dma_wait3A_720 = arith.constant 0 : i32
    %dma_wait3A_721 = tpu.memref_slice %arg4[%arg1, %squeeze3A_302, %dma_wait3A_720] : memref<16x20000x26xf32, #tpu.memory_space<hbm>> -> memref<1x1x26xf32, #tpu.memory_space<hbm>>
    %dma_wait3A_722 = tpu.memref_squeeze %dma_wait3A_721 : memref<1x1x26xf32, #tpu.memory_space<hbm>> -> memref<26xf32, #tpu.memory_space<hbm>>
    tpu.wait_dma2 semaphore(%arg10 : memref<!tpu.dma_semaphore, #tpu.memory_space<semaphore_mem>>) src(%dma_wait3A_722 : memref<26xf32, #tpu.memory_space<hbm>>) dst(%dma_wait3A_719 : memref<26xf32, #tpu.memory_space<vmem>>)
    %dma_wait3A_723 = arith.constant 21 : i32
    %dma_wait3A_724 = arith.constant 0 : i32
    %dma_wait3A_725 = tpu.memref_slice %arg7[%dma_wait3A_723, %dma_wait3A_724] : memref<30x26xf32, #tpu.memory_space<vmem>> -> memref<1x26xf32, #tpu.memory_space<vmem>>
    %dma_wait3A_726 = tpu.memref_squeeze %dma_wait3A_725 : memref<1x26xf32, #tpu.memory_space<vmem>> -> memref<26xf32, #tpu.memory_space<vmem>>
    %dma_wait3A_727 = arith.constant 0 : i32
    %dma_wait3A_728 = tpu.memref_slice %arg4[%arg1, %squeeze3A_317, %dma_wait3A_727] : memref<16x20000x26xf32, #tpu.memory_space<hbm>> -> memref<1x1x26xf32, #tpu.memory_space<hbm>>
    %dma_wait3A_729 = tpu.memref_squeeze %dma_wait3A_728 : memref<1x1x26xf32, #tpu.memory_space<hbm>> -> memref<26xf32, #tpu.memory_space<hbm>>
    %dma_wait3A_730 = arith.constant 0 : i32
    %dma_wait3A_731 = tpu.memref_slice %arg7[%dma_wait3A_723, %dma_wait3A_730] : memref<30x26xf32, #tpu.memory_space<vmem>> -> memref<1x26xf32, #tpu.memory_space<vmem>>
    %dma_wait3A_732 = tpu.memref_squeeze %dma_wait3A_731 : memref<1x26xf32, #tpu.memory_space<vmem>> -> memref<26xf32, #tpu.memory_space<vmem>>
    %dma_wait3A_733 = arith.constant 0 : i32
    %dma_wait3A_734 = tpu.memref_slice %arg4[%arg1, %squeeze3A_317, %dma_wait3A_733] : memref<16x20000x26xf32, #tpu.memory_space<hbm>> -> memref<1x1x26xf32, #tpu.memory_space<hbm>>
    %dma_wait3A_735 = tpu.memref_squeeze %dma_wait3A_734 : memref<1x1x26xf32, #tpu.memory_space<hbm>> -> memref<26xf32, #tpu.memory_space<hbm>>
    tpu.wait_dma2 semaphore(%arg10 : memref<!tpu.dma_semaphore, #tpu.memory_space<semaphore_mem>>) src(%dma_wait3A_735 : memref<26xf32, #tpu.memory_space<hbm>>) dst(%dma_wait3A_732 : memref<26xf32, #tpu.memory_space<vmem>>)
    %dma_wait3A_736 = arith.constant 22 : i32
    %dma_wait3A_737 = arith.constant 0 : i32
    %dma_wait3A_738 = tpu.memref_slice %arg7[%dma_wait3A_736, %dma_wait3A_737] : memref<30x26xf32, #tpu.memory_space<vmem>> -> memref<1x26xf32, #tpu.memory_space<vmem>>
    %dma_wait3A_739 = tpu.memref_squeeze %dma_wait3A_738 : memref<1x26xf32, #tpu.memory_space<vmem>> -> memref<26xf32, #tpu.memory_space<vmem>>
    %dma_wait3A_740 = arith.constant 0 : i32
    %dma_wait3A_741 = tpu.memref_slice %arg4[%arg1, %squeeze3A_332, %dma_wait3A_740] : memref<16x20000x26xf32, #tpu.memory_space<hbm>> -> memref<1x1x26xf32, #tpu.memory_space<hbm>>
    %dma_wait3A_742 = tpu.memref_squeeze %dma_wait3A_741 : memref<1x1x26xf32, #tpu.memory_space<hbm>> -> memref<26xf32, #tpu.memory_space<hbm>>
    %dma_wait3A_743 = arith.constant 0 : i32
    %dma_wait3A_744 = tpu.memref_slice %arg7[%dma_wait3A_736, %dma_wait3A_743] : memref<30x26xf32, #tpu.memory_space<vmem>> -> memref<1x26xf32, #tpu.memory_space<vmem>>
    %dma_wait3A_745 = tpu.memref_squeeze %dma_wait3A_744 : memref<1x26xf32, #tpu.memory_space<vmem>> -> memref<26xf32, #tpu.memory_space<vmem>>
    %dma_wait3A_746 = arith.constant 0 : i32
    %dma_wait3A_747 = tpu.memref_slice %arg4[%arg1, %squeeze3A_332, %dma_wait3A_746] : memref<16x20000x26xf32, #tpu.memory_space<hbm>> -> memref<1x1x26xf32, #tpu.memory_space<hbm>>
    %dma_wait3A_748 = tpu.memref_squeeze %dma_wait3A_747 : memref<1x1x26xf32, #tpu.memory_space<hbm>> -> memref<26xf32, #tpu.memory_space<hbm>>
    tpu.wait_dma2 semaphore(%arg10 : memref<!tpu.dma_semaphore, #tpu.memory_space<semaphore_mem>>) src(%dma_wait3A_748 : memref<26xf32, #tpu.memory_space<hbm>>) dst(%dma_wait3A_745 : memref<26xf32, #tpu.memory_space<vmem>>)
    %dma_wait3A_749 = arith.constant 23 : i32
    %dma_wait3A_750 = arith.constant 0 : i32
    %dma_wait3A_751 = tpu.memref_slice %arg7[%dma_wait3A_749, %dma_wait3A_750] : memref<30x26xf32, #tpu.memory_space<vmem>> -> memref<1x26xf32, #tpu.memory_space<vmem>>
    %dma_wait3A_752 = tpu.memref_squeeze %dma_wait3A_751 : memref<1x26xf32, #tpu.memory_space<vmem>> -> memref<26xf32, #tpu.memory_space<vmem>>
    %dma_wait3A_753 = arith.constant 0 : i32
    %dma_wait3A_754 = tpu.memref_slice %arg4[%arg1, %squeeze3A_347, %dma_wait3A_753] : memref<16x20000x26xf32, #tpu.memory_space<hbm>> -> memref<1x1x26xf32, #tpu.memory_space<hbm>>
    %dma_wait3A_755 = tpu.memref_squeeze %dma_wait3A_754 : memref<1x1x26xf32, #tpu.memory_space<hbm>> -> memref<26xf32, #tpu.memory_space<hbm>>
    %dma_wait3A_756 = arith.constant 0 : i32
    %dma_wait3A_757 = tpu.memref_slice %arg7[%dma_wait3A_749, %dma_wait3A_756] : memref<30x26xf32, #tpu.memory_space<vmem>> -> memref<1x26xf32, #tpu.memory_space<vmem>>
    %dma_wait3A_758 = tpu.memref_squeeze %dma_wait3A_757 : memref<1x26xf32, #tpu.memory_space<vmem>> -> memref<26xf32, #tpu.memory_space<vmem>>
    %dma_wait3A_759 = arith.constant 0 : i32
    %dma_wait3A_760 = tpu.memref_slice %arg4[%arg1, %squeeze3A_347, %dma_wait3A_759] : memref<16x20000x26xf32, #tpu.memory_space<hbm>> -> memref<1x1x26xf32, #tpu.memory_space<hbm>>
    %dma_wait3A_761 = tpu.memref_squeeze %dma_wait3A_760 : memref<1x1x26xf32, #tpu.memory_space<hbm>> -> memref<26xf32, #tpu.memory_space<hbm>>
    tpu.wait_dma2 semaphore(%arg10 : memref<!tpu.dma_semaphore, #tpu.memory_space<semaphore_mem>>) src(%dma_wait3A_761 : memref<26xf32, #tpu.memory_space<hbm>>) dst(%dma_wait3A_758 : memref<26xf32, #tpu.memory_space<vmem>>)
    %dma_wait3A_762 = arith.constant 24 : i32
    %dma_wait3A_763 = arith.constant 0 : i32
    %dma_wait3A_764 = tpu.memref_slice %arg7[%dma_wait3A_762, %dma_wait3A_763] : memref<30x26xf32, #tpu.memory_space<vmem>> -> memref<1x26xf32, #tpu.memory_space<vmem>>
    %dma_wait3A_765 = tpu.memref_squeeze %dma_wait3A_764 : memref<1x26xf32, #tpu.memory_space<vmem>> -> memref<26xf32, #tpu.memory_space<vmem>>
    %dma_wait3A_766 = arith.constant 0 : i32
    %dma_wait3A_767 = tpu.memref_slice %arg4[%arg1, %squeeze3A_362, %dma_wait3A_766] : memref<16x20000x26xf32, #tpu.memory_space<hbm>> -> memref<1x1x26xf32, #tpu.memory_space<hbm>>
    %dma_wait3A_768 = tpu.memref_squeeze %dma_wait3A_767 : memref<1x1x26xf32, #tpu.memory_space<hbm>> -> memref<26xf32, #tpu.memory_space<hbm>>
    %dma_wait3A_769 = arith.constant 0 : i32
    %dma_wait3A_770 = tpu.memref_slice %arg7[%dma_wait3A_762, %dma_wait3A_769] : memref<30x26xf32, #tpu.memory_space<vmem>> -> memref<1x26xf32, #tpu.memory_space<vmem>>
    %dma_wait3A_771 = tpu.memref_squeeze %dma_wait3A_770 : memref<1x26xf32, #tpu.memory_space<vmem>> -> memref<26xf32, #tpu.memory_space<vmem>>
    %dma_wait3A_772 = arith.constant 0 : i32
    %dma_wait3A_773 = tpu.memref_slice %arg4[%arg1, %squeeze3A_362, %dma_wait3A_772] : memref<16x20000x26xf32, #tpu.memory_space<hbm>> -> memref<1x1x26xf32, #tpu.memory_space<hbm>>
    %dma_wait3A_774 = tpu.memref_squeeze %dma_wait3A_773 : memref<1x1x26xf32, #tpu.memory_space<hbm>> -> memref<26xf32, #tpu.memory_space<hbm>>
    tpu.wait_dma2 semaphore(%arg10 : memref<!tpu.dma_semaphore, #tpu.memory_space<semaphore_mem>>) src(%dma_wait3A_774 : memref<26xf32, #tpu.memory_space<hbm>>) dst(%dma_wait3A_771 : memref<26xf32, #tpu.memory_space<vmem>>)
    %dma_wait3A_775 = arith.constant 25 : i32
    %dma_wait3A_776 = arith.constant 0 : i32
    %dma_wait3A_777 = tpu.memref_slice %arg7[%dma_wait3A_775, %dma_wait3A_776] : memref<30x26xf32, #tpu.memory_space<vmem>> -> memref<1x26xf32, #tpu.memory_space<vmem>>
    %dma_wait3A_778 = tpu.memref_squeeze %dma_wait3A_777 : memref<1x26xf32, #tpu.memory_space<vmem>> -> memref<26xf32, #tpu.memory_space<vmem>>
    %dma_wait3A_779 = arith.constant 0 : i32
    %dma_wait3A_780 = tpu.memref_slice %arg4[%arg1, %squeeze3A_377, %dma_wait3A_779] : memref<16x20000x26xf32, #tpu.memory_space<hbm>> -> memref<1x1x26xf32, #tpu.memory_space<hbm>>
    %dma_wait3A_781 = tpu.memref_squeeze %dma_wait3A_780 : memref<1x1x26xf32, #tpu.memory_space<hbm>> -> memref<26xf32, #tpu.memory_space<hbm>>
    %dma_wait3A_782 = arith.constant 0 : i32
    %dma_wait3A_783 = tpu.memref_slice %arg7[%dma_wait3A_775, %dma_wait3A_782] : memref<30x26xf32, #tpu.memory_space<vmem>> -> memref<1x26xf32, #tpu.memory_space<vmem>>
    %dma_wait3A_784 = tpu.memref_squeeze %dma_wait3A_783 : memref<1x26xf32, #tpu.memory_space<vmem>> -> memref<26xf32, #tpu.memory_space<vmem>>
    %dma_wait3A_785 = arith.constant 0 : i32
    %dma_wait3A_786 = tpu.memref_slice %arg4[%arg1, %squeeze3A_377, %dma_wait3A_785] : memref<16x20000x26xf32, #tpu.memory_space<hbm>> -> memref<1x1x26xf32, #tpu.memory_space<hbm>>
    %dma_wait3A_787 = tpu.memref_squeeze %dma_wait3A_786 : memref<1x1x26xf32, #tpu.memory_space<hbm>> -> memref<26xf32, #tpu.memory_space<hbm>>
    tpu.wait_dma2 semaphore(%arg10 : memref<!tpu.dma_semaphore, #tpu.memory_space<semaphore_mem>>) src(%dma_wait3A_787 : memref<26xf32, #tpu.memory_space<hbm>>) dst(%dma_wait3A_784 : memref<26xf32, #tpu.memory_space<vmem>>)
    %dma_wait3A_788 = arith.constant 26 : i32
    %dma_wait3A_789 = arith.constant 0 : i32
    %dma_wait3A_790 = tpu.memref_slice %arg7[%dma_wait3A_788, %dma_wait3A_789] : memref<30x26xf32, #tpu.memory_space<vmem>> -> memref<1x26xf32, #tpu.memory_space<vmem>>
    %dma_wait3A_791 = tpu.memref_squeeze %dma_wait3A_790 : memref<1x26xf32, #tpu.memory_space<vmem>> -> memref<26xf32, #tpu.memory_space<vmem>>
    %dma_wait3A_792 = arith.constant 0 : i32
    %dma_wait3A_793 = tpu.memref_slice %arg4[%arg1, %squeeze3A_392, %dma_wait3A_792] : memref<16x20000x26xf32, #tpu.memory_space<hbm>> -> memref<1x1x26xf32, #tpu.memory_space<hbm>>
    %dma_wait3A_794 = tpu.memref_squeeze %dma_wait3A_793 : memref<1x1x26xf32, #tpu.memory_space<hbm>> -> memref<26xf32, #tpu.memory_space<hbm>>
    %dma_wait3A_795 = arith.constant 0 : i32
    %dma_wait3A_796 = tpu.memref_slice %arg7[%dma_wait3A_788, %dma_wait3A_795] : memref<30x26xf32, #tpu.memory_space<vmem>> -> memref<1x26xf32, #tpu.memory_space<vmem>>
    %dma_wait3A_797 = tpu.memref_squeeze %dma_wait3A_796 : memref<1x26xf32, #tpu.memory_space<vmem>> -> memref<26xf32, #tpu.memory_space<vmem>>
    %dma_wait3A_798 = arith.constant 0 : i32
    %dma_wait3A_799 = tpu.memref_slice %arg4[%arg1, %squeeze3A_392, %dma_wait3A_798] : memref<16x20000x26xf32, #tpu.memory_space<hbm>> -> memref<1x1x26xf32, #tpu.memory_space<hbm>>
    %dma_wait3A_800 = tpu.memref_squeeze %dma_wait3A_799 : memref<1x1x26xf32, #tpu.memory_space<hbm>> -> memref<26xf32, #tpu.memory_space<hbm>>
    tpu.wait_dma2 semaphore(%arg10 : memref<!tpu.dma_semaphore, #tpu.memory_space<semaphore_mem>>) src(%dma_wait3A_800 : memref<26xf32, #tpu.memory_space<hbm>>) dst(%dma_wait3A_797 : memref<26xf32, #tpu.memory_space<vmem>>)
    %dma_wait3A_801 = arith.constant 27 : i32
    %dma_wait3A_802 = arith.constant 0 : i32
    %dma_wait3A_803 = tpu.memref_slice %arg7[%dma_wait3A_801, %dma_wait3A_802] : memref<30x26xf32, #tpu.memory_space<vmem>> -> memref<1x26xf32, #tpu.memory_space<vmem>>
    %dma_wait3A_804 = tpu.memref_squeeze %dma_wait3A_803 : memref<1x26xf32, #tpu.memory_space<vmem>> -> memref<26xf32, #tpu.memory_space<vmem>>
    %dma_wait3A_805 = arith.constant 0 : i32
    %dma_wait3A_806 = tpu.memref_slice %arg4[%arg1, %squeeze3A_407, %dma_wait3A_805] : memref<16x20000x26xf32, #tpu.memory_space<hbm>> -> memref<1x1x26xf32, #tpu.memory_space<hbm>>
    %dma_wait3A_807 = tpu.memref_squeeze %dma_wait3A_806 : memref<1x1x26xf32, #tpu.memory_space<hbm>> -> memref<26xf32, #tpu.memory_space<hbm>>
    %dma_wait3A_808 = arith.constant 0 : i32
    %dma_wait3A_809 = tpu.memref_slice %arg7[%dma_wait3A_801, %dma_wait3A_808] : memref<30x26xf32, #tpu.memory_space<vmem>> -> memref<1x26xf32, #tpu.memory_space<vmem>>
    %dma_wait3A_810 = tpu.memref_squeeze %dma_wait3A_809 : memref<1x26xf32, #tpu.memory_space<vmem>> -> memref<26xf32, #tpu.memory_space<vmem>>
    %dma_wait3A_811 = arith.constant 0 : i32
    %dma_wait3A_812 = tpu.memref_slice %arg4[%arg1, %squeeze3A_407, %dma_wait3A_811] : memref<16x20000x26xf32, #tpu.memory_space<hbm>> -> memref<1x1x26xf32, #tpu.memory_space<hbm>>
    %dma_wait3A_813 = tpu.memref_squeeze %dma_wait3A_812 : memref<1x1x26xf32, #tpu.memory_space<hbm>> -> memref<26xf32, #tpu.memory_space<hbm>>
    tpu.wait_dma2 semaphore(%arg10 : memref<!tpu.dma_semaphore, #tpu.memory_space<semaphore_mem>>) src(%dma_wait3A_813 : memref<26xf32, #tpu.memory_space<hbm>>) dst(%dma_wait3A_810 : memref<26xf32, #tpu.memory_space<vmem>>)
    %dma_wait3A_814 = arith.constant 28 : i32
    %dma_wait3A_815 = arith.constant 0 : i32
    %dma_wait3A_816 = tpu.memref_slice %arg7[%dma_wait3A_814, %dma_wait3A_815] : memref<30x26xf32, #tpu.memory_space<vmem>> -> memref<1x26xf32, #tpu.memory_space<vmem>>
    %dma_wait3A_817 = tpu.memref_squeeze %dma_wait3A_816 : memref<1x26xf32, #tpu.memory_space<vmem>> -> memref<26xf32, #tpu.memory_space<vmem>>
    %dma_wait3A_818 = arith.constant 0 : i32
    %dma_wait3A_819 = tpu.memref_slice %arg4[%arg1, %squeeze3A_422, %dma_wait3A_818] : memref<16x20000x26xf32, #tpu.memory_space<hbm>> -> memref<1x1x26xf32, #tpu.memory_space<hbm>>
    %dma_wait3A_820 = tpu.memref_squeeze %dma_wait3A_819 : memref<1x1x26xf32, #tpu.memory_space<hbm>> -> memref<26xf32, #tpu.memory_space<hbm>>
    %dma_wait3A_821 = arith.constant 0 : i32
    %dma_wait3A_822 = tpu.memref_slice %arg7[%dma_wait3A_814, %dma_wait3A_821] : memref<30x26xf32, #tpu.memory_space<vmem>> -> memref<1x26xf32, #tpu.memory_space<vmem>>
    %dma_wait3A_823 = tpu.memref_squeeze %dma_wait3A_822 : memref<1x26xf32, #tpu.memory_space<vmem>> -> memref<26xf32, #tpu.memory_space<vmem>>
    %dma_wait3A_824 = arith.constant 0 : i32
    %dma_wait3A_825 = tpu.memref_slice %arg4[%arg1, %squeeze3A_422, %dma_wait3A_824] : memref<16x20000x26xf32, #tpu.memory_space<hbm>> -> memref<1x1x26xf32, #tpu.memory_space<hbm>>
    %dma_wait3A_826 = tpu.memref_squeeze %dma_wait3A_825 : memref<1x1x26xf32, #tpu.memory_space<hbm>> -> memref<26xf32, #tpu.memory_space<hbm>>
    tpu.wait_dma2 semaphore(%arg10 : memref<!tpu.dma_semaphore, #tpu.memory_space<semaphore_mem>>) src(%dma_wait3A_826 : memref<26xf32, #tpu.memory_space<hbm>>) dst(%dma_wait3A_823 : memref<26xf32, #tpu.memory_space<vmem>>)
    %dma_wait3A_827 = arith.constant 29 : i32
    %dma_wait3A_828 = arith.constant 0 : i32
    %dma_wait3A_829 = tpu.memref_slice %arg7[%dma_wait3A_827, %dma_wait3A_828] : memref<30x26xf32, #tpu.memory_space<vmem>> -> memref<1x26xf32, #tpu.memory_space<vmem>>
    %dma_wait3A_830 = tpu.memref_squeeze %dma_wait3A_829 : memref<1x26xf32, #tpu.memory_space<vmem>> -> memref<26xf32, #tpu.memory_space<vmem>>
    %dma_wait3A_831 = arith.constant 0 : i32
    %dma_wait3A_832 = tpu.memref_slice %arg4[%arg1, %squeeze3A_437, %dma_wait3A_831] : memref<16x20000x26xf32, #tpu.memory_space<hbm>> -> memref<1x1x26xf32, #tpu.memory_space<hbm>>
    %dma_wait3A_833 = tpu.memref_squeeze %dma_wait3A_832 : memref<1x1x26xf32, #tpu.memory_space<hbm>> -> memref<26xf32, #tpu.memory_space<hbm>>
    %dma_wait3A_834 = arith.constant 0 : i32
    %dma_wait3A_835 = tpu.memref_slice %arg7[%dma_wait3A_827, %dma_wait3A_834] : memref<30x26xf32, #tpu.memory_space<vmem>> -> memref<1x26xf32, #tpu.memory_space<vmem>>
    %dma_wait3A_836 = tpu.memref_squeeze %dma_wait3A_835 : memref<1x26xf32, #tpu.memory_space<vmem>> -> memref<26xf32, #tpu.memory_space<vmem>>
    %dma_wait3A_837 = arith.constant 0 : i32
    %dma_wait3A_838 = tpu.memref_slice %arg4[%arg1, %squeeze3A_437, %dma_wait3A_837] : memref<16x20000x26xf32, #tpu.memory_space<hbm>> -> memref<1x1x26xf32, #tpu.memory_space<hbm>>
    %dma_wait3A_839 = tpu.memref_squeeze %dma_wait3A_838 : memref<1x1x26xf32, #tpu.memory_space<hbm>> -> memref<26xf32, #tpu.memory_space<hbm>>
    tpu.wait_dma2 semaphore(%arg10 : memref<!tpu.dma_semaphore, #tpu.memory_space<semaphore_mem>>) src(%dma_wait3A_839 : memref<26xf32, #tpu.memory_space<hbm>>) dst(%dma_wait3A_836 : memref<26xf32, #tpu.memory_space<vmem>>)
    %iota3A = tpu.iota {dimensions = array<i32: 0>} : vector<16xi32>
    %mul3A_840 = arith.constant 2 : i32
    %mul3A_841 = arith.muli %mul3A_840, %arg1 : i32
    %broadcast_in_dim3A = vector.broadcast %mul3A_841 : i32 to vector<16xi32>
    %and3A = arith.constant 1 : i32
    %and3A_842 = vector.broadcast %and3A : i32 to vector<16xi32>
    %and3A_843 = arith.andi %iota3A, %and3A_842 : vector<16xi32>
    %add3A_844 = arith.addi %broadcast_in_dim3A, %and3A_843 : vector<16xi32>
    %gather3A = tpu.vector_load_idx %arg8[%add3A_844] : memref<32xf32, #tpu.memory_space<vmem>>[vector<16xi32>], vector<16xf32>,
    %get3A_845 = arith.constant 0 : i32
    %get3A_846 = arith.index_cast %get3A_845 : i32 to index
    %get3A_847 = arith.constant 0 : index
    %get3A_848 = tpu.vector_load %arg7[%get3A_846, %get3A_847] {strides = array<i32>} : memref<30x26xf32, #tpu.memory_space<vmem>>, vector<16xf32>,
    %mul3A_849 = arith.mulf %get3A_848, %gather3A : vector<16xf32>
    %get3A_850 = arith.constant 0 : i32
    %get3A_851 = arith.index_cast %get3A_850 : i32 to index
    %get3A_852 = arith.constant 10 : index
    %get3A_853 = tpu.vector_load %arg7[%get3A_851, %get3A_852] {strides = array<i32>} : memref<30x26xf32, #tpu.memory_space<vmem>>, vector<16xf32>,
    %mul3A_854 = arith.mulf %get3A_853, %gather3A : vector<16xf32>
    %swap3A = arith.constant 0 : index
    %swap3A_855 = tpu.vector_load %arg9[%swap3A] {strides = array<i32>} : memref<784xf32, #tpu.memory_space<vmem>>, vector<16xf32>,
    tpu.vector_store %arg9[%swap3A], %mul3A_849 {strides = array<i32>} : memref<784xf32, #tpu.memory_space<vmem>>, vector<16xf32>,
    %swap3A_856 = arith.constant 10 : index
    %swap3A_857 = tpu.vector_load %arg9[%swap3A_856] {strides = array<i32>} : memref<784xf32, #tpu.memory_space<vmem>>, vector<16xf32>,
    tpu.vector_store %arg9[%swap3A_856], %mul3A_854 {strides = array<i32>} : memref<784xf32, #tpu.memory_space<vmem>>, vector<16xf32>,
    %get3A_858 = arith.constant 1 : i32
    %get3A_859 = arith.index_cast %get3A_858 : i32 to index
    %get3A_860 = arith.constant 0 : index
    %get3A_861 = tpu.vector_load %arg7[%get3A_859, %get3A_860] {strides = array<i32>} : memref<30x26xf32, #tpu.memory_space<vmem>>, vector<16xf32>,
    %mul3A_862 = arith.mulf %get3A_861, %gather3A : vector<16xf32>
    %get3A_863 = arith.constant 1 : i32
    %get3A_864 = arith.index_cast %get3A_863 : i32 to index
    %get3A_865 = arith.constant 10 : index
    %get3A_866 = tpu.vector_load %arg7[%get3A_864, %get3A_865] {strides = array<i32>} : memref<30x26xf32, #tpu.memory_space<vmem>>, vector<16xf32>,
    %mul3A_867 = arith.mulf %get3A_866, %gather3A : vector<16xf32>
    %swap3A_868 = arith.constant 26 : index
    %swap3A_869 = tpu.vector_load %arg9[%swap3A_868] {strides = array<i32>} : memref<784xf32, #tpu.memory_space<vmem>>, vector<16xf32>,
    tpu.vector_store %arg9[%swap3A_868], %mul3A_862 {strides = array<i32>} : memref<784xf32, #tpu.memory_space<vmem>>, vector<16xf32>,
    %swap3A_870 = arith.constant 36 : index
    %swap3A_871 = tpu.vector_load %arg9[%swap3A_870] {strides = array<i32>} : memref<784xf32, #tpu.memory_space<vmem>>, vector<16xf32>,
    tpu.vector_store %arg9[%swap3A_870], %mul3A_867 {strides = array<i32>} : memref<784xf32, #tpu.memory_space<vmem>>, vector<16xf32>,
    %get3A_872 = arith.constant 2 : i32
    %get3A_873 = arith.index_cast %get3A_872 : i32 to index
    %get3A_874 = arith.constant 0 : index
    %get3A_875 = tpu.vector_load %arg7[%get3A_873, %get3A_874] {strides = array<i32>} : memref<30x26xf32, #tpu.memory_space<vmem>>, vector<16xf32>,
    %mul3A_876 = arith.mulf %get3A_875, %gather3A : vector<16xf32>
    %get3A_877 = arith.constant 2 : i32
    %get3A_878 = arith.index_cast %get3A_877 : i32 to index
    %get3A_879 = arith.constant 10 : index
    %get3A_880 = tpu.vector_load %arg7[%get3A_878, %get3A_879] {strides = array<i32>} : memref<30x26xf32, #tpu.memory_space<vmem>>, vector<16xf32>,
    %mul3A_881 = arith.mulf %get3A_880, %gather3A : vector<16xf32>
    %swap3A_882 = arith.constant 52 : index
    %swap3A_883 = tpu.vector_load %arg9[%swap3A_882] {strides = array<i32>} : memref<784xf32, #tpu.memory_space<vmem>>, vector<16xf32>,
    tpu.vector_store %arg9[%swap3A_882], %mul3A_876 {strides = array<i32>} : memref<784xf32, #tpu.memory_space<vmem>>, vector<16xf32>,
    %swap3A_884 = arith.constant 62 : index
    %swap3A_885 = tpu.vector_load %arg9[%swap3A_884] {strides = array<i32>} : memref<784xf32, #tpu.memory_space<vmem>>, vector<16xf32>,
    tpu.vector_store %arg9[%swap3A_884], %mul3A_881 {strides = array<i32>} : memref<784xf32, #tpu.memory_space<vmem>>, vector<16xf32>,
    %get3A_886 = arith.constant 3 : i32
    %get3A_887 = arith.index_cast %get3A_886 : i32 to index
    %get3A_888 = arith.constant 0 : index
    %get3A_889 = tpu.vector_load %arg7[%get3A_887, %get3A_888] {strides = array<i32>} : memref<30x26xf32, #tpu.memory_space<vmem>>, vector<16xf32>,
    %mul3A_890 = arith.mulf %get3A_889, %gather3A : vector<16xf32>
    %get3A_891 = arith.constant 3 : i32
    %get3A_892 = arith.index_cast %get3A_891 : i32 to index
    %get3A_893 = arith.constant 10 : index
    %get3A_894 = tpu.vector_load %arg7[%get3A_892, %get3A_893] {strides = array<i32>} : memref<30x26xf32, #tpu.memory_space<vmem>>, vector<16xf32>,
    %mul3A_895 = arith.mulf %get3A_894, %gather3A : vector<16xf32>
    %swap3A_896 = arith.constant 78 : index
    %swap3A_897 = tpu.vector_load %arg9[%swap3A_896] {strides = array<i32>} : memref<784xf32, #tpu.memory_space<vmem>>, vector<16xf32>,
    tpu.vector_store %arg9[%swap3A_896], %mul3A_890 {strides = array<i32>} : memref<784xf32, #tpu.memory_space<vmem>>, vector<16xf32>,
    %swap3A_898 = arith.constant 88 : index
    %swap3A_899 = tpu.vector_load %arg9[%swap3A_898] {strides = array<i32>} : memref<784xf32, #tpu.memory_space<vmem>>, vector<16xf32>,
    tpu.vector_store %arg9[%swap3A_898], %mul3A_895 {strides = array<i32>} : memref<784xf32, #tpu.memory_space<vmem>>, vector<16xf32>,
    %get3A_900 = arith.constant 4 : i32
    %get3A_901 = arith.index_cast %get3A_900 : i32 to index
    %get3A_902 = arith.constant 0 : index
    %get3A_903 = tpu.vector_load %arg7[%get3A_901, %get3A_902] {strides = array<i32>} : memref<30x26xf32, #tpu.memory_space<vmem>>, vector<16xf32>,
    %mul3A_904 = arith.mulf %get3A_903, %gather3A : vector<16xf32>
    %get3A_905 = arith.constant 4 : i32
    %get3A_906 = arith.index_cast %get3A_905 : i32 to index
    %get3A_907 = arith.constant 10 : index
    %get3A_908 = tpu.vector_load %arg7[%get3A_906, %get3A_907] {strides = array<i32>} : memref<30x26xf32, #tpu.memory_space<vmem>>, vector<16xf32>,
    %mul3A_909 = arith.mulf %get3A_908, %gather3A : vector<16xf32>
    %swap3A_910 = arith.constant 104 : index
    %swap3A_911 = tpu.vector_load %arg9[%swap3A_910] {strides = array<i32>} : memref<784xf32, #tpu.memory_space<vmem>>, vector<16xf32>,
    tpu.vector_store %arg9[%swap3A_910], %mul3A_904 {strides = array<i32>} : memref<784xf32, #tpu.memory_space<vmem>>, vector<16xf32>,
    %swap3A_912 = arith.constant 114 : index
    %swap3A_913 = tpu.vector_load %arg9[%swap3A_912] {strides = array<i32>} : memref<784xf32, #tpu.memory_space<vmem>>, vector<16xf32>,
    tpu.vector_store %arg9[%swap3A_912], %mul3A_909 {strides = array<i32>} : memref<784xf32, #tpu.memory_space<vmem>>, vector<16xf32>,
    %get3A_914 = arith.constant 5 : i32
    %get3A_915 = arith.index_cast %get3A_914 : i32 to index
    %get3A_916 = arith.constant 0 : index
    %get3A_917 = tpu.vector_load %arg7[%get3A_915, %get3A_916] {strides = array<i32>} : memref<30x26xf32, #tpu.memory_space<vmem>>, vector<16xf32>,
    %mul3A_918 = arith.mulf %get3A_917, %gather3A : vector<16xf32>
    %get3A_919 = arith.constant 5 : i32
    %get3A_920 = arith.index_cast %get3A_919 : i32 to index
    %get3A_921 = arith.constant 10 : index
    %get3A_922 = tpu.vector_load %arg7[%get3A_920, %get3A_921] {strides = array<i32>} : memref<30x26xf32, #tpu.memory_space<vmem>>, vector<16xf32>,
    %mul3A_923 = arith.mulf %get3A_922, %gather3A : vector<16xf32>
    %swap3A_924 = arith.constant 130 : index
    %swap3A_925 = tpu.vector_load %arg9[%swap3A_924] {strides = array<i32>} : memref<784xf32, #tpu.memory_space<vmem>>, vector<16xf32>,
    tpu.vector_store %arg9[%swap3A_924], %mul3A_918 {strides = array<i32>} : memref<784xf32, #tpu.memory_space<vmem>>, vector<16xf32>,
    %swap3A_926 = arith.constant 140 : index
    %swap3A_927 = tpu.vector_load %arg9[%swap3A_926] {strides = array<i32>} : memref<784xf32, #tpu.memory_space<vmem>>, vector<16xf32>,
    tpu.vector_store %arg9[%swap3A_926], %mul3A_923 {strides = array<i32>} : memref<784xf32, #tpu.memory_space<vmem>>, vector<16xf32>,
    %get3A_928 = arith.constant 6 : i32
    %get3A_929 = arith.index_cast %get3A_928 : i32 to index
    %get3A_930 = arith.constant 0 : index
    %get3A_931 = tpu.vector_load %arg7[%get3A_929, %get3A_930] {strides = array<i32>} : memref<30x26xf32, #tpu.memory_space<vmem>>, vector<16xf32>,
    %mul3A_932 = arith.mulf %get3A_931, %gather3A : vector<16xf32>
    %get3A_933 = arith.constant 6 : i32
    %get3A_934 = arith.index_cast %get3A_933 : i32 to index
    %get3A_935 = arith.constant 10 : index
    %get3A_936 = tpu.vector_load %arg7[%get3A_934, %get3A_935] {strides = array<i32>} : memref<30x26xf32, #tpu.memory_space<vmem>>, vector<16xf32>,
    %mul3A_937 = arith.mulf %get3A_936, %gather3A : vector<16xf32>
    %swap3A_938 = arith.constant 156 : index
    %swap3A_939 = tpu.vector_load %arg9[%swap3A_938] {strides = array<i32>} : memref<784xf32, #tpu.memory_space<vmem>>, vector<16xf32>,
    tpu.vector_store %arg9[%swap3A_938], %mul3A_932 {strides = array<i32>} : memref<784xf32, #tpu.memory_space<vmem>>, vector<16xf32>,
    %swap3A_940 = arith.constant 166 : index
    %swap3A_941 = tpu.vector_load %arg9[%swap3A_940] {strides = array<i32>} : memref<784xf32, #tpu.memory_space<vmem>>, vector<16xf32>,
    tpu.vector_store %arg9[%swap3A_940], %mul3A_937 {strides = array<i32>} : memref<784xf32, #tpu.memory_space<vmem>>, vector<16xf32>,
    %get3A_942 = arith.constant 7 : i32
    %get3A_943 = arith.index_cast %get3A_942 : i32 to index
    %get3A_944 = arith.constant 0 : index
    %get3A_945 = tpu.vector_load %arg7[%get3A_943, %get3A_944] {strides = array<i32>} : memref<30x26xf32, #tpu.memory_space<vmem>>, vector<16xf32>,
    %mul3A_946 = arith.mulf %get3A_945, %gather3A : vector<16xf32>
    %get3A_947 = arith.constant 7 : i32
    %get3A_948 = arith.index_cast %get3A_947 : i32 to index
    %get3A_949 = arith.constant 10 : index
    %get3A_950 = tpu.vector_load %arg7[%get3A_948, %get3A_949] {strides = array<i32>} : memref<30x26xf32, #tpu.memory_space<vmem>>, vector<16xf32>,
    %mul3A_951 = arith.mulf %get3A_950, %gather3A : vector<16xf32>
    %swap3A_952 = arith.constant 182 : index
    %swap3A_953 = tpu.vector_load %arg9[%swap3A_952] {strides = array<i32>} : memref<784xf32, #tpu.memory_space<vmem>>, vector<16xf32>,
    tpu.vector_store %arg9[%swap3A_952], %mul3A_946 {strides = array<i32>} : memref<784xf32, #tpu.memory_space<vmem>>, vector<16xf32>,
    %swap3A_954 = arith.constant 192 : index
    %swap3A_955 = tpu.vector_load %arg9[%swap3A_954] {strides = array<i32>} : memref<784xf32, #tpu.memory_space<vmem>>, vector<16xf32>,
    tpu.vector_store %arg9[%swap3A_954], %mul3A_951 {strides = array<i32>} : memref<784xf32, #tpu.memory_space<vmem>>, vector<16xf32>,
    %get3A_956 = arith.constant 8 : i32
    %get3A_957 = arith.index_cast %get3A_956 : i32 to index
    %get3A_958 = arith.constant 0 : index
    %get3A_959 = tpu.vector_load %arg7[%get3A_957, %get3A_958] {strides = array<i32>} : memref<30x26xf32, #tpu.memory_space<vmem>>, vector<16xf32>,
    %mul3A_960 = arith.mulf %get3A_959, %gather3A : vector<16xf32>
    %get3A_961 = arith.constant 8 : i32
    %get3A_962 = arith.index_cast %get3A_961 : i32 to index
    %get3A_963 = arith.constant 10 : index
    %get3A_964 = tpu.vector_load %arg7[%get3A_962, %get3A_963] {strides = array<i32>} : memref<30x26xf32, #tpu.memory_space<vmem>>, vector<16xf32>,
    %mul3A_965 = arith.mulf %get3A_964, %gather3A : vector<16xf32>
    %swap3A_966 = arith.constant 208 : index
    %swap3A_967 = tpu.vector_load %arg9[%swap3A_966] {strides = array<i32>} : memref<784xf32, #tpu.memory_space<vmem>>, vector<16xf32>,
    tpu.vector_store %arg9[%swap3A_966], %mul3A_960 {strides = array<i32>} : memref<784xf32, #tpu.memory_space<vmem>>, vector<16xf32>,
    %swap3A_968 = arith.constant 218 : index
    %swap3A_969 = tpu.vector_load %arg9[%swap3A_968] {strides = array<i32>} : memref<784xf32, #tpu.memory_space<vmem>>, vector<16xf32>,
    tpu.vector_store %arg9[%swap3A_968], %mul3A_965 {strides = array<i32>} : memref<784xf32, #tpu.memory_space<vmem>>, vector<16xf32>,
    %get3A_970 = arith.constant 9 : i32
    %get3A_971 = arith.index_cast %get3A_970 : i32 to index
    %get3A_972 = arith.constant 0 : index
    %get3A_973 = tpu.vector_load %arg7[%get3A_971, %get3A_972] {strides = array<i32>} : memref<30x26xf32, #tpu.memory_space<vmem>>, vector<16xf32>,
    %mul3A_974 = arith.mulf %get3A_973, %gather3A : vector<16xf32>
    %get3A_975 = arith.constant 9 : i32
    %get3A_976 = arith.index_cast %get3A_975 : i32 to index
    %get3A_977 = arith.constant 10 : index
    %get3A_978 = tpu.vector_load %arg7[%get3A_976, %get3A_977] {strides = array<i32>} : memref<30x26xf32, #tpu.memory_space<vmem>>, vector<16xf32>,
    %mul3A_979 = arith.mulf %get3A_978, %gather3A : vector<16xf32>
    %swap3A_980 = arith.constant 234 : index
    %swap3A_981 = tpu.vector_load %arg9[%swap3A_980] {strides = array<i32>} : memref<784xf32, #tpu.memory_space<vmem>>, vector<16xf32>,
    tpu.vector_store %arg9[%swap3A_980], %mul3A_974 {strides = array<i32>} : memref<784xf32, #tpu.memory_space<vmem>>, vector<16xf32>,
    %swap3A_982 = arith.constant 244 : index
    %swap3A_983 = tpu.vector_load %arg9[%swap3A_982] {strides = array<i32>} : memref<784xf32, #tpu.memory_space<vmem>>, vector<16xf32>,
    tpu.vector_store %arg9[%swap3A_982], %mul3A_979 {strides = array<i32>} : memref<784xf32, #tpu.memory_space<vmem>>, vector<16xf32>,
    %get3A_984 = arith.constant 10 : i32
    %get3A_985 = arith.index_cast %get3A_984 : i32 to index
    %get3A_986 = arith.constant 0 : index
    %get3A_987 = tpu.vector_load %arg7[%get3A_985, %get3A_986] {strides = array<i32>} : memref<30x26xf32, #tpu.memory_space<vmem>>, vector<16xf32>,
    %mul3A_988 = arith.mulf %get3A_987, %gather3A : vector<16xf32>
    %get3A_989 = arith.constant 10 : i32
    %get3A_990 = arith.index_cast %get3A_989 : i32 to index
    %get3A_991 = arith.constant 10 : index
    %get3A_992 = tpu.vector_load %arg7[%get3A_990, %get3A_991] {strides = array<i32>} : memref<30x26xf32, #tpu.memory_space<vmem>>, vector<16xf32>,
    %mul3A_993 = arith.mulf %get3A_992, %gather3A : vector<16xf32>
    %swap3A_994 = arith.constant 260 : index
    %swap3A_995 = tpu.vector_load %arg9[%swap3A_994] {strides = array<i32>} : memref<784xf32, #tpu.memory_space<vmem>>, vector<16xf32>,
    tpu.vector_store %arg9[%swap3A_994], %mul3A_988 {strides = array<i32>} : memref<784xf32, #tpu.memory_space<vmem>>, vector<16xf32>,
    %swap3A_996 = arith.constant 270 : index
    %swap3A_997 = tpu.vector_load %arg9[%swap3A_996] {strides = array<i32>} : memref<784xf32, #tpu.memory_space<vmem>>, vector<16xf32>,
    tpu.vector_store %arg9[%swap3A_996], %mul3A_993 {strides = array<i32>} : memref<784xf32, #tpu.memory_space<vmem>>, vector<16xf32>,
    %get3A_998 = arith.constant 11 : i32
    %get3A_999 = arith.index_cast %get3A_998 : i32 to index
    %get3A_1000 = arith.constant 0 : index
    %get3A_1001 = tpu.vector_load %arg7[%get3A_999, %get3A_1000] {strides = array<i32>} : memref<30x26xf32, #tpu.memory_space<vmem>>, vector<16xf32>,
    %mul3A_1002 = arith.mulf %get3A_1001, %gather3A : vector<16xf32>
    %get3A_1003 = arith.constant 11 : i32
    %get3A_1004 = arith.index_cast %get3A_1003 : i32 to index
    %get3A_1005 = arith.constant 10 : index
    %get3A_1006 = tpu.vector_load %arg7[%get3A_1004, %get3A_1005] {strides = array<i32>} : memref<30x26xf32, #tpu.memory_space<vmem>>, vector<16xf32>,
    %mul3A_1007 = arith.mulf %get3A_1006, %gather3A : vector<16xf32>
    %swap3A_1008 = arith.constant 286 : index
    %swap3A_1009 = tpu.vector_load %arg9[%swap3A_1008] {strides = array<i32>} : memref<784xf32, #tpu.memory_space<vmem>>, vector<16xf32>,
    tpu.vector_store %arg9[%swap3A_1008], %mul3A_1002 {strides = array<i32>} : memref<784xf32, #tpu.memory_space<vmem>>, vector<16xf32>,
    %swap3A_1010 = arith.constant 296 : index
    %swap3A_1011 = tpu.vector_load %arg9[%swap3A_1010] {strides = array<i32>} : memref<784xf32, #tpu.memory_space<vmem>>, vector<16xf32>,
    tpu.vector_store %arg9[%swap3A_1010], %mul3A_1007 {strides = array<i32>} : memref<784xf32, #tpu.memory_space<vmem>>, vector<16xf32>,
    %get3A_1012 = arith.constant 12 : i32
    %get3A_1013 = arith.index_cast %get3A_1012 : i32 to index
    %get3A_1014 = arith.constant 0 : index
    %get3A_1015 = tpu.vector_load %arg7[%get3A_1013, %get3A_1014] {strides = array<i32>} : memref<30x26xf32, #tpu.memory_space<vmem>>, vector<16xf32>,
    %mul3A_1016 = arith.mulf %get3A_1015, %gather3A : vector<16xf32>
    %get3A_1017 = arith.constant 12 : i32
    %get3A_1018 = arith.index_cast %get3A_1017 : i32 to index
    %get3A_1019 = arith.constant 10 : index
    %get3A_1020 = tpu.vector_load %arg7[%get3A_1018, %get3A_1019] {strides = array<i32>} : memref<30x26xf32, #tpu.memory_space<vmem>>, vector<16xf32>,
    %mul3A_1021 = arith.mulf %get3A_1020, %gather3A : vector<16xf32>
    %swap3A_1022 = arith.constant 312 : index
    %swap3A_1023 = tpu.vector_load %arg9[%swap3A_1022] {strides = array<i32>} : memref<784xf32, #tpu.memory_space<vmem>>, vector<16xf32>,
    tpu.vector_store %arg9[%swap3A_1022], %mul3A_1016 {strides = array<i32>} : memref<784xf32, #tpu.memory_space<vmem>>, vector<16xf32>,
    %swap3A_1024 = arith.constant 322 : index
    %swap3A_1025 = tpu.vector_load %arg9[%swap3A_1024] {strides = array<i32>} : memref<784xf32, #tpu.memory_space<vmem>>, vector<16xf32>,
    tpu.vector_store %arg9[%swap3A_1024], %mul3A_1021 {strides = array<i32>} : memref<784xf32, #tpu.memory_space<vmem>>, vector<16xf32>,
    %get3A_1026 = arith.constant 13 : i32
    %get3A_1027 = arith.index_cast %get3A_1026 : i32 to index
    %get3A_1028 = arith.constant 0 : index
    %get3A_1029 = tpu.vector_load %arg7[%get3A_1027, %get3A_1028] {strides = array<i32>} : memref<30x26xf32, #tpu.memory_space<vmem>>, vector<16xf32>,
    %mul3A_1030 = arith.mulf %get3A_1029, %gather3A : vector<16xf32>
    %get3A_1031 = arith.constant 13 : i32
    %get3A_1032 = arith.index_cast %get3A_1031 : i32 to index
    %get3A_1033 = arith.constant 10 : index
    %get3A_1034 = tpu.vector_load %arg7[%get3A_1032, %get3A_1033] {strides = array<i32>} : memref<30x26xf32, #tpu.memory_space<vmem>>, vector<16xf32>,
    %mul3A_1035 = arith.mulf %get3A_1034, %gather3A : vector<16xf32>
    %swap3A_1036 = arith.constant 338 : index
    %swap3A_1037 = tpu.vector_load %arg9[%swap3A_1036] {strides = array<i32>} : memref<784xf32, #tpu.memory_space<vmem>>, vector<16xf32>,
    tpu.vector_store %arg9[%swap3A_1036], %mul3A_1030 {strides = array<i32>} : memref<784xf32, #tpu.memory_space<vmem>>, vector<16xf32>,
    %swap3A_1038 = arith.constant 348 : index
    %swap3A_1039 = tpu.vector_load %arg9[%swap3A_1038] {strides = array<i32>} : memref<784xf32, #tpu.memory_space<vmem>>, vector<16xf32>,
    tpu.vector_store %arg9[%swap3A_1038], %mul3A_1035 {strides = array<i32>} : memref<784xf32, #tpu.memory_space<vmem>>, vector<16xf32>,
    %get3A_1040 = arith.constant 14 : i32
    %get3A_1041 = arith.index_cast %get3A_1040 : i32 to index
    %get3A_1042 = arith.constant 0 : index
    %get3A_1043 = tpu.vector_load %arg7[%get3A_1041, %get3A_1042] {strides = array<i32>} : memref<30x26xf32, #tpu.memory_space<vmem>>, vector<16xf32>,
    %mul3A_1044 = arith.mulf %get3A_1043, %gather3A : vector<16xf32>
    %get3A_1045 = arith.constant 14 : i32
    %get3A_1046 = arith.index_cast %get3A_1045 : i32 to index
    %get3A_1047 = arith.constant 10 : index
    %get3A_1048 = tpu.vector_load %arg7[%get3A_1046, %get3A_1047] {strides = array<i32>} : memref<30x26xf32, #tpu.memory_space<vmem>>, vector<16xf32>,
    %mul3A_1049 = arith.mulf %get3A_1048, %gather3A : vector<16xf32>
    %swap3A_1050 = arith.constant 364 : index
    %swap3A_1051 = tpu.vector_load %arg9[%swap3A_1050] {strides = array<i32>} : memref<784xf32, #tpu.memory_space<vmem>>, vector<16xf32>,
    tpu.vector_store %arg9[%swap3A_1050], %mul3A_1044 {strides = array<i32>} : memref<784xf32, #tpu.memory_space<vmem>>, vector<16xf32>,
    %swap3A_1052 = arith.constant 374 : index
    %swap3A_1053 = tpu.vector_load %arg9[%swap3A_1052] {strides = array<i32>} : memref<784xf32, #tpu.memory_space<vmem>>, vector<16xf32>,
    tpu.vector_store %arg9[%swap3A_1052], %mul3A_1049 {strides = array<i32>} : memref<784xf32, #tpu.memory_space<vmem>>, vector<16xf32>,
    %get3A_1054 = arith.constant 15 : i32
    %get3A_1055 = arith.index_cast %get3A_1054 : i32 to index
    %get3A_1056 = arith.constant 0 : index
    %get3A_1057 = tpu.vector_load %arg7[%get3A_1055, %get3A_1056] {strides = array<i32>} : memref<30x26xf32, #tpu.memory_space<vmem>>, vector<16xf32>,
    %mul3A_1058 = arith.mulf %get3A_1057, %gather3A : vector<16xf32>
    %get3A_1059 = arith.constant 15 : i32
    %get3A_1060 = arith.index_cast %get3A_1059 : i32 to index
    %get3A_1061 = arith.constant 10 : index
    %get3A_1062 = tpu.vector_load %arg7[%get3A_1060, %get3A_1061] {strides = array<i32>} : memref<30x26xf32, #tpu.memory_space<vmem>>, vector<16xf32>,
    %mul3A_1063 = arith.mulf %get3A_1062, %gather3A : vector<16xf32>
    %swap3A_1064 = arith.constant 390 : index
    %swap3A_1065 = tpu.vector_load %arg9[%swap3A_1064] {strides = array<i32>} : memref<784xf32, #tpu.memory_space<vmem>>, vector<16xf32>,
    tpu.vector_store %arg9[%swap3A_1064], %mul3A_1058 {strides = array<i32>} : memref<784xf32, #tpu.memory_space<vmem>>, vector<16xf32>,
    %swap3A_1066 = arith.constant 400 : index
    %swap3A_1067 = tpu.vector_load %arg9[%swap3A_1066] {strides = array<i32>} : memref<784xf32, #tpu.memory_space<vmem>>, vector<16xf32>,
    tpu.vector_store %arg9[%swap3A_1066], %mul3A_1063 {strides = array<i32>} : memref<784xf32, #tpu.memory_space<vmem>>, vector<16xf32>,
    %get3A_1068 = arith.constant 16 : i32
    %get3A_1069 = arith.index_cast %get3A_1068 : i32 to index
    %get3A_1070 = arith.constant 0 : index
    %get3A_1071 = tpu.vector_load %arg7[%get3A_1069, %get3A_1070] {strides = array<i32>} : memref<30x26xf32, #tpu.memory_space<vmem>>, vector<16xf32>,
    %mul3A_1072 = arith.mulf %get3A_1071, %gather3A : vector<16xf32>
    %get3A_1073 = arith.constant 16 : i32
    %get3A_1074 = arith.index_cast %get3A_1073 : i32 to index
    %get3A_1075 = arith.constant 10 : index
    %get3A_1076 = tpu.vector_load %arg7[%get3A_1074, %get3A_1075] {strides = array<i32>} : memref<30x26xf32, #tpu.memory_space<vmem>>, vector<16xf32>,
    %mul3A_1077 = arith.mulf %get3A_1076, %gather3A : vector<16xf32>
    %swap3A_1078 = arith.constant 416 : index
    %swap3A_1079 = tpu.vector_load %arg9[%swap3A_1078] {strides = array<i32>} : memref<784xf32, #tpu.memory_space<vmem>>, vector<16xf32>,
    tpu.vector_store %arg9[%swap3A_1078], %mul3A_1072 {strides = array<i32>} : memref<784xf32, #tpu.memory_space<vmem>>, vector<16xf32>,
    %swap3A_1080 = arith.constant 426 : index
    %swap3A_1081 = tpu.vector_load %arg9[%swap3A_1080] {strides = array<i32>} : memref<784xf32, #tpu.memory_space<vmem>>, vector<16xf32>,
    tpu.vector_store %arg9[%swap3A_1080], %mul3A_1077 {strides = array<i32>} : memref<784xf32, #tpu.memory_space<vmem>>, vector<16xf32>,
    %get3A_1082 = arith.constant 17 : i32
    %get3A_1083 = arith.index_cast %get3A_1082 : i32 to index
    %get3A_1084 = arith.constant 0 : index
    %get3A_1085 = tpu.vector_load %arg7[%get3A_1083, %get3A_1084] {strides = array<i32>} : memref<30x26xf32, #tpu.memory_space<vmem>>, vector<16xf32>,
    %mul3A_1086 = arith.mulf %get3A_1085, %gather3A : vector<16xf32>
    %get3A_1087 = arith.constant 17 : i32
    %get3A_1088 = arith.index_cast %get3A_1087 : i32 to index
    %get3A_1089 = arith.constant 10 : index
    %get3A_1090 = tpu.vector_load %arg7[%get3A_1088, %get3A_1089] {strides = array<i32>} : memref<30x26xf32, #tpu.memory_space<vmem>>, vector<16xf32>,
    %mul3A_1091 = arith.mulf %get3A_1090, %gather3A : vector<16xf32>
    %swap3A_1092 = arith.constant 442 : index
    %swap3A_1093 = tpu.vector_load %arg9[%swap3A_1092] {strides = array<i32>} : memref<784xf32, #tpu.memory_space<vmem>>, vector<16xf32>,
    tpu.vector_store %arg9[%swap3A_1092], %mul3A_1086 {strides = array<i32>} : memref<784xf32, #tpu.memory_space<vmem>>, vector<16xf32>,
    %swap3A_1094 = arith.constant 452 : index
    %swap3A_1095 = tpu.vector_load %arg9[%swap3A_1094] {strides = array<i32>} : memref<784xf32, #tpu.memory_space<vmem>>, vector<16xf32>,
    tpu.vector_store %arg9[%swap3A_1094], %mul3A_1091 {strides = array<i32>} : memref<784xf32, #tpu.memory_space<vmem>>, vector<16xf32>,
    %get3A_1096 = arith.constant 18 : i32
    %get3A_1097 = arith.index_cast %get3A_1096 : i32 to index
    %get3A_1098 = arith.constant 0 : index
    %get3A_1099 = tpu.vector_load %arg7[%get3A_1097, %get3A_1098] {strides = array<i32>} : memref<30x26xf32, #tpu.memory_space<vmem>>, vector<16xf32>,
    %mul3A_1100 = arith.mulf %get3A_1099, %gather3A : vector<16xf32>
    %get3A_1101 = arith.constant 18 : i32
    %get3A_1102 = arith.index_cast %get3A_1101 : i32 to index
    %get3A_1103 = arith.constant 10 : index
    %get3A_1104 = tpu.vector_load %arg7[%get3A_1102, %get3A_1103] {strides = array<i32>} : memref<30x26xf32, #tpu.memory_space<vmem>>, vector<16xf32>,
    %mul3A_1105 = arith.mulf %get3A_1104, %gather3A : vector<16xf32>
    %swap3A_1106 = arith.constant 468 : index
    %swap3A_1107 = tpu.vector_load %arg9[%swap3A_1106] {strides = array<i32>} : memref<784xf32, #tpu.memory_space<vmem>>, vector<16xf32>,
    tpu.vector_store %arg9[%swap3A_1106], %mul3A_1100 {strides = array<i32>} : memref<784xf32, #tpu.memory_space<vmem>>, vector<16xf32>,
    %swap3A_1108 = arith.constant 478 : index
    %swap3A_1109 = tpu.vector_load %arg9[%swap3A_1108] {strides = array<i32>} : memref<784xf32, #tpu.memory_space<vmem>>, vector<16xf32>,
    tpu.vector_store %arg9[%swap3A_1108], %mul3A_1105 {strides = array<i32>} : memref<784xf32, #tpu.memory_space<vmem>>, vector<16xf32>,
    %get3A_1110 = arith.constant 19 : i32
    %get3A_1111 = arith.index_cast %get3A_1110 : i32 to index
    %get3A_1112 = arith.constant 0 : index
    %get3A_1113 = tpu.vector_load %arg7[%get3A_1111, %get3A_1112] {strides = array<i32>} : memref<30x26xf32, #tpu.memory_space<vmem>>, vector<16xf32>,
    %mul3A_1114 = arith.mulf %get3A_1113, %gather3A : vector<16xf32>
    %get3A_1115 = arith.constant 19 : i32
    %get3A_1116 = arith.index_cast %get3A_1115 : i32 to index
    %get3A_1117 = arith.constant 10 : index
    %get3A_1118 = tpu.vector_load %arg7[%get3A_1116, %get3A_1117] {strides = array<i32>} : memref<30x26xf32, #tpu.memory_space<vmem>>, vector<16xf32>,
    %mul3A_1119 = arith.mulf %get3A_1118, %gather3A : vector<16xf32>
    %swap3A_1120 = arith.constant 494 : index
    %swap3A_1121 = tpu.vector_load %arg9[%swap3A_1120] {strides = array<i32>} : memref<784xf32, #tpu.memory_space<vmem>>, vector<16xf32>,
    tpu.vector_store %arg9[%swap3A_1120], %mul3A_1114 {strides = array<i32>} : memref<784xf32, #tpu.memory_space<vmem>>, vector<16xf32>,
    %swap3A_1122 = arith.constant 504 : index
    %swap3A_1123 = tpu.vector_load %arg9[%swap3A_1122] {strides = array<i32>} : memref<784xf32, #tpu.memory_space<vmem>>, vector<16xf32>,
    tpu.vector_store %arg9[%swap3A_1122], %mul3A_1119 {strides = array<i32>} : memref<784xf32, #tpu.memory_space<vmem>>, vector<16xf32>,
    %get3A_1124 = arith.constant 20 : i32
    %get3A_1125 = arith.index_cast %get3A_1124 : i32 to index
    %get3A_1126 = arith.constant 0 : index
    %get3A_1127 = tpu.vector_load %arg7[%get3A_1125, %get3A_1126] {strides = array<i32>} : memref<30x26xf32, #tpu.memory_space<vmem>>, vector<16xf32>,
    %mul3A_1128 = arith.mulf %get3A_1127, %gather3A : vector<16xf32>
    %get3A_1129 = arith.constant 20 : i32
    %get3A_1130 = arith.index_cast %get3A_1129 : i32 to index
    %get3A_1131 = arith.constant 10 : index
    %get3A_1132 = tpu.vector_load %arg7[%get3A_1130, %get3A_1131] {strides = array<i32>} : memref<30x26xf32, #tpu.memory_space<vmem>>, vector<16xf32>,
    %mul3A_1133 = arith.mulf %get3A_1132, %gather3A : vector<16xf32>
    %swap3A_1134 = arith.constant 520 : index
    %swap3A_1135 = tpu.vector_load %arg9[%swap3A_1134] {strides = array<i32>} : memref<784xf32, #tpu.memory_space<vmem>>, vector<16xf32>,
    tpu.vector_store %arg9[%swap3A_1134], %mul3A_1128 {strides = array<i32>} : memref<784xf32, #tpu.memory_space<vmem>>, vector<16xf32>,
    %swap3A_1136 = arith.constant 530 : index
    %swap3A_1137 = tpu.vector_load %arg9[%swap3A_1136] {strides = array<i32>} : memref<784xf32, #tpu.memory_space<vmem>>, vector<16xf32>,
    tpu.vector_store %arg9[%swap3A_1136], %mul3A_1133 {strides = array<i32>} : memref<784xf32, #tpu.memory_space<vmem>>, vector<16xf32>,
    %get3A_1138 = arith.constant 21 : i32
    %get3A_1139 = arith.index_cast %get3A_1138 : i32 to index
    %get3A_1140 = arith.constant 0 : index
    %get3A_1141 = tpu.vector_load %arg7[%get3A_1139, %get3A_1140] {strides = array<i32>} : memref<30x26xf32, #tpu.memory_space<vmem>>, vector<16xf32>,
    %mul3A_1142 = arith.mulf %get3A_1141, %gather3A : vector<16xf32>
    %get3A_1143 = arith.constant 21 : i32
    %get3A_1144 = arith.index_cast %get3A_1143 : i32 to index
    %get3A_1145 = arith.constant 10 : index
    %get3A_1146 = tpu.vector_load %arg7[%get3A_1144, %get3A_1145] {strides = array<i32>} : memref<30x26xf32, #tpu.memory_space<vmem>>, vector<16xf32>,
    %mul3A_1147 = arith.mulf %get3A_1146, %gather3A : vector<16xf32>
    %swap3A_1148 = arith.constant 546 : index
    %swap3A_1149 = tpu.vector_load %arg9[%swap3A_1148] {strides = array<i32>} : memref<784xf32, #tpu.memory_space<vmem>>, vector<16xf32>,
    tpu.vector_store %arg9[%swap3A_1148], %mul3A_1142 {strides = array<i32>} : memref<784xf32, #tpu.memory_space<vmem>>, vector<16xf32>,
    %swap3A_1150 = arith.constant 556 : index
    %swap3A_1151 = tpu.vector_load %arg9[%swap3A_1150] {strides = array<i32>} : memref<784xf32, #tpu.memory_space<vmem>>, vector<16xf32>,
    tpu.vector_store %arg9[%swap3A_1150], %mul3A_1147 {strides = array<i32>} : memref<784xf32, #tpu.memory_space<vmem>>, vector<16xf32>,
    %get3A_1152 = arith.constant 22 : i32
    %get3A_1153 = arith.index_cast %get3A_1152 : i32 to index
    %get3A_1154 = arith.constant 0 : index
    %get3A_1155 = tpu.vector_load %arg7[%get3A_1153, %get3A_1154] {strides = array<i32>} : memref<30x26xf32, #tpu.memory_space<vmem>>, vector<16xf32>,
    %mul3A_1156 = arith.mulf %get3A_1155, %gather3A : vector<16xf32>
    %get3A_1157 = arith.constant 22 : i32
    %get3A_1158 = arith.index_cast %get3A_1157 : i32 to index
    %get3A_1159 = arith.constant 10 : index
    %get3A_1160 = tpu.vector_load %arg7[%get3A_1158, %get3A_1159] {strides = array<i32>} : memref<30x26xf32, #tpu.memory_space<vmem>>, vector<16xf32>,
    %mul3A_1161 = arith.mulf %get3A_1160, %gather3A : vector<16xf32>
    %swap3A_1162 = arith.constant 572 : index
    %swap3A_1163 = tpu.vector_load %arg9[%swap3A_1162] {strides = array<i32>} : memref<784xf32, #tpu.memory_space<vmem>>, vector<16xf32>,
    tpu.vector_store %arg9[%swap3A_1162], %mul3A_1156 {strides = array<i32>} : memref<784xf32, #tpu.memory_space<vmem>>, vector<16xf32>,
    %swap3A_1164 = arith.constant 582 : index
    %swap3A_1165 = tpu.vector_load %arg9[%swap3A_1164] {strides = array<i32>} : memref<784xf32, #tpu.memory_space<vmem>>, vector<16xf32>,
    tpu.vector_store %arg9[%swap3A_1164], %mul3A_1161 {strides = array<i32>} : memref<784xf32, #tpu.memory_space<vmem>>, vector<16xf32>,
    %get3A_1166 = arith.constant 23 : i32
    %get3A_1167 = arith.index_cast %get3A_1166 : i32 to index
    %get3A_1168 = arith.constant 0 : index
    %get3A_1169 = tpu.vector_load %arg7[%get3A_1167, %get3A_1168] {strides = array<i32>} : memref<30x26xf32, #tpu.memory_space<vmem>>, vector<16xf32>,
    %mul3A_1170 = arith.mulf %get3A_1169, %gather3A : vector<16xf32>
    %get3A_1171 = arith.constant 23 : i32
    %get3A_1172 = arith.index_cast %get3A_1171 : i32 to index
    %get3A_1173 = arith.constant 10 : index
    %get3A_1174 = tpu.vector_load %arg7[%get3A_1172, %get3A_1173] {strides = array<i32>} : memref<30x26xf32, #tpu.memory_space<vmem>>, vector<16xf32>,
    %mul3A_1175 = arith.mulf %get3A_1174, %gather3A : vector<16xf32>
    %swap3A_1176 = arith.constant 598 : index
    %swap3A_1177 = tpu.vector_load %arg9[%swap3A_1176] {strides = array<i32>} : memref<784xf32, #tpu.memory_space<vmem>>, vector<16xf32>,
    tpu.vector_store %arg9[%swap3A_1176], %mul3A_1170 {strides = array<i32>} : memref<784xf32, #tpu.memory_space<vmem>>, vector<16xf32>,
    %swap3A_1178 = arith.constant 608 : index
    %swap3A_1179 = tpu.vector_load %arg9[%swap3A_1178] {strides = array<i32>} : memref<784xf32, #tpu.memory_space<vmem>>, vector<16xf32>,
    tpu.vector_store %arg9[%swap3A_1178], %mul3A_1175 {strides = array<i32>} : memref<784xf32, #tpu.memory_space<vmem>>, vector<16xf32>,
    %get3A_1180 = arith.constant 24 : i32
    %get3A_1181 = arith.index_cast %get3A_1180 : i32 to index
    %get3A_1182 = arith.constant 0 : index
    %get3A_1183 = tpu.vector_load %arg7[%get3A_1181, %get3A_1182] {strides = array<i32>} : memref<30x26xf32, #tpu.memory_space<vmem>>, vector<16xf32>,
    %mul3A_1184 = arith.mulf %get3A_1183, %gather3A : vector<16xf32>
    %get3A_1185 = arith.constant 24 : i32
    %get3A_1186 = arith.index_cast %get3A_1185 : i32 to index
    %get3A_1187 = arith.constant 10 : index
    %get3A_1188 = tpu.vector_load %arg7[%get3A_1186, %get3A_1187] {strides = array<i32>} : memref<30x26xf32, #tpu.memory_space<vmem>>, vector<16xf32>,
    %mul3A_1189 = arith.mulf %get3A_1188, %gather3A : vector<16xf32>
    %swap3A_1190 = arith.constant 624 : index
    %swap3A_1191 = tpu.vector_load %arg9[%swap3A_1190] {strides = array<i32>} : memref<784xf32, #tpu.memory_space<vmem>>, vector<16xf32>,
    tpu.vector_store %arg9[%swap3A_1190], %mul3A_1184 {strides = array<i32>} : memref<784xf32, #tpu.memory_space<vmem>>, vector<16xf32>,
    %swap3A_1192 = arith.constant 634 : index
    %swap3A_1193 = tpu.vector_load %arg9[%swap3A_1192] {strides = array<i32>} : memref<784xf32, #tpu.memory_space<vmem>>, vector<16xf32>,
    tpu.vector_store %arg9[%swap3A_1192], %mul3A_1189 {strides = array<i32>} : memref<784xf32, #tpu.memory_space<vmem>>, vector<16xf32>,
    %get3A_1194 = arith.constant 25 : i32
    %get3A_1195 = arith.index_cast %get3A_1194 : i32 to index
    %get3A_1196 = arith.constant 0 : index
    %get3A_1197 = tpu.vector_load %arg7[%get3A_1195, %get3A_1196] {strides = array<i32>} : memref<30x26xf32, #tpu.memory_space<vmem>>, vector<16xf32>,
    %mul3A_1198 = arith.mulf %get3A_1197, %gather3A : vector<16xf32>
    %get3A_1199 = arith.constant 25 : i32
    %get3A_1200 = arith.index_cast %get3A_1199 : i32 to index
    %get3A_1201 = arith.constant 10 : index
    %get3A_1202 = tpu.vector_load %arg7[%get3A_1200, %get3A_1201] {strides = array<i32>} : memref<30x26xf32, #tpu.memory_space<vmem>>, vector<16xf32>,
    %mul3A_1203 = arith.mulf %get3A_1202, %gather3A : vector<16xf32>
    %swap3A_1204 = arith.constant 650 : index
    %swap3A_1205 = tpu.vector_load %arg9[%swap3A_1204] {strides = array<i32>} : memref<784xf32, #tpu.memory_space<vmem>>, vector<16xf32>,
    tpu.vector_store %arg9[%swap3A_1204], %mul3A_1198 {strides = array<i32>} : memref<784xf32, #tpu.memory_space<vmem>>, vector<16xf32>,
    %swap3A_1206 = arith.constant 660 : index
    %swap3A_1207 = tpu.vector_load %arg9[%swap3A_1206] {strides = array<i32>} : memref<784xf32, #tpu.memory_space<vmem>>, vector<16xf32>,
    tpu.vector_store %arg9[%swap3A_1206], %mul3A_1203 {strides = array<i32>} : memref<784xf32, #tpu.memory_space<vmem>>, vector<16xf32>,
    %get3A_1208 = arith.constant 26 : i32
    %get3A_1209 = arith.index_cast %get3A_1208 : i32 to index
    %get3A_1210 = arith.constant 0 : index
    %get3A_1211 = tpu.vector_load %arg7[%get3A_1209, %get3A_1210] {strides = array<i32>} : memref<30x26xf32, #tpu.memory_space<vmem>>, vector<16xf32>,
    %mul3A_1212 = arith.mulf %get3A_1211, %gather3A : vector<16xf32>
    %get3A_1213 = arith.constant 26 : i32
    %get3A_1214 = arith.index_cast %get3A_1213 : i32 to index
    %get3A_1215 = arith.constant 10 : index
    %get3A_1216 = tpu.vector_load %arg7[%get3A_1214, %get3A_1215] {strides = array<i32>} : memref<30x26xf32, #tpu.memory_space<vmem>>, vector<16xf32>,
    %mul3A_1217 = arith.mulf %get3A_1216, %gather3A : vector<16xf32>
    %swap3A_1218 = arith.constant 676 : index
    %swap3A_1219 = tpu.vector_load %arg9[%swap3A_1218] {strides = array<i32>} : memref<784xf32, #tpu.memory_space<vmem>>, vector<16xf32>,
    tpu.vector_store %arg9[%swap3A_1218], %mul3A_1212 {strides = array<i32>} : memref<784xf32, #tpu.memory_space<vmem>>, vector<16xf32>,
    %swap3A_1220 = arith.constant 686 : index
    %swap3A_1221 = tpu.vector_load %arg9[%swap3A_1220] {strides = array<i32>} : memref<784xf32, #tpu.memory_space<vmem>>, vector<16xf32>,
    tpu.vector_store %arg9[%swap3A_1220], %mul3A_1217 {strides = array<i32>} : memref<784xf32, #tpu.memory_space<vmem>>, vector<16xf32>,
    %get3A_1222 = arith.constant 27 : i32
    %get3A_1223 = arith.index_cast %get3A_1222 : i32 to index
    %get3A_1224 = arith.constant 0 : index
    %get3A_1225 = tpu.vector_load %arg7[%get3A_1223, %get3A_1224] {strides = array<i32>} : memref<30x26xf32, #tpu.memory_space<vmem>>, vector<16xf32>,
    %mul3A_1226 = arith.mulf %get3A_1225, %gather3A : vector<16xf32>
    %get3A_1227 = arith.constant 27 : i32
    %get3A_1228 = arith.index_cast %get3A_1227 : i32 to index
    %get3A_1229 = arith.constant 10 : index
    %get3A_1230 = tpu.vector_load %arg7[%get3A_1228, %get3A_1229] {strides = array<i32>} : memref<30x26xf32, #tpu.memory_space<vmem>>, vector<16xf32>,
    %mul3A_1231 = arith.mulf %get3A_1230, %gather3A : vector<16xf32>
    %swap3A_1232 = arith.constant 702 : index
    %swap3A_1233 = tpu.vector_load %arg9[%swap3A_1232] {strides = array<i32>} : memref<784xf32, #tpu.memory_space<vmem>>, vector<16xf32>,
    tpu.vector_store %arg9[%swap3A_1232], %mul3A_1226 {strides = array<i32>} : memref<784xf32, #tpu.memory_space<vmem>>, vector<16xf32>,
    %swap3A_1234 = arith.constant 712 : index
    %swap3A_1235 = tpu.vector_load %arg9[%swap3A_1234] {strides = array<i32>} : memref<784xf32, #tpu.memory_space<vmem>>, vector<16xf32>,
    tpu.vector_store %arg9[%swap3A_1234], %mul3A_1231 {strides = array<i32>} : memref<784xf32, #tpu.memory_space<vmem>>, vector<16xf32>,
    %get3A_1236 = arith.constant 28 : i32
    %get3A_1237 = arith.index_cast %get3A_1236 : i32 to index
    %get3A_1238 = arith.constant 0 : index
    %get3A_1239 = tpu.vector_load %arg7[%get3A_1237, %get3A_1238] {strides = array<i32>} : memref<30x26xf32, #tpu.memory_space<vmem>>, vector<16xf32>,
    %mul3A_1240 = arith.mulf %get3A_1239, %gather3A : vector<16xf32>
    %get3A_1241 = arith.constant 28 : i32
    %get3A_1242 = arith.index_cast %get3A_1241 : i32 to index
    %get3A_1243 = arith.constant 10 : index
    %get3A_1244 = tpu.vector_load %arg7[%get3A_1242, %get3A_1243] {strides = array<i32>} : memref<30x26xf32, #tpu.memory_space<vmem>>, vector<16xf32>,
    %mul3A_1245 = arith.mulf %get3A_1244, %gather3A : vector<16xf32>
    %swap3A_1246 = arith.constant 728 : index
    %swap3A_1247 = tpu.vector_load %arg9[%swap3A_1246] {strides = array<i32>} : memref<784xf32, #tpu.memory_space<vmem>>, vector<16xf32>,
    tpu.vector_store %arg9[%swap3A_1246], %mul3A_1240 {strides = array<i32>} : memref<784xf32, #tpu.memory_space<vmem>>, vector<16xf32>,
    %swap3A_1248 = arith.constant 738 : index
    %swap3A_1249 = tpu.vector_load %arg9[%swap3A_1248] {strides = array<i32>} : memref<784xf32, #tpu.memory_space<vmem>>, vector<16xf32>,
    tpu.vector_store %arg9[%swap3A_1248], %mul3A_1245 {strides = array<i32>} : memref<784xf32, #tpu.memory_space<vmem>>, vector<16xf32>,
    %get3A_1250 = arith.constant 29 : i32
    %get3A_1251 = arith.index_cast %get3A_1250 : i32 to index
    %get3A_1252 = arith.constant 0 : index
    %get3A_1253 = tpu.vector_load %arg7[%get3A_1251, %get3A_1252] {strides = array<i32>} : memref<30x26xf32, #tpu.memory_space<vmem>>, vector<16xf32>,
    %mul3A_1254 = arith.mulf %get3A_1253, %gather3A : vector<16xf32>
    %get3A_1255 = arith.constant 29 : i32
    %get3A_1256 = arith.index_cast %get3A_1255 : i32 to index
    %get3A_1257 = arith.constant 10 : index
    %get3A_1258 = tpu.vector_load %arg7[%get3A_1256, %get3A_1257] {strides = array<i32>} : memref<30x26xf32, #tpu.memory_space<vmem>>, vector<16xf32>,
    %mul3A_1259 = arith.mulf %get3A_1258, %gather3A : vector<16xf32>
    %swap3A_1260 = arith.constant 754 : index
    %swap3A_1261 = tpu.vector_load %arg9[%swap3A_1260] {strides = array<i32>} : memref<784xf32, #tpu.memory_space<vmem>>, vector<16xf32>,
    tpu.vector_store %arg9[%swap3A_1260], %mul3A_1254 {strides = array<i32>} : memref<784xf32, #tpu.memory_space<vmem>>, vector<16xf32>,
    %swap3A_1262 = arith.constant 764 : index
    %swap3A_1263 = tpu.vector_load %arg9[%swap3A_1262] {strides = array<i32>} : memref<784xf32, #tpu.memory_space<vmem>>, vector<16xf32>,
    tpu.vector_store %arg9[%swap3A_1262], %mul3A_1259 {strides = array<i32>} : memref<784xf32, #tpu.memory_space<vmem>>, vector<16xf32>,
    "tpu.region"() ({
      %run_scoped3A = tpu.sem_alloc : memref<!tpu.dma_semaphore, #tpu.memory_space<semaphore_mem>>
      %dma_start3A_1264 = arith.constant 0 : i32
      %dma_start3A_1265 = tpu.memref_slice %arg5[%add3A, %dma_start3A_1264] : memref<32x784xf32, #tpu.memory_space<hbm>> -> memref<1x784xf32, #tpu.memory_space<hbm>>
      %dma_start3A_1266 = tpu.memref_squeeze %dma_start3A_1265 : memref<1x784xf32, #tpu.memory_space<hbm>> -> memref<784xf32, #tpu.memory_space<hbm>>
      %dma_start3A_1267 = arith.constant 0 : i32
      %dma_start3A_1268 = tpu.memref_slice %arg5[%add3A, %dma_start3A_1267] : memref<32x784xf32, #tpu.memory_space<hbm>> -> memref<1x784xf32, #tpu.memory_space<hbm>>
      %dma_start3A_1269 = tpu.memref_squeeze %dma_start3A_1268 : memref<1x784xf32, #tpu.memory_space<hbm>> -> memref<784xf32, #tpu.memory_space<hbm>>
      tpu.enqueue_dma source(%arg9 : memref<784xf32, #tpu.memory_space<vmem>>) target(%dma_start3A_1269 : memref<784xf32, #tpu.memory_space<hbm>>) target_semaphore(%run_scoped3A : memref<!tpu.dma_semaphore, #tpu.memory_space<semaphore_mem>>)
      %dma_wait3A_1270 = arith.constant 0 : i32
      %dma_wait3A_1271 = tpu.memref_slice %arg5[%add3A, %dma_wait3A_1270] : memref<32x784xf32, #tpu.memory_space<hbm>> -> memref<1x784xf32, #tpu.memory_space<hbm>>
      %dma_wait3A_1272 = tpu.memref_squeeze %dma_wait3A_1271 : memref<1x784xf32, #tpu.memory_space<hbm>> -> memref<784xf32, #tpu.memory_space<hbm>>
      %dma_wait3A_1273 = arith.constant 0 : i32
      %dma_wait3A_1274 = tpu.memref_slice %arg5[%add3A, %dma_wait3A_1273] : memref<32x784xf32, #tpu.memory_space<hbm>> -> memref<1x784xf32, #tpu.memory_space<hbm>>
      %dma_wait3A_1275 = tpu.memref_squeeze %dma_wait3A_1274 : memref<1x784xf32, #tpu.memory_space<hbm>> -> memref<784xf32, #tpu.memory_space<hbm>>
      tpu.wait_dma2 semaphore(%run_scoped3A : memref<!tpu.dma_semaphore, #tpu.memory_space<semaphore_mem>>) src(%arg9 : memref<784xf32, #tpu.memory_space<vmem>>) dst(%dma_wait3A_1275 : memref<784xf32, #tpu.memory_space<hbm>>)
      tpu.yield
    }) : () -> ()
    return
  }
}

module attributes {stable_mosaic.version = 14 : i64} {
  func.func @_topk_kernel(%arg0: memref<16x40000xf32, #tpu.memory_space<vmem>>, %arg1: memref<16x64xf32, #tpu.memory_space<vmem>>, %arg2: memref<16x64xi32, #tpu.memory_space<vmem>>, %arg3: memref<16x64xi32, #tpu.memory_space<vmem>>, %arg4: memref<16x40000xf32, #tpu.memory_space<vmem>>) attributes {dimension_semantics = [], scalar_prefetch = 0 : i64, scratch_operands = 1 : i64, tpu.core_type = #tpu.core_type<tc>} {
    %get3A = arith.constant 0 : index
    %get3A_0 = arith.constant 0 : index
    %get3A_1 = vector.load %arg0[%get3A, %get3A_0] : memref<16x40000xf32, #tpu.memory_space<vmem>>, vector<16x40000xf32>
    %swap3A = arith.constant 0 : index
    %swap3A_2 = arith.constant 0 : index
    %swap3A_3 = vector.load %arg4[%swap3A, %swap3A_2] : memref<16x40000xf32, #tpu.memory_space<vmem>>, vector<16x40000xf32>
    tpu.vector_store %arg4[%swap3A, %swap3A_2], %get3A_1 {strides = array<i32>} : memref<16x40000xf32, #tpu.memory_space<vmem>>, vector<16x40000xf32>,
    %iota3A = tpu.iota {dimensions = array<i32: 1>} : vector<16x40000xi32>
    %iota3A_4 = tpu.iota {dimensions = array<i32: 1>} : vector<16x64xi32>
    %broadcast_in_dim3A = arith.constant 0xFF800000 : f32
    %broadcast_in_dim3A_5 = vector.broadcast %broadcast_in_dim3A : f32 to vector<16x64xf32>
    %broadcast_in_dim3A_6 = arith.constant 0 : i32
    %broadcast_in_dim3A_7 = vector.broadcast %broadcast_in_dim3A_6 : i32 to vector<16x64xi32>
    %scan3A = arith.constant 0xFF800000 : f32
    %scan3A_8 = arith.constant 0 : i32
    %scan3A_9 = arith.constant 60 : i32
    %scan3A_10 = arith.addi %scan3A_8, %scan3A_9 : i32
    %scan3A_11 = arith.constant 1 : i32
    %scan3A_12:2 = scf.for %scan3A_70 = %scan3A_8 to %scan3A_10 step %scan3A_11 iter_args(%scan3A_71 = %broadcast_in_dim3A_5, %scan3A_72 = %broadcast_in_dim3A_7) -> (vector<16x64xf32>, vector<16x64xi32>)  : i32 {
      %get3A_73 = arith.constant 0 : index
      %get3A_74 = arith.constant 0 : index
      %get3A_75 = vector.load %arg4[%get3A_73, %get3A_74] : memref<16x40000xf32, #tpu.memory_space<vmem>>, vector<16x40000xf32>
      %reduce_max3A = arith.constant dense<0xFF800000> : vector<16xf32>
      %reduce_max3A_76 = vector.multi_reduction <maximumf>, %get3A_75, %reduce_max3A [1] : vector<16x40000xf32> to vector<16xf32>
      %broadcast_in_dim3A_77 = vector.shape_cast %reduce_max3A_76 : vector<16xf32> to vector<16x1xf32>
      %ge3A = vector.broadcast %broadcast_in_dim3A_77 : vector<16x1xf32> to vector<16x40000xf32>
      %ge3A_78 = arith.cmpf oge, %get3A_75, %ge3A : vector<16x40000xf32>
      %jit3A_79 = arith.constant 40000 : i32
      %broadcast_in_dim3A_80 = vector.broadcast %jit3A_79 : i32 to vector<16x40000xi32>
      %select_n3A_81 = arith.select %ge3A_78, %iota3A, %broadcast_in_dim3A_80 : vector<16x40000xi1>, vector<16x40000xi32>
      %reduce_min3A = arith.constant dense<2147483647> : vector<16xi32>
      %reduce_min3A_82 = vector.multi_reduction <minsi>, %select_n3A_81, %reduce_min3A [1] : vector<16x40000xi32> to vector<16xi32>
      %broadcast_in_dim3A_83 = vector.shape_cast %reduce_min3A_82 : vector<16xi32> to vector<16x1xi32>
      %eq3A_84 = vector.broadcast %broadcast_in_dim3A_83 : vector<16x1xi32> to vector<16x40000xi32>
      %eq3A_85 = arith.cmpi eq, %iota3A, %eq3A_84 : vector<16x40000xi32>
      %broadcast_in_dim3A_86 = vector.broadcast %scan3A : f32 to vector<16x40000xf32>
      %select_n3A_87 = arith.select %eq3A_85, %broadcast_in_dim3A_86, %get3A_75 : vector<16x40000xi1>, vector<16x40000xf32>
      %swap3A_88 = arith.constant 0 : index
      %swap3A_89 = arith.constant 0 : index
      %swap3A_90 = vector.load %arg4[%swap3A_88, %swap3A_89] : memref<16x40000xf32, #tpu.memory_space<vmem>>, vector<16x40000xf32>
      tpu.vector_store %arg4[%swap3A_88, %swap3A_89], %select_n3A_87 {strides = array<i32>} : memref<16x40000xf32, #tpu.memory_space<vmem>>, vector<16x40000xf32>,
      %eq3A_91 = vector.broadcast %scan3A_70 : i32 to vector<16x64xi32>
      %eq3A_92 = arith.cmpi eq, %iota3A_4, %eq3A_91 : vector<16x64xi32>
      %broadcast_in_dim3A_93 = vector.shape_cast %broadcast_in_dim3A_77 : vector<16x1xf32> to vector<16x1xf32>
      %broadcast_in_dim3A_94 = vector.broadcast %broadcast_in_dim3A_93 : vector<16x1xf32> to vector<16x64xf32>
      %select_n3A_95 = arith.select %eq3A_92, %broadcast_in_dim3A_94, %scan3A_71 : vector<16x64xi1>, vector<16x64xf32>
      %broadcast_in_dim3A_96 = vector.shape_cast %broadcast_in_dim3A_83 : vector<16x1xi32> to vector<16x1xi32>
      %broadcast_in_dim3A_97 = vector.broadcast %broadcast_in_dim3A_96 : vector<16x1xi32> to vector<16x64xi32>
      %select_n3A_98 = arith.select %eq3A_92, %broadcast_in_dim3A_97, %scan3A_72 : vector<16x64xi1>, vector<16x64xi32>
      scf.yield %select_n3A_95, %select_n3A_98 : vector<16x64xf32>, vector<16x64xi32>
    }
    %scan3A_13 = arith.constant 60 : i32
    %logistic3A = arith.negf %scan3A_12#0 : vector<16x64xf32>
    %logistic3A_14 = math.exp %logistic3A : vector<16x64xf32>
    %logistic3A_15 = arith.constant 1.000000e+00 : f32
    %logistic3A_16 = vector.broadcast %logistic3A_15 : f32 to vector<16x64xf32>
    %logistic3A_17 = arith.addf %logistic3A_16, %logistic3A_14 : vector<16x64xf32>
    %logistic3A_18 = arith.divf %logistic3A_16, %logistic3A_17 : vector<16x64xf32>
    %swap3A_19 = arith.constant 0 : index
    %swap3A_20 = arith.constant 0 : index
    %swap3A_21 = vector.load %arg1[%swap3A_19, %swap3A_20] : memref<16x64xf32, #tpu.memory_space<vmem>>, vector<16x64xf32>
    tpu.vector_store %arg1[%swap3A_19, %swap3A_20], %logistic3A_18 {strides = array<i32>} : memref<16x64xf32, #tpu.memory_space<vmem>>, vector<16x64xf32>,
    %jit3A = arith.constant 2 : i32
    %eq3A = arith.constant 0 : i32
    %eq3A_22 = arith.cmpi eq, %jit3A, %eq3A : i32
    %jit3A_23 = arith.constant 1 : i32
    %select_n3A = arith.select %eq3A_22, %jit3A_23, %jit3A : i32
    %rem3A = vector.broadcast %select_n3A : i32 to vector<16x64xi32>
    %rem3A_24 = arith.remsi %scan3A_12#1, %rem3A : vector<16x64xi32>
    %ne3A = arith.constant 0 : i32
    %ne3A_25 = vector.broadcast %ne3A : i32 to vector<16x64xi32>
    %ne3A_26 = arith.cmpi ne, %rem3A_24, %ne3A_25 : vector<16x64xi32>
    %lt3A = arith.constant 0 : i32
    %lt3A_27 = vector.broadcast %lt3A : i32 to vector<16x64xi32>
    %lt3A_28 = arith.cmpi slt, %rem3A_24, %lt3A_27 : vector<16x64xi32>
    %lt3A_29 = arith.constant 0 : i32
    %lt3A_30 = arith.cmpi slt, %select_n3A, %lt3A_29 : i32
    %ne3A_31 = vector.broadcast %lt3A_30 : i1 to vector<16x64xi1>
    %ne3A_32 = vector.broadcast %ne3A_31 : vector<16x64xi1> to vector<16x64xi1>
    %ne3A_33 = arith.xori %lt3A_28, %ne3A_32 : vector<16x64xi1>
    %and3A = arith.andi %ne3A_33, %ne3A_26 : vector<16x64xi1>
    %add3A = vector.broadcast %select_n3A : i32 to vector<16x64xi32>
    %add3A_34 = arith.addi %rem3A_24, %add3A : vector<16x64xi32>
    %select_n3A_35 = arith.select %and3A, %add3A_34, %rem3A_24 : vector<16x64xi1>, vector<16x64xi32>
    %swap3A_36 = arith.constant 0 : index
    %swap3A_37 = arith.constant 0 : index
    %swap3A_38 = vector.load %arg2[%swap3A_36, %swap3A_37] : memref<16x64xi32, #tpu.memory_space<vmem>>, vector<16x64xi32>
    tpu.vector_store %arg2[%swap3A_36, %swap3A_37], %select_n3A_35 {strides = array<i32>} : memref<16x64xi32, #tpu.memory_space<vmem>>, vector<16x64xi32>,
    %jit3A_39 = arith.constant 2 : i32
    %div3A = vector.broadcast %jit3A_39 : i32 to vector<16x64xi32>
    %div3A_40 = arith.divsi %scan3A_12#1, %div3A : vector<16x64xi32>
    %sign3A = arith.constant 0 : i32
    %sign3A_41 = vector.broadcast %sign3A : i32 to vector<16x64xi32>
    %sign3A_42 = arith.cmpi sgt, %scan3A_12#1, %sign3A_41 : vector<16x64xi32>
    %sign3A_43 = arith.extui %sign3A_42 : vector<16x64xi1> to vector<16x64xi32>
    %sign3A_44 = arith.constant 0 : i32
    %sign3A_45 = vector.broadcast %sign3A_44 : i32 to vector<16x64xi32>
    %sign3A_46 = arith.cmpi slt, %scan3A_12#1, %sign3A_45 : vector<16x64xi32>
    %sign3A_47 = arith.extui %sign3A_46 : vector<16x64xi1> to vector<16x64xi32>
    %sign3A_48 = arith.subi %sign3A_43, %sign3A_47 : vector<16x64xi32>
    %sign3A_49 = arith.constant 0 : i32
    %sign3A_50 = arith.cmpi sgt, %jit3A_39, %sign3A_49 : i32
    %sign3A_51 = arith.extui %sign3A_50 : i1 to i32
    %sign3A_52 = arith.constant 0 : i32
    %sign3A_53 = arith.cmpi slt, %jit3A_39, %sign3A_52 : i32
    %sign3A_54 = arith.extui %sign3A_53 : i1 to i32
    %sign3A_55 = arith.subi %sign3A_51, %sign3A_54 : i32
    %ne3A_56 = vector.broadcast %sign3A_55 : i32 to vector<16x64xi32>
    %ne3A_57 = arith.cmpi ne, %sign3A_48, %ne3A_56 : vector<16x64xi32>
    %rem3A_58 = vector.broadcast %jit3A_39 : i32 to vector<16x64xi32>
    %rem3A_59 = arith.remsi %scan3A_12#1, %rem3A_58 : vector<16x64xi32>
    %ne3A_60 = arith.constant 0 : i32
    %ne3A_61 = vector.broadcast %ne3A_60 : i32 to vector<16x64xi32>
    %ne3A_62 = arith.cmpi ne, %rem3A_59, %ne3A_61 : vector<16x64xi32>
    %and3A_63 = arith.andi %ne3A_57, %ne3A_62 : vector<16x64xi1>
    %sub3A = arith.constant 1 : i32
    %sub3A_64 = vector.broadcast %sub3A : i32 to vector<16x64xi32>
    %sub3A_65 = arith.subi %div3A_40, %sub3A_64 : vector<16x64xi32>
    %select_n3A_66 = arith.select %and3A_63, %sub3A_65, %div3A_40 : vector<16x64xi1>, vector<16x64xi32>
    %swap3A_67 = arith.constant 0 : index
    %swap3A_68 = arith.constant 0 : index
    %swap3A_69 = vector.load %arg3[%swap3A_67, %swap3A_68] : memref<16x64xi32, #tpu.memory_space<vmem>>, vector<16x64xi32>
    tpu.vector_store %arg3[%swap3A_67, %swap3A_68], %select_n3A_66 {strides = array<i32>} : memref<16x64xi32, #tpu.memory_space<vmem>>, vector<16x64xi32>,
    return
  }
}

</mosaic_0001>

<sc_bundles>
// kernel: kernel.4.cloned.1.call-start
scs
__scs_entry_jumppad:
0x0: {  	(pc) =	sbr.rel $0x88, $3  }
0x1: {  	(tag) =	ssettag $0x0;
	lr =	simm.s32 $0x1  }
0x2: {  	[smem:$0x3F9E] =	sst lr;
	_ =	strace $0xD0000000  }
0x3: {  	_ = 	snop  }
0x4: {  	_ = 	snop  }
0x5: {  	_ = 	snop  }
0x6: {  	_ = 	snop  }
0x7: {  	_ = 	snop  }
__scs_overlays_trampoline_lowered:
0x8: {  	[smem:$0x3FAD] =	sst s0  }
0x9: {  	[smem:$0x3FAE] =	sst s1  }
0xa: {  	[smem:$0x3FAF] =	sst s2  }
0xb: {  	[smem:$0x3FB0] =	sst s3  }
0xc: {  	[smem:$0x3FB1] =	sst s4  }
0xd: {  	[smem:$0x3FB2] =	sst s5  }
0xe: {  	[smem:$0x3FB3] =	sst s6  }
0xf: {  	[smem:$0x3FB4] =	sst s7  }
0x10: {  	[smem:$0x3FB5] =	sst s8  }
0x11: {  	[smem:$0x3FB6] =	sst s9;
	s0 =	simm.s32 @!p0 $0x0  }
0x12: {  	s1 =	sld [smem:$0x3F9C];
	s0 =	simm.s32 @p0 $0x1  }
0x13: {  	[smem:$0x3FB7] =	sst s0;
	s0 =	simm.s32 @!p1 $0x0  }
0x14: {  	s2 =	sld [smem:$0x3F9B];
	s0 =	simm.s32 @p1 $0x1  }
0x15: {  	[smem:$0x3FB8] =	sst s0;
	s0 =	simm.s32 @!p2 $0x0  }
0x16: {  	s3 =	sld [smem:$0x3FDB];
	s0 =	simm.s32 @p2 $0x1  }
0x17: {  	s4 =	simm.s32 $0x1BF5;
	[smem:$0x3FBA] =	sst s0  }
0x18: {  	s0 =	sld [smem:$0x3F9D];
	_ =	swait.ge [sflag:s4], $0x0  }
0x19: {  	s7 =	sld [smem:$0x3F9E]  }
0x1a: {  	s8 =	sadd.s32 $0xFFFFE003, lr  }
0x1b: {  	s9 =	sadd.s32 $0xFFFFFEF7, lr;
	s5 =	simm.s32 $0xFFFFFFFF;
	p2 =	slt.u32 s8, $0xFFFFF086  }
0x1c: {  	p1 =	slt.u32 s9, $0xF7A;
	s5 =	simm.s32 @!p2 $0x0  }
0x1d: {  	s5 =	simm.s32 @p1 $0x1;
	p0 =	seq.s32 s7, s2  }
0x1e: {  	s7 =	smul.u32 @!p0 $0xF7A, s2;
	p2 =	seq.s32 @!p0 s5, $0x0  }
0x1f: {  	s9 =	smul.u32 $0xF7A, s1;
	s8 =	simm.s32 @!p0 $0x1BF5;
	p2 =	por !p2, p0  }
0x20: {  	[sflag:s8] =	ssyncset.s32 @!p0 $0xFFFFF086;
	s6 =	sadd.s32 @!p0 s3, s7;
	s7 =	simm.s32 @!p0 $0x108  }
0x21: {  	s3 =	sadd.s32 s3, s9;
	s6 =	sadd.s32 @!p0 $0x88, s6;
	s7 =	simm.s32 @p2 $0x1082  }
0x22: {  	[simem:s7], [sflag:s8] =	dma.local @!p0 [hbm:s6], $0xF7A  }
0x23: {  	s9 =	sor.u32 $0xD0000000, s2;
	s6 =	simm.s32 $0x108;
	_ =	swait.ge @!p0 [sflag:s8], $0x0  }
0x24: {  	s3 =	sadd.s32 $0x88, s3;
	s6 =	simm.s32 @!p1 $0x1082;
	[sflag:s4] =	ssyncset.s32 $0xFFFFF086  }
0x25: {  	[simem:s6], [sflag:s4] =	dma.local [hbm:s3], $0xF7A  }
0x26: {  	[smem:$0x3F9E] =	sst s1;
	(tag) =	ssettag s2;
	_ =	strace s9  }
0x27: {  	s1 =	sld [smem:$0x3FAE]  }
0x28: {  	s2 =	sld [smem:$0x3FAF]  }
0x29: {  	s4 =	sld [smem:$0x3FB1]  }
0x2a: {  	p0 =	seq.s32 s5, $0x0;
	s5 =	sld [smem:$0x3FB2]  }
0x2b: {  	s6 =	sld [smem:$0x3FB3]  }
0x2c: {  	s7 =	sld [smem:$0x3FB4]  }
0x2d: {  	s3 =	simm.s32 $0x108;
	s8 =	sld [smem:$0x3FB5]  }
0x2e: {  	s3 =	simm.s32 @!p0 $0x1082;
	s9 =	sld [smem:$0x3FB6]  }
0x2f: {  	lr =	sadd.s32 s0, s3;
	s0 =	sld [smem:$0x3FAD]  }
0x30: {  	s3 =	sld [smem:$0x3FB0]  }
0x31: {  	[smem:$0x3FB9] =	sst s10  }
0x32: {  	s10 =	sld [smem:$0x3FB7];
	_ =	sdelay $0x3  }
0x33: {  	p0 =	seq.s32 s10, $0x1;
	s10 =	sld [smem:$0x3FB9];
	_ =	sdelay $0x3  }
0x34: {  	[smem:$0x3FB9] =	sst s10  }
0x35: {  	s10 =	sld [smem:$0x3FB8];
	_ =	sdelay $0x3  }
0x36: {  	p1 =	seq.s32 s10, $0x1;
	s10 =	sld [smem:$0x3FB9];
	_ =	sdelay $0x3  }
0x37: {  	[smem:$0x3FB9] =	sst s10  }
0x38: {  	s10 =	sld [smem:$0x3FBA]  }
0x39: {  	_ = 	snop;
	(pc) =	sbr.ind lr, $3  }
0x3a: {  	_ = 	snop  }
0x3b: {  	_ = 	snop  }
0x3c: {  	p2 =	seq.s32 s10, $0x1;
	s10 =	sld [smem:$0x3FB9]  }
0x3d: {  	_ =	shalt  }
0x3e: {  	_ =	shalt  }
0x3f: {  	_ =	shalt  }
0x40: {  	_ =	shalt  }
0x41: {  	_ =	shalt  }
0x42: {  	_ =	shalt  }
0x43: {  	_ =	shalt  }
0x44: {  	_ =	shalt  }
0x45: {  	_ =	shalt  }
0x46: {  	_ =	shalt  }
0x47: {  	_ =	shalt  }
0x48: {  	_ =	shalt  }
0x49: {  	_ =	shalt  }
0x4a: {  	_ =	shalt  }
0x4b: {  	_ =	shalt  }
0x4c: {  	_ =	shalt  }
0x4d: {  	_ =	shalt  }
0x4e: {  	_ =	shalt  }
0x4f: {  	_ =	shalt  }
0x50: {  	_ =	shalt  }
0x51: {  	_ =	shalt  }
0x52: {  	_ =	shalt  }
0x53: {  	_ =	shalt  }
0x54: {  	_ =	shalt  }
0x55: {  	_ =	shalt  }
0x56: {  	_ =	shalt  }
0x57: {  	_ =	shalt  }
0x58: {  	_ =	shalt  }
0x59: {  	_ =	shalt  }
0x5a: {  	_ =	shalt  }
0x5b: {  	_ =	shalt  }
0x5c: {  	_ =	shalt  }
0x5d: {  	_ =	shalt  }
0x5e: {  	_ =	shalt  }
0x5f: {  	_ =	shalt  }
0x60: {  	_ =	shalt  }
0x61: {  	_ =	shalt  }
0x62: {  	_ =	shalt  }
0x63: {  	_ =	shalt  }
0x64: {  	_ =	shalt  }
0x65: {  	_ =	shalt  }
0x66: {  	_ =	shalt  }
0x67: {  	_ =	shalt  }
0x68: {  	_ =	shalt  }
0x69: {  	_ =	shalt  }
0x6a: {  	_ =	shalt  }
0x6b: {  	_ =	shalt  }
0x6c: {  	_ =	shalt  }
0x6d: {  	_ =	shalt  }
0x6e: {  	_ =	shalt  }
0x6f: {  	_ =	shalt  }
0x70: {  	_ =	shalt  }
0x71: {  	_ =	shalt  }
0x72: {  	_ =	shalt  }
0x73: {  	_ =	shalt  }
0x74: {  	_ =	shalt  }
0x75: {  	_ =	shalt  }
0x76: {  	_ =	shalt  }
0x77: {  	_ =	shalt  }
0x78: {  	_ =	shalt  }
0x79: {  	_ =	shalt  }
0x7a: {  	_ =	shalt  }
0x7b: {  	_ =	shalt  }
0x7c: {  	_ =	shalt  }
0x7d: {  	_ =	shalt  }
0x7e: {  	_ =	shalt  }
0x7f: {  	_ =	shalt  }
0x80: {  	_ =	shalt  }
0x81: {  	_ =	shalt  }
0x82: {  	_ =	shalt  }
0x83: {  	_ =	shalt  }
0x84: {  	_ =	shalt  }
0x85: {  	_ =	shalt  }
0x86: {  	_ =	shalt  }
0x87: {  	_ =	shalt  }
.Lfunc_end0:
.L_simem_size_0:
called_computation_lowered:
.L_overlay_start_0:
0x88: {  	s2 =	sld [smem:$0x3FD9]  }
0x89: {  	s3 =	sld [smem:$0x3FFE];
	_ =	sdelay $0x1  }
0x8a: {  	s1 =	srdreg.scid  }
0x8b: {  	s0 =	sand.u32 $0x1, s1  }
0x8c: {  	s14 =	sshll.u32 s0, $0xA;
	s2 =	sadd.s32 s3, s2  }
0x8d: {  	s2 =	sadd.s32 s2, s14  }
0x8e: {  	[smem:$0x3FC5] =	sst s2  }
0x8f: {  	_ = 	snop  }
0x90: {  	s2 =	sld [smem:$0x3FD0];
	_ =	sdelay $0x2  }
0x91: {  	s15 =	simm.s32 $0xA;
	s4 =	simm.s32 $0x10  }
0x92: {  	[smem:s4], [sflag:s15] =	dma.local [hbm:s2], $0x1  }
0x93: {  	_ =	swait.eq [sflag:s15], $0x1  }
0x94: {  	[sflag:s15] =	ssyncset.done $0x0  }
0x95: {  	[sflag:s15] =	ssyncadd.s32 $0xFFFFFFFF  }
0x96: {  	s16 =	sld [smem:$0x12];
	(tm) =	ssettm $0x1  }
0x97: {  	s17 =	sld [smem:$0x3FFB];
	_ =	sdelay $0x3  }
0x98: {  	_ =	strace s17  }
0x99: {  	s3 =	sld [smem:$0x3FFC];
	_ =	sdelay $0x3  }
0x9a: {  	_ =	strace s3  }
0x9b: {  	s3 =	sld [smem:$0x3FFD];
	_ =	sdelay $0x3  }
0x9c: {  	_ =	strace s3  }
0x9d: {  	_ =	strace $0x8FFFFFFF  }
0x9e: {  	s18 =	sld [smem:$0x3FDB];
	_ =	sdelay $0x1  }
0x9f: {  	s19 =	simm.s32 $_scs_section_size  }
0xa0: {  	s5 =	simm.s32 $_size__tile_overlayer_lowered;
	s6 =	simm.s32 $_tile_overlayer_lowered  }
0xa1: {  	s22 =	simm.s32 $0x1BFF;
	s21 =	sshll.u32 s6, $0x1;
	s3 =	sadd.s32 s19, s18  }
0xa2: {  	s7 =	simm.s32 $0x0;
	s20 =	sshll.u32 s5, $0x1;
	s5 =	sadd.s32 s21, s3  }
0xa3: {  	[timem:s7], [sflag:s22] =	dma.local [hbm:s5], s20  }
0xa4: {  	_ =	swait.ge [sflag:s22], s20  }
0xa5: {  	s4 =	ssub.s32 $0x0, s20;
	[sflag:s22] =	ssyncset.done $0x0  }
0xa6: {  	[sflag:s22] =	ssyncadd.s32 s4;
	_ =	sdelay $0x1  }
0xa7: {  	s23 =	simm.s32 $0x1B8B  }
0xa8: {  	_ =	swait.ge [sflag:s23], $0x1  }
0xa9: {  	[sflag:s23] =	ssyncset.done $0x0  }
0xaa: {  	s25 =	simm.s32 $0x1B8E;
	s24 =	sld [smem:$0x3FFE];
	[sflag:s23] =	ssyncadd.s32 $0xFFFFFFFF  }
0xab: {  	s26 =	simm.s32 $execute0_lowered;
	[smem:$0x3FD2] =	sst s25  }
0xac: {  	s5 =	sshll.u32 s26, $0x1;
	_ =	strace $0x80000046;
	[dreg:$0x1] =	wrdreg $0xFFFFFFFF  }
0xad: {  	s28 =	simm.s32 $_size_execute0_lowered;
	s3 =	sadd.s32 s3, s5;
	[dreg:$0x0] =	wrdreg $0x0  }
0xae: {  	s5 =	sshll.u32 s28, $0x1;
	[dreg:$0x2] =	wrdreg s3  }
0xaf: {  	[dreg:$0x3] =	wrdreg s5  }
0xb0: {  	[dreg:$0x4] =	wrdreg $0xC0  }
0xb1: {  	_ =	task [dreg:s7], $0x5FFFF  }
0xb2: {  	[dreg:$0x1] =	wrdreg $0xFFFFFFFF  }
0xb3: {  	[dreg:$0x0] =	wrdreg $0x60  }
0xb4: {  	[dreg:$0x2] =	wrdreg s24  }
0xb5: {  	[dreg:$0x3] =	wrdreg s16  }
0xb6: {  	[dreg:$0x4] =	wrdreg $0x9  }
0xb7: {  	_ =	task.clear_ibuf [dreg:s7], $0x5FFFF;
	_ =	strace $0x90000046  }
0xb8: {  	s29 =	simm.s32 $0x9;
	_ =	strace $0x80000048  }
0xb9: {  	_ =	swait.ge [sflag:s29], $0x1  }
0xba: {  	[sflag:s29] =	ssyncadd.s32 $0xFFFFFFFF  }
0xbb: {  	_ =	strace $0x90000048  }
0xbc: {  	_ =	sfence  }
0xbd: {  	s30 =	sld [smem:$0x0];
	_ =	sdelay $0x2  }
0xbe: {  	s31 =	sshll.u32 s1, $0xD;
	s1 =	sshrl.u32 s1, $0x2  }
0xbf: {  	s3 =	sand.u32 $0x4000, s31;
	s1 =	sadd.s32 s1, s30  }
0xc0: {  	s0 =	sor.u32 s3, s0;
	s1 =	sshll.u32 s1, $0x11  }
0xc1: {  	s0 =	sor.u32 s1, s0  }
0xc2: {  	s0 =	sadd.s32 $0x8F2B, s0  }
0xc3: {  	[sflag:s0] =	ssyncadd.remote.s32 $0x1  }
0xc4: {  	_ =	sfence.sel $0xFFFF  }
0xc5: {  	[dreg:$0x0] =	wrdreg $0xFFFFFFFF;
	(pc) =	sbr.abs _section_cstart, $3  }
0xc6: {  	[dreg:$0x1] =	wrdreg $0xFFFFFFFF  }
0xc7: {  	_ =	task.clear_ibuf [dreg:s7], $0x2FFFF;
	_ =	strace $0x9FFFFFFF  }
0xc8: {  	(tm) =	ssettm $0x7FFFFFFF  }
0xc9: {  	_ =	shalt  }
tec
execute0_lowered:
.L_overlay_start_1:
0x0: {  	(tag) =	ssettag $0x1  }
0x1: {  	s1 =	srdreg.scid;
	s0 =	stileid.u32  }
0x2: {  	s3 =	rddreg [dreg:$0x0];
	s4 =	sand.u32 $0x1, s1;
	s9 =	sshll.u32 s0, $0x1  }
0x3: {  	s5 =	rddreg [dreg:$0x1];
	s2 =	sor.u32 s4, s9  }
0x4: {  	s1 =	rddreg [dreg:$0x2];
	s7 =	sshll.u32 s2, $0x7;
	s2 =	simm.s32 $0x0  }
0x5: {  	s10 =	sadd.s32 $0x600, s3;
	[smem:$0x7FF] =	sst s2  }
0x6: {  	s26 =	simm.s32 $0x100;
	_ =	strace $0x80000047;
	[dreg:$0x3] =	wrdreg s10  }
0x7: {  	s28 =	simm.s32 $0x180;
	[dreg:$0x6] =	wrdreg s26  }
0x8: {  	s29 =	simm.s32 $0x200;
	[dreg:$0x7] =	wrdreg s28  }
0x9: {  	s30 =	simm.s32 $0x280;
	[dreg:$0x8] =	wrdreg s29  }
0xa: {  	s31 =	simm.s32 $0x300;
	[dreg:$0x9] =	wrdreg s30  }
0xb: {  	s11 =	simm.s32 $0x600;
	[dreg:$0xa] =	wrdreg s31  }
0xc: {  	s12 =	simm.s32 $0x680;
	[dreg:$0xf] =	wrdreg s11  }
0xd: {  	s13 =	simm.s32 $0x700;
	[dreg:$0x10] =	wrdreg s12  }
0xe: {  	s14 =	simm.s32 $0x780;
	[dreg:$0x11] =	wrdreg s13  }
0xf: {  	s15 =	simm.s32 $0x800;
	[dreg:$0x12] =	wrdreg s14  }
0x10: {  	s16 =	simm.s32 $0x880;
	[dreg:$0x13] =	wrdreg s15  }
0x11: {  	s17 =	simm.s32 $0x900;
	[dreg:$0x14] =	wrdreg s16  }
0x12: {  	s18 =	simm.s32 $0x980;
	[dreg:$0x15] =	wrdreg s17  }
0x13: {  	s19 =	simm.s32 $0xA00;
	s20 =	simm.s32 $0xA80;
	[dreg:$0x16] =	wrdreg s18  }
0x14: {  	s21 =	simm.s32 $0xB00;
	s6 =	sshrl.u32 s0, $0x2;
	[dreg:$0x17] =	wrdreg s19  }
0x15: {  	s22 =	simm.s32 $0xB80;
	s8 =	sshll.u32 s6, $0xA;
	[dreg:$0x18] =	wrdreg s20  }
0x16: {  	s6 =	smul.u32 $0x1C00, s6;
	s7 =	sand.u32 $0x380, s7;
	[dreg:$0x19] =	wrdreg s21  }
0x17: {  	s23 =	simm.s32 $0xC00;
	s8 =	sor.u32 s8, s7;
	[dreg:$0x1a] =	wrdreg s22  }
0x18: {  	v0 =	vlaneseq.u32;
	s6 =	sor.u32 s6, s7;
	s7 =	simm.s32 $0x480;
	[dreg:$0x1b] =	wrdreg s23  }
0x19: {  	v0 =	vand.u32 $0x1, v0;
	s4 =	ssub.s32 $0x2, s4;
	s10 =	simm.s32 $0x580;
	[dreg:$0xc] =	wrdreg s7  }
0x1a: {  	v0 =	vor.u32 s9, v0;
	s9 =	simm.s32 $0x400;
	s26 =	simm.s32 $0xD00;
	[dreg:$0xe] =	wrdreg s10  }
0x1b: {  	s24 =	sshrl.u32 s4, $0x1;
	s28 =	simm.s32 $0xD80;
	[dreg:$0x1d] =	wrdreg s26  }
0x1c: {  	s29 =	simm.s32 $0xE00;
	s30 =	simm.s32 $0xE80;
	[dreg:$0x1e] =	wrdreg s28  }
0x1d: {  	s31 =	simm.s32 $0xF00;
	s11 =	simm.s32 $0x1100;
	[dreg:$0x1f] =	wrdreg s29  }
0x1e: {  	s8 =	sshrl.u32 s8, $0x3;
	s6 =	sshrl.u32 s6, $0x3;
	[smem:$0x7FB] =	sst s30  }
0x1f: {  	s7 =	simm.s32 $0x1080;
	[smem:$0x7FC] =	sst s31;
	s10 =	simm.s32 $0x1  }
0x20: {  	[smem:$0x7FD] =	sst s11;
	s8 =	sadd.s32 s8, s3;
	s5 =	sadd.s32 s5, s6  }
0x21: {  	s6 =	simm.s32 $0x380;
	s3 =	sadd.s32 $0x800, s3;
	[dreg:$0x5] =	wrdreg s5  }
0x22: {  	s25 =	sadd.s32 $0x4E2800, s8;
	[dreg:$0xb] =	wrdreg s6;
	s8 =	simm.s32 $0x500  }
0x23: {  	s6 =	ssub.s32 s4, s24;
	s4 =	smul.u32 $0x271000, s0;
	[dreg:$0x4] =	wrdreg s25  }
0x24: {  	[dreg:$0xd] =	wrdreg s8;
	s25 =	simm.s32 $0xC80;
	s5 =	smax.u32 s6, $0x1  }
0x25: {  	s6 =	simm.s32 $0x2;
	s8 =	simm.s32 $0x80;
	[dreg:$0x1c] =	wrdreg s25  }
.LBB2_1:
0x26: {  	s11 =	rddreg [dreg:$0x4]  }
0x27: {  	[tilespmem:s2], [sflag:$0x2] =	stream.linear.gather [hbm4b:s11+s2], $0x80, $0x38;
	[tilespmem:$0x1480] =	vst v63  }
0x28: {  	_ =	swait.ge [sflag:s6], $0x80  }
0x29: {  	[sflag:s6] =	ssyncset.done $0x0  }
0x2a: {  	s13 =	rddreg [dreg:$0x3];
	[sflag:s6] =	ssyncadd.s32 $0xFFFFFF80  }
0x2b: {  	[tilespmem:s7], [sflag:$0x2] =	stream.linear.gather [hbm4b:s13+s2], $0x80, $0x38;
	[tilespmem:$0x1480] =	vst v63  }
0x2c: {  	_ =	swait.ge [sflag:s6], $0x80  }
0x2d: {  	[sflag:s6] =	ssyncset.done $0x0  }
0x2e: {  	[sflag:s6] =	ssyncadd.s32 $0xFFFFFF80  }
0x2f: {  	v1 =	vld [tilespmem:$0x0];
	_ =	sdelay $0x4  }
0x30: {  	v1 =	vshll.u32 v1, $0x7  }
0x31: {  	(v2sf) =	vpush v1, $0x0;
	_ =	sdelay $0x3  }
0x32: {  	(v2sf) =	vpush v1, $0x1;
	_ =	sdelay $0x4  }
0x33: {  	(v2sf) =	vpush v1, $0x2;
	_ =	sdelay $0x5  }
0x34: {  	s14 =	spop (v2sf)  }
0x35: {  	s12 =	sand.u32 $0xFFFFFC00, s14  }
0x36: {  	(v2sf) =	vpush v1, $0x3;
	s11 =	sand.u32 $0x380, s14;
	s12 =	sadd.s32 s4, s12  }
0x37: {  	s11 =	sor.u32 s11, s12  }
0x38: {  	s15 =	spop (v2sf);
	s11 =	sshrl.u32 s11, $0x3  }
0x39: {  	s16 =	sand.u32 $0xFFFFFC00, s15;
	s11 =	sadd.s32 s3, s11  }
0x3a: {  	v2 =	vld [tilespmem:$0x10];
	(v2sf) =	vpush v1, $0x4;
	[tilespmem:s8], [sflag:$0x1] =	stream.linear.gather [hbm4b:s11+s2], $0x80, $0x38  }
0x3b: {  	s12 =	sadd.s32 s4, s16;
	s11 =	sand.u32 $0x380, s15  }
0x3c: {  	s11 =	sor.u32 s11, s12  }
0x3d: {  	s18 =	spop (v2sf);
	s11 =	sshrl.u32 s11, $0x3  }
0x3e: {  	s17 =	rddreg [dreg:$0x6];
	s19 =	sand.u32 $0xFFFFFC00, s18;
	s11 =	sadd.s32 s3, s11  }
0x3f: {  	(v2sf) =	vpush v1, $0x5;
	[tilespmem:s17], [sflag:$0x1] =	stream.linear.gather [hbm4b:s11+s2], $0x80, $0x38;
	[tilespmem:$0x1480] =	vst v63  }
0x40: {  	s12 =	sadd.s32 s4, s19;
	s11 =	sand.u32 $0x380, s18  }
0x41: {  	s11 =	sor.u32 s11, s12  }
0x42: {  	s11 =	sshrl.u32 s11, $0x3  }
0x43: {  	s20 =	rddreg [dreg:$0x7];
	s11 =	sadd.s32 s3, s11  }
0x44: {  	[tilespmem:s20], [sflag:$0x1] =	stream.linear.gather [hbm4b:s11+s2], $0x80, $0x38;
	[tilespmem:$0x1480] =	vst v63  }
0x45: {  	s21 =	spop (v2sf)  }
0x46: {  	s22 =	sand.u32 $0xFFFFFC00, s21  }
0x47: {  	(v2sf) =	vpush v1, $0x6;
	s11 =	sand.u32 $0x380, s21;
	s12 =	sadd.s32 s4, s22  }
0x48: {  	s11 =	sor.u32 s11, s12  }
0x49: {  	s24 =	spop (v2sf);
	s11 =	sshrl.u32 s11, $0x3  }
0x4a: {  	s23 =	rddreg [dreg:$0x8];
	s25 =	sand.u32 $0xFFFFFC00, s24;
	s11 =	sadd.s32 s3, s11  }
0x4b: {  	(v2sf) =	vpush v1, $0x7;
	[tilespmem:s23], [sflag:$0x1] =	stream.linear.gather [hbm4b:s11+s2], $0x80, $0x38;
	[tilespmem:$0x1480] =	vst v63  }
0x4c: {  	s12 =	sadd.s32 s4, s25;
	s11 =	sand.u32 $0x380, s24  }
0x4d: {  	s11 =	sor.u32 s11, s12  }
0x4e: {  	s28 =	spop (v2sf);
	s11 =	sshrl.u32 s11, $0x3  }
0x4f: {  	s26 =	rddreg [dreg:$0x9];
	s29 =	sand.u32 $0xFFFFFC00, s28;
	s11 =	sadd.s32 s3, s11  }
0x50: {  	(v2sf) =	vpush v1, $0x8;
	[tilespmem:s26], [sflag:$0x1] =	stream.linear.gather [hbm4b:s11+s2], $0x80, $0x38;
	[tilespmem:$0x1480] =	vst v63  }
0x51: {  	s12 =	sadd.s32 s4, s29;
	s11 =	sand.u32 $0x380, s28  }
0x52: {  	s11 =	sor.u32 s11, s12  }
0x53: {  	s11 =	sshrl.u32 s11, $0x3  }
0x54: {  	s30 =	rddreg [dreg:$0xa];
	s11 =	sadd.s32 s3, s11  }
0x55: {  	[tilespmem:s30], [sflag:$0x1] =	stream.linear.gather [hbm4b:s11+s2], $0x80, $0x38;
	[tilespmem:$0x1480] =	vst v63  }
0x56: {  	s31 =	spop (v2sf)  }
0x57: {  	s13 =	sand.u32 $0xFFFFFC00, s31  }
0x58: {  	(v2sf) =	vpush v1, $0x9;
	s11 =	sand.u32 $0x380, s31;
	s12 =	sadd.s32 s4, s13  }
0x59: {  	s11 =	sor.u32 s11, s12  }
0x5a: {  	s15 =	spop (v2sf);
	s11 =	sshrl.u32 s11, $0x3  }
0x5b: {  	s14 =	rddreg [dreg:$0xb];
	s16 =	sand.u32 $0xFFFFFC00, s15;
	s11 =	sadd.s32 s3, s11  }
0x5c: {  	(v2sf) =	vpush v1, $0xA;
	[tilespmem:s14], [sflag:$0x1] =	stream.linear.gather [hbm4b:s11+s2], $0x80, $0x38;
	[tilespmem:$0x1480] =	vst v63  }
0x5d: {  	s12 =	sadd.s32 s4, s16;
	s11 =	sand.u32 $0x380, s15  }
0x5e: {  	s11 =	sor.u32 s11, s12  }
0x5f: {  	s17 =	spop (v2sf);
	s11 =	sshrl.u32 s11, $0x3  }
0x60: {  	s18 =	sand.u32 $0xFFFFFC00, s17;
	s11 =	sadd.s32 s3, s11  }
0x61: {  	(v2sf) =	vpush v1, $0xB;
	[tilespmem:s9], [sflag:$0x1] =	stream.linear.gather [hbm4b:s11+s2], $0x80, $0x38;
	[tilespmem:$0x1480] =	vst v63  }
0x62: {  	s12 =	sadd.s32 s4, s18;
	s11 =	sand.u32 $0x380, s17  }
0x63: {  	s11 =	sor.u32 s11, s12  }
0x64: {  	s11 =	sshrl.u32 s11, $0x3  }
0x65: {  	s19 =	rddreg [dreg:$0xc];
	s11 =	sadd.s32 s3, s11  }
0x66: {  	[tilespmem:s19], [sflag:$0x1] =	stream.linear.gather [hbm4b:s11+s2], $0x80, $0x38;
	[tilespmem:$0x1480] =	vst v63  }
0x67: {  	s20 =	spop (v2sf)  }
0x68: {  	s21 =	sand.u32 $0xFFFFFC00, s20  }
0x69: {  	(v2sf) =	vpush v1, $0xC;
	s11 =	sand.u32 $0x380, s20;
	s12 =	sadd.s32 s4, s21  }
0x6a: {  	s11 =	sor.u32 s11, s12  }
0x6b: {  	s23 =	spop (v2sf);
	s11 =	sshrl.u32 s11, $0x3  }
0x6c: {  	s22 =	rddreg [dreg:$0xd];
	s24 =	sand.u32 $0xFFFFFC00, s23;
	s11 =	sadd.s32 s3, s11  }
0x6d: {  	(v2sf) =	vpush v1, $0xD;
	[tilespmem:s22], [sflag:$0x1] =	stream.linear.gather [hbm4b:s11+s2], $0x80, $0x38;
	[tilespmem:$0x1480] =	vst v63  }
0x6e: {  	s12 =	sadd.s32 s4, s24;
	s11 =	sand.u32 $0x380, s23  }
0x6f: {  	s11 =	sor.u32 s11, s12  }
0x70: {  	s26 =	spop (v2sf);
	s11 =	sshrl.u32 s11, $0x3  }
0x71: {  	s25 =	rddreg [dreg:$0xe];
	s28 =	sand.u32 $0xFFFFFC00, s26;
	s11 =	sadd.s32 s3, s11  }
0x72: {  	(v2sf) =	vpush v1, $0xE;
	[tilespmem:s25], [sflag:$0x1] =	stream.linear.gather [hbm4b:s11+s2], $0x80, $0x38;
	[tilespmem:$0x1480] =	vst v63  }
0x73: {  	s12 =	sadd.s32 s4, s28;
	s11 =	sand.u32 $0x380, s26  }
0x74: {  	s11 =	sor.u32 s11, s12  }
0x75: {  	s11 =	sshrl.u32 s11, $0x3  }
0x76: {  	s29 =	rddreg [dreg:$0xf];
	s11 =	sadd.s32 s3, s11  }
0x77: {  	[tilespmem:s29], [sflag:$0x1] =	stream.linear.gather [hbm4b:s11+s2], $0x80, $0x38;
	[tilespmem:$0x1480] =	vst v63  }
0x78: {  	s30 =	spop (v2sf)  }
0x79: {  	s31 =	sand.u32 $0xFFFFFC00, s30  }
0x7a: {  	(v2sf) =	vpush v1, $0xF;
	s11 =	sand.u32 $0x380, s30;
	s12 =	sadd.s32 s4, s31  }
0x7b: {  	s11 =	sor.u32 s11, s12  }
0x7c: {  	s14 =	spop (v2sf);
	s11 =	sshrl.u32 s11, $0x3  }
0x7d: {  	s13 =	rddreg [dreg:$0x10];
	v1 =	vshll.u32 v2, $0x7;
	s15 =	sand.u32 $0xFFFFFC00, s14;
	s11 =	sadd.s32 s3, s11  }
0x7e: {  	(v2sf) =	vpush v1, $0x0;
	[tilespmem:s13], [sflag:$0x1] =	stream.linear.gather [hbm4b:s11+s2], $0x80, $0x38;
	[tilespmem:$0x1480] =	vst v63  }
0x7f: {  	s12 =	sadd.s32 s4, s15;
	s11 =	sand.u32 $0x380, s14  }
0x80: {  	s11 =	sor.u32 s11, s12  }
0x81: {  	s17 =	spop (v2sf);
	s11 =	sshrl.u32 s11, $0x3  }
0x82: {  	s16 =	rddreg [dreg:$0x11];
	s18 =	sand.u32 $0xFFFFFC00, s17;
	s11 =	sadd.s32 s3, s11  }
0x83: {  	(v2sf) =	vpush v1, $0x1;
	[tilespmem:s16], [sflag:$0x1] =	stream.linear.gather [hbm4b:s11+s2], $0x80, $0x38;
	[tilespmem:$0x1480] =	vst v63  }
0x84: {  	s12 =	sadd.s32 s4, s18;
	s11 =	sand.u32 $0x380, s17  }
0x85: {  	s11 =	sor.u32 s11, s12  }
0x86: {  	s11 =	sshrl.u32 s11, $0x3  }
0x87: {  	s19 =	rddreg [dreg:$0x12];
	s11 =	sadd.s32 s3, s11  }
0x88: {  	[tilespmem:s19], [sflag:$0x1] =	stream.linear.gather [hbm4b:s11+s2], $0x80, $0x38;
	[tilespmem:$0x1480] =	vst v63  }
0x89: {  	s20 =	spop (v2sf)  }
0x8a: {  	s21 =	sand.u32 $0xFFFFFC00, s20  }
0x8b: {  	(v2sf) =	vpush v1, $0x2;
	s11 =	sand.u32 $0x380, s20;
	s12 =	sadd.s32 s4, s21  }
0x8c: {  	s11 =	sor.u32 s11, s12  }
0x8d: {  	s23 =	spop (v2sf);
	s11 =	sshrl.u32 s11, $0x3  }
0x8e: {  	s22 =	rddreg [dreg:$0x13];
	s24 =	sand.u32 $0xFFFFFC00, s23;
	s11 =	sadd.s32 s3, s11  }
0x8f: {  	(v2sf) =	vpush v1, $0x3;
	[tilespmem:s22], [sflag:$0x1] =	stream.linear.gather [hbm4b:s11+s2], $0x80, $0x38;
	[tilespmem:$0x1480] =	vst v63  }
0x90: {  	s12 =	sadd.s32 s4, s24;
	s11 =	sand.u32 $0x380, s23  }
0x91: {  	s11 =	sor.u32 s11, s12  }
0x92: {  	s26 =	spop (v2sf);
	s11 =	sshrl.u32 s11, $0x3  }
0x93: {  	s25 =	rddreg [dreg:$0x14];
	s28 =	sand.u32 $0xFFFFFC00, s26;
	s11 =	sadd.s32 s3, s11  }
0x94: {  	(v2sf) =	vpush v1, $0x4;
	[tilespmem:s25], [sflag:$0x1] =	stream.linear.gather [hbm4b:s11+s2], $0x80, $0x38;
	[tilespmem:$0x1480] =	vst v63  }
0x95: {  	s12 =	sadd.s32 s4, s28;
	s11 =	sand.u32 $0x380, s26  }
0x96: {  	s11 =	sor.u32 s11, s12  }
0x97: {  	s11 =	sshrl.u32 s11, $0x3  }
0x98: {  	s29 =	rddreg [dreg:$0x15];
	s11 =	sadd.s32 s3, s11  }
0x99: {  	[tilespmem:s29], [sflag:$0x1] =	stream.linear.gather [hbm4b:s11+s2], $0x80, $0x38;
	[tilespmem:$0x1480] =	vst v63  }
0x9a: {  	s30 =	spop (v2sf)  }
0x9b: {  	s31 =	sand.u32 $0xFFFFFC00, s30  }
0x9c: {  	(v2sf) =	vpush v1, $0x5;
	s11 =	sand.u32 $0x380, s30;
	s12 =	sadd.s32 s4, s31  }
0x9d: {  	s11 =	sor.u32 s11, s12  }
0x9e: {  	s14 =	spop (v2sf);
	s11 =	sshrl.u32 s11, $0x3  }
0x9f: {  	s13 =	rddreg [dreg:$0x16];
	s15 =	sand.u32 $0xFFFFFC00, s14;
	s11 =	sadd.s32 s3, s11  }
0xa0: {  	(v2sf) =	vpush v1, $0x6;
	[tilespmem:s13], [sflag:$0x1] =	stream.linear.gather [hbm4b:s11+s2], $0x80, $0x38;
	[tilespmem:$0x1480] =	vst v63  }
0xa1: {  	s12 =	sadd.s32 s4, s15;
	s11 =	sand.u32 $0x380, s14  }
0xa2: {  	s11 =	sor.u32 s11, s12  }
0xa3: {  	s17 =	spop (v2sf);
	s11 =	sshrl.u32 s11, $0x3  }
0xa4: {  	s16 =	rddreg [dreg:$0x17];
	s18 =	sand.u32 $0xFFFFFC00, s17;
	s11 =	sadd.s32 s3, s11  }
0xa5: {  	(v2sf) =	vpush v1, $0x7;
	[tilespmem:s16], [sflag:$0x1] =	stream.linear.gather [hbm4b:s11+s2], $0x80, $0x38;
	[tilespmem:$0x1480] =	vst v63  }
0xa6: {  	s12 =	sadd.s32 s4, s18;
	s11 =	sand.u32 $0x380, s17  }
0xa7: {  	s11 =	sor.u32 s11, s12  }
0xa8: {  	s11 =	sshrl.u32 s11, $0x3  }
0xa9: {  	s19 =	rddreg [dreg:$0x18];
	s11 =	sadd.s32 s3, s11  }
0xaa: {  	[tilespmem:s19], [sflag:$0x1] =	stream.linear.gather [hbm4b:s11+s2], $0x80, $0x38;
	[tilespmem:$0x1480] =	vst v63  }
0xab: {  	s20 =	spop (v2sf)  }
0xac: {  	s21 =	sand.u32 $0xFFFFFC00, s20  }
0xad: {  	(v2sf) =	vpush v1, $0x8;
	s11 =	sand.u32 $0x380, s20;
	s12 =	sadd.s32 s4, s21  }
0xae: {  	s11 =	sor.u32 s11, s12  }
0xaf: {  	s23 =	spop (v2sf);
	s11 =	sshrl.u32 s11, $0x3  }
0xb0: {  	s22 =	rddreg [dreg:$0x19];
	s24 =	sand.u32 $0xFFFFFC00, s23;
	s11 =	sadd.s32 s3, s11  }
0xb1: {  	(v2sf) =	vpush v1, $0x9;
	[tilespmem:s22], [sflag:$0x1] =	stream.linear.gather [hbm4b:s11+s2], $0x80, $0x38;
	[tilespmem:$0x1480] =	vst v63  }
0xb2: {  	s12 =	sadd.s32 s4, s24;
	s11 =	sand.u32 $0x380, s23  }
0xb3: {  	s11 =	sor.u32 s11, s12  }
0xb4: {  	s26 =	spop (v2sf);
	s11 =	sshrl.u32 s11, $0x3  }
0xb5: {  	s25 =	rddreg [dreg:$0x1a];
	s28 =	sand.u32 $0xFFFFFC00, s26;
	s11 =	sadd.s32 s3, s11  }
0xb6: {  	(v2sf) =	vpush v1, $0xA;
	[tilespmem:s25], [sflag:$0x1] =	stream.linear.gather [hbm4b:s11+s2], $0x80, $0x38;
	[tilespmem:$0x1480] =	vst v63  }
0xb7: {  	s12 =	sadd.s32 s4, s28;
	s11 =	sand.u32 $0x380, s26  }
0xb8: {  	s11 =	sor.u32 s11, s12  }
0xb9: {  	s11 =	sshrl.u32 s11, $0x3  }
0xba: {  	s29 =	rddreg [dreg:$0x1b];
	s11 =	sadd.s32 s3, s11  }
0xbb: {  	[tilespmem:s29], [sflag:$0x1] =	stream.linear.gather [hbm4b:s11+s2], $0x80, $0x38;
	[tilespmem:$0x1480] =	vst v63  }
0xbc: {  	s30 =	spop (v2sf)  }
0xbd: {  	s31 =	sand.u32 $0xFFFFFC00, s30  }
0xbe: {  	(v2sf) =	vpush v1, $0xB;
	s11 =	sand.u32 $0x380, s30;
	s12 =	sadd.s32 s4, s31  }
0xbf: {  	s11 =	sor.u32 s11, s12  }
0xc0: {  	s14 =	spop (v2sf);
	s11 =	sshrl.u32 s11, $0x3  }
0xc1: {  	s13 =	rddreg [dreg:$0x1c];
	s15 =	sand.u32 $0xFFFFFC00, s14;
	s11 =	sadd.s32 s3, s11  }
0xc2: {  	(v2sf) =	vpush v1, $0xC;
	[tilespmem:s13], [sflag:$0x1] =	stream.linear.gather [hbm4b:s11+s2], $0x80, $0x38;
	[tilespmem:$0x1480] =	vst v63  }
0xc3: {  	s12 =	sadd.s32 s4, s15;
	s11 =	sand.u32 $0x380, s14  }
0xc4: {  	s11 =	sor.u32 s11, s12  }
0xc5: {  	s17 =	spop (v2sf);
	s11 =	sshrl.u32 s11, $0x3  }
0xc6: {  	s16 =	rddreg [dreg:$0x1d];
	s18 =	sand.u32 $0xFFFFFC00, s17;
	s11 =	sadd.s32 s3, s11  }
0xc7: {  	(v2sf) =	vpush v1, $0xD;
	[tilespmem:s16], [sflag:$0x1] =	stream.linear.gather [hbm4b:s11+s2], $0x80, $0x38;
	[tilespmem:$0x1480] =	vst v63  }
0xc8: {  	s12 =	sadd.s32 s4, s18;
	s11 =	sand.u32 $0x380, s17  }
0xc9: {  	s11 =	sor.u32 s11, s12  }
0xca: {  	s11 =	sshrl.u32 s11, $0x3  }
0xcb: {  	s19 =	rddreg [dreg:$0x1e];
	s11 =	sadd.s32 s3, s11  }
0xcc: {  	[tilespmem:s19], [sflag:$0x1] =	stream.linear.gather [hbm4b:s11+s2], $0x80, $0x38;
	[tilespmem:$0x1480] =	vst v63  }
0xcd: {  	s20 =	spop (v2sf)  }
0xce: {  	s21 =	sand.u32 $0xFFFFFC00, s20  }
0xcf: {  	s11 =	sand.u32 $0x380, s20;
	s12 =	sadd.s32 s4, s21  }
0xd0: {  	s11 =	sor.u32 s11, s12  }
0xd1: {  	s23 =	spop (v2sf);
	s11 =	sshrl.u32 s11, $0x3  }
0xd2: {  	s22 =	rddreg [dreg:$0x1f];
	s24 =	sand.u32 $0xFFFFFC00, s23;
	s11 =	sadd.s32 s3, s11  }
0xd3: {  	[tilespmem:s22], [sflag:$0x1] =	stream.linear.gather [hbm4b:s11+s2], $0x80, $0x38;
	[tilespmem:$0x1480] =	vst v63  }
0xd4: {  	s12 =	sadd.s32 s4, s24;
	s11 =	sand.u32 $0x380, s23  }
0xd5: {  	s25 =	sld [smem:$0x7FB];
	s11 =	sor.u32 s11, s12  }
0xd6: {  	s26 =	spop (v2sf);
	s11 =	sshrl.u32 s11, $0x3  }
0xd7: {  	s28 =	sand.u32 $0xFFFFFC00, s26;
	s11 =	sadd.s32 s3, s11  }
0xd8: {  	[tilespmem:s25], [sflag:$0x1] =	stream.linear.gather [hbm4b:s11+s2], $0x80, $0x38;
	[tilespmem:$0x1480] =	vst v63  }
0xd9: {  	s12 =	sadd.s32 s4, s28;
	s11 =	sand.u32 $0x380, s26  }
0xda: {  	s29 =	sld [smem:$0x7FC];
	s11 =	sor.u32 s11, s12  }
0xdb: {  	s11 =	sshrl.u32 s11, $0x3  }
0xdc: {  	s11 =	sadd.s32 s3, s11  }
0xdd: {  	[tilespmem:s29], [sflag:$0x1] =	stream.linear.gather [hbm4b:s11+s2], $0x80, $0x38;
	[tilespmem:$0x1480] =	vst v63  }
0xde: {  	_ =	swait.ge [sflag:s10], $0x80  }
0xdf: {  	[sflag:s10] =	ssyncset.done $0x0  }
0xe0: {  	[sflag:s10] =	ssyncadd.s32 $0xFFFFFF80  }
0xe1: {  	_ =	swait.ge [sflag:s10], $0x80  }
0xe2: {  	[sflag:s10] =	ssyncset.done $0x0  }
0xe3: {  	[sflag:s10] =	ssyncadd.s32 $0xFFFFFF80  }
0xe4: {  	_ =	swait.ge [sflag:s10], $0x80  }
0xe5: {  	[sflag:s10] =	ssyncset.done $0x0  }
0xe6: {  	[sflag:s10] =	ssyncadd.s32 $0xFFFFFF80  }
0xe7: {  	_ =	swait.ge [sflag:s10], $0x80  }
0xe8: {  	[sflag:s10] =	ssyncset.done $0x0  }
0xe9: {  	[sflag:s10] =	ssyncadd.s32 $0xFFFFFF80  }
0xea: {  	_ =	swait.ge [sflag:s10], $0x80  }
0xeb: {  	[sflag:s10] =	ssyncset.done $0x0  }
0xec: {  	[sflag:s10] =	ssyncadd.s32 $0xFFFFFF80  }
0xed: {  	_ =	swait.ge [sflag:s10], $0x80  }
0xee: {  	[sflag:s10] =	ssyncset.done $0x0  }
0xef: {  	[sflag:s10] =	ssyncadd.s32 $0xFFFFFF80  }
0xf0: {  	_ =	swait.ge [sflag:s10], $0x80  }
0xf1: {  	[sflag:s10] =	ssyncset.done $0x0  }
0xf2: {  	[sflag:s10] =	ssyncadd.s32 $0xFFFFFF80  }
0xf3: {  	_ =	swait.ge [sflag:s10], $0x80  }
0xf4: {  	[sflag:s10] =	ssyncset.done $0x0  }
0xf5: {  	[sflag:s10] =	ssyncadd.s32 $0xFFFFFF80  }
0xf6: {  	_ =	swait.ge [sflag:s10], $0x80  }
0xf7: {  	[sflag:s10] =	ssyncset.done $0x0  }
0xf8: {  	[sflag:s10] =	ssyncadd.s32 $0xFFFFFF80  }
0xf9: {  	_ =	swait.ge [sflag:s10], $0x80  }
0xfa: {  	[sflag:s10] =	ssyncset.done $0x0  }
0xfb: {  	[sflag:s10] =	ssyncadd.s32 $0xFFFFFF80  }
0xfc: {  	_ =	swait.ge [sflag:s10], $0x80  }
0xfd: {  	[sflag:s10] =	ssyncset.done $0x0  }
0xfe: {  	[sflag:s10] =	ssyncadd.s32 $0xFFFFFF80  }
0xff: {  	_ =	swait.ge [sflag:s10], $0x80  }
0x100: {  	[sflag:s10] =	ssyncset.done $0x0  }
0x101: {  	[sflag:s10] =	ssyncadd.s32 $0xFFFFFF80  }
0x102: {  	_ =	swait.ge [sflag:s10], $0x80  }
0x103: {  	[sflag:s10] =	ssyncset.done $0x0  }
0x104: {  	[sflag:s10] =	ssyncadd.s32 $0xFFFFFF80  }
0x105: {  	_ =	swait.ge [sflag:s10], $0x80  }
0x106: {  	[sflag:s10] =	ssyncset.done $0x0  }
0x107: {  	[sflag:s10] =	ssyncadd.s32 $0xFFFFFF80  }
0x108: {  	_ =	swait.ge [sflag:s10], $0x80  }
0x109: {  	[sflag:s10] =	ssyncset.done $0x0  }
0x10a: {  	[sflag:s10] =	ssyncadd.s32 $0xFFFFFF80  }
0x10b: {  	_ =	swait.ge [sflag:s10], $0x80  }
0x10c: {  	[sflag:s10] =	ssyncset.done $0x0  }
0x10d: {  	[sflag:s10] =	ssyncadd.s32 $0xFFFFFF80  }
0x10e: {  	_ =	swait.ge [sflag:s10], $0x80  }
0x10f: {  	[sflag:s10] =	ssyncset.done $0x0  }
0x110: {  	[sflag:s10] =	ssyncadd.s32 $0xFFFFFF80  }
0x111: {  	_ =	swait.ge [sflag:s10], $0x80  }
0x112: {  	[sflag:s10] =	ssyncset.done $0x0  }
0x113: {  	[sflag:s10] =	ssyncadd.s32 $0xFFFFFF80  }
0x114: {  	_ =	swait.ge [sflag:s10], $0x80  }
0x115: {  	[sflag:s10] =	ssyncset.done $0x0  }
0x116: {  	[sflag:s10] =	ssyncadd.s32 $0xFFFFFF80  }
0x117: {  	_ =	swait.ge [sflag:s10], $0x80  }
0x118: {  	[sflag:s10] =	ssyncset.done $0x0  }
0x119: {  	[sflag:s10] =	ssyncadd.s32 $0xFFFFFF80  }
0x11a: {  	_ =	swait.ge [sflag:s10], $0x80  }
0x11b: {  	[sflag:s10] =	ssyncset.done $0x0  }
0x11c: {  	[sflag:s10] =	ssyncadd.s32 $0xFFFFFF80  }
0x11d: {  	_ =	swait.ge [sflag:s10], $0x80  }
0x11e: {  	[sflag:s10] =	ssyncset.done $0x0  }
0x11f: {  	[sflag:s10] =	ssyncadd.s32 $0xFFFFFF80  }
0x120: {  	_ =	swait.ge [sflag:s10], $0x80  }
0x121: {  	[sflag:s10] =	ssyncset.done $0x0  }
0x122: {  	[sflag:s10] =	ssyncadd.s32 $0xFFFFFF80  }
0x123: {  	_ =	swait.ge [sflag:s10], $0x80  }
0x124: {  	[sflag:s10] =	ssyncset.done $0x0  }
0x125: {  	[sflag:s10] =	ssyncadd.s32 $0xFFFFFF80  }
0x126: {  	_ =	swait.ge [sflag:s10], $0x80  }
0x127: {  	[sflag:s10] =	ssyncset.done $0x0  }
0x128: {  	[sflag:s10] =	ssyncadd.s32 $0xFFFFFF80  }
0x129: {  	_ =	swait.ge [sflag:s10], $0x80  }
0x12a: {  	[sflag:s10] =	ssyncset.done $0x0  }
0x12b: {  	[sflag:s10] =	ssyncadd.s32 $0xFFFFFF80  }
0x12c: {  	_ =	swait.ge [sflag:s10], $0x80  }
0x12d: {  	[sflag:s10] =	ssyncset.done $0x0  }
0x12e: {  	[sflag:s10] =	ssyncadd.s32 $0xFFFFFF80  }
0x12f: {  	_ =	swait.ge [sflag:s10], $0x80  }
0x130: {  	[sflag:s10] =	ssyncset.done $0x0  }
0x131: {  	[sflag:s10] =	ssyncadd.s32 $0xFFFFFF80  }
0x132: {  	_ =	swait.ge [sflag:s10], $0x80  }
0x133: {  	[sflag:s10] =	ssyncset.done $0x0  }
0x134: {  	[sflag:s10] =	ssyncadd.s32 $0xFFFFFF80  }
0x135: {  	_ =	swait.ge [sflag:s10], $0x80  }
0x136: {  	[sflag:s10] =	ssyncset.done $0x0  }
0x137: {  	[sflag:s10] =	ssyncadd.s32 $0xFFFFFF80  }
0x138: {  	v1 =	vld.idx.msk [tilespmem:v0+s7+$0x0], $0xffff  }
0x139: {  	v2 =	vld [tilespmem:$0x80]  }
0x13a: {  	v3 =	vld [tilespmem:$0x8A]  }
0x13b: {  	v4 =	vld [tilespmem:$0x100]  }
0x13c: {  	v5 =	vld [tilespmem:$0x10A]  }
0x13d: {  	v6 =	vld [tilespmem:$0x180]  }
0x13e: {  	v7 =	vld [tilespmem:$0x18A];
	v2 =	vmul.f32 v2, v1  }
0x13f: {  	v8 =	vld [tilespmem:$0x200];
	v3 =	vmul.f32 v3, v1  }
0x140: {  	v63 =	vld [tilespmem:$0x20A];
	[tilespmem:$0x1100] =	vst v2;
	v2 =	vmul.f32 v4, v1  }
0x141: {  	v12 =	vld [tilespmem:$0x280];
	[tilespmem:$0x110A] =	vst v3;
	v3 =	vmul.f32 v5, v1  }
0x142: {  	v13 =	vld [tilespmem:$0x28A];
	[tilespmem:$0x111A] =	vst v2;
	v2 =	vmul.f32 v6, v1  }
0x143: {  	v14 =	vld [tilespmem:$0x300];
	[tilespmem:$0x1124] =	vst v3;
	v3 =	vmul.f32 v7, v1  }
0x144: {  	v15 =	vld [tilespmem:$0x30A];
	[tilespmem:$0x1134] =	vst v2;
	v2 =	vmul.f32 v8, v1  }
0x145: {  	v16 =	vld [tilespmem:$0x380];
	[tilespmem:$0x113E] =	vst v3;
	v3 =	vmul.f32 v63, v1  }
0x146: {  	v17 =	vld [tilespmem:$0x38A];
	[tilespmem:$0x114E] =	vst v2;
	v2 =	vmul.f32 v12, v1  }
0x147: {  	v18 =	vld [tilespmem:$0x400];
	[tilespmem:$0x1158] =	vst v3;
	v3 =	vmul.f32 v13, v1  }
0x148: {  	v19 =	vld [tilespmem:$0x40A];
	[tilespmem:$0x1168] =	vst v2;
	v2 =	vmul.f32 v14, v1  }
0x149: {  	v20 =	vld [tilespmem:$0x480];
	[tilespmem:$0x1172] =	vst v3;
	v3 =	vmul.f32 v15, v1  }
0x14a: {  	v21 =	vld [tilespmem:$0x48A];
	[tilespmem:$0x1182] =	vst v2;
	v2 =	vmul.f32 v16, v1  }
0x14b: {  	v22 =	vld [tilespmem:$0x500];
	[tilespmem:$0x118C] =	vst v3;
	v3 =	vmul.f32 v17, v1  }
0x14c: {  	v23 =	vld [tilespmem:$0x50A];
	[tilespmem:$0x119C] =	vst v2;
	v2 =	vmul.f32 v18, v1  }
0x14d: {  	v24 =	vld [tilespmem:$0x580];
	[tilespmem:$0x11A6] =	vst v3;
	v3 =	vmul.f32 v19, v1  }
0x14e: {  	v25 =	vld [tilespmem:$0x58A];
	[tilespmem:$0x11B6] =	vst v2;
	v2 =	vmul.f32 v20, v1  }
0x14f: {  	v26 =	vld [tilespmem:$0x600];
	[tilespmem:$0x11C0] =	vst v3;
	v3 =	vmul.f32 v21, v1  }
0x150: {  	v27 =	vld [tilespmem:$0x60A];
	[tilespmem:$0x11D0] =	vst v2;
	v2 =	vmul.f32 v22, v1  }
0x151: {  	v28 =	vld [tilespmem:$0x680];
	[tilespmem:$0x11DA] =	vst v3;
	v3 =	vmul.f32 v23, v1  }
0x152: {  	v29 =	vld [tilespmem:$0x68A];
	[tilespmem:$0x11EA] =	vst v2;
	v2 =	vmul.f32 v24, v1  }
0x153: {  	v30 =	vld [tilespmem:$0x700];
	[tilespmem:$0x11F4] =	vst v3;
	v3 =	vmul.f32 v25, v1  }
0x154: {  	v31 =	vld [tilespmem:$0x70A];
	[tilespmem:$0x1204] =	vst v2;
	v2 =	vmul.f32 v26, v1  }
0x155: {  	v32 =	vld [tilespmem:$0x780];
	[tilespmem:$0x120E] =	vst v3;
	v3 =	vmul.f32 v27, v1  }
0x156: {  	v33 =	vld [tilespmem:$0x78A];
	[tilespmem:$0x121E] =	vst v2;
	v2 =	vmul.f32 v28, v1  }
0x157: {  	v34 =	vld [tilespmem:$0x800];
	[tilespmem:$0x1228] =	vst v3;
	v3 =	vmul.f32 v29, v1  }
0x158: {  	v35 =	vld [tilespmem:$0x80A];
	[tilespmem:$0x1238] =	vst v2;
	v2 =	vmul.f32 v30, v1  }
0x159: {  	v36 =	vld [tilespmem:$0x880];
	[tilespmem:$0x1242] =	vst v3;
	v3 =	vmul.f32 v31, v1  }
0x15a: {  	v37 =	vld [tilespmem:$0x88A];
	[tilespmem:$0x1252] =	vst v2;
	v2 =	vmul.f32 v32, v1  }
0x15b: {  	v38 =	vld [tilespmem:$0x900];
	[tilespmem:$0x125C] =	vst v3;
	v3 =	vmul.f32 v33, v1  }
0x15c: {  	v39 =	vld [tilespmem:$0x90A];
	[tilespmem:$0x126C] =	vst v2;
	v2 =	vmul.f32 v34, v1  }
0x15d: {  	v40 =	vld [tilespmem:$0x980];
	[tilespmem:$0x1276] =	vst v3;
	v3 =	vmul.f32 v35, v1  }
0x15e: {  	v41 =	vld [tilespmem:$0x98A];
	[tilespmem:$0x1286] =	vst v2;
	v2 =	vmul.f32 v36, v1  }
0x15f: {  	v42 =	vld [tilespmem:$0xA00];
	[tilespmem:$0x1290] =	vst v3;
	v3 =	vmul.f32 v37, v1  }
0x160: {  	v43 =	vld [tilespmem:$0xA0A];
	[tilespmem:$0x12A0] =	vst v2;
	v2 =	vmul.f32 v38, v1  }
0x161: {  	v44 =	vld [tilespmem:$0xA80];
	[tilespmem:$0x12AA] =	vst v3;
	v3 =	vmul.f32 v39, v1  }
0x162: {  	v45 =	vld [tilespmem:$0xA8A];
	[tilespmem:$0x12BA] =	vst v2;
	v2 =	vmul.f32 v40, v1  }
0x163: {  	v46 =	vld [tilespmem:$0xB00];
	[tilespmem:$0x12C4] =	vst v3;
	v3 =	vmul.f32 v41, v1  }
0x164: {  	v47 =	vld [tilespmem:$0xB0A];
	[tilespmem:$0x12D4] =	vst v2;
	v2 =	vmul.f32 v42, v1  }
0x165: {  	v48 =	vld [tilespmem:$0xB80];
	[tilespmem:$0x12DE] =	vst v3;
	v3 =	vmul.f32 v43, v1  }
0x166: {  	v49 =	vld [tilespmem:$0xB8A];
	[tilespmem:$0x12EE] =	vst v2;
	v2 =	vmul.f32 v44, v1  }
0x167: {  	v50 =	vld [tilespmem:$0xC00];
	[tilespmem:$0x12F8] =	vst v3;
	v3 =	vmul.f32 v45, v1  }
0x168: {  	v51 =	vld [tilespmem:$0xC0A];
	[tilespmem:$0x1308] =	vst v2;
	v2 =	vmul.f32 v46, v1  }
0x169: {  	v52 =	vld [tilespmem:$0xC80];
	[tilespmem:$0x1312] =	vst v3;
	v3 =	vmul.f32 v47, v1  }
0x16a: {  	v53 =	vld [tilespmem:$0xC8A];
	[tilespmem:$0x1322] =	vst v2;
	v2 =	vmul.f32 v48, v1  }
0x16b: {  	v54 =	vld [tilespmem:$0xD00];
	[tilespmem:$0x132C] =	vst v3;
	v3 =	vmul.f32 v49, v1  }
0x16c: {  	v55 =	vld [tilespmem:$0xD0A];
	[tilespmem:$0x133C] =	vst v2;
	v2 =	vmul.f32 v50, v1  }
0x16d: {  	v56 =	vld [tilespmem:$0xD80];
	[tilespmem:$0x1346] =	vst v3;
	v3 =	vmul.f32 v51, v1  }
0x16e: {  	v57 =	vld [tilespmem:$0xD8A];
	[tilespmem:$0x1356] =	vst v2;
	v2 =	vmul.f32 v52, v1  }
0x16f: {  	v58 =	vld [tilespmem:$0xE00];
	[tilespmem:$0x1360] =	vst v3;
	v3 =	vmul.f32 v53, v1  }
0x170: {  	v59 =	vld [tilespmem:$0xE0A];
	[tilespmem:$0x1370] =	vst v2;
	v2 =	vmul.f32 v54, v1  }
0x171: {  	v60 =	vld [tilespmem:$0xE80];
	[tilespmem:$0x137A] =	vst v3;
	v3 =	vmul.f32 v55, v1  }
0x172: {  	v61 =	vld [tilespmem:$0xE8A];
	[tilespmem:$0x138A] =	vst v2;
	v2 =	vmul.f32 v56, v1  }
0x173: {  	v62 =	vld [tilespmem:$0xF00];
	[tilespmem:$0x1394] =	vst v3;
	v3 =	vmul.f32 v57, v1  }
0x174: {  	v63 =	vld [tilespmem:$0xF0A];
	[tilespmem:$0x13A4] =	vst v2;
	v2 =	vmul.f32 v58, v1  }
0x175: {  	[tilespmem:$0x13AE] =	vst v3;
	v3 =	vmul.f32 v59, v1  }
0x176: {  	[tilespmem:$0x13BE] =	vst v2;
	v2 =	vmul.f32 v60, v1  }
0x177: {  	[tilespmem:$0x13C8] =	vst v3;
	v3 =	vmul.f32 v61, v1  }
0x178: {  	[tilespmem:$0x13D8] =	vst v2;
	v2 =	vmul.f32 v62, v1  }
0x179: {  	s31 =	sld [smem:$0x7FD];
	v1 =	vmul.f32 v63, v1;
	[tilespmem:$0x13E2] =	vst v3  }
0x17a: {  	p0 =	sne.s32 s5, $0x1;
	[tilespmem:$0x13F2] =	vst v2  }
.Ltmp0:
0x17b: {  	s30 =	rddreg [dreg:$0x5];
	[tilespmem:$0x13FC] =	vst v1;
	(pc) =	sbr.rel @p0 .LBB2_1-.Ltmp0, $4  }
0x17c: {  	[hbm4b:s30+s8] =	stream.strided.scatter [tilespmem:s31], [sflag:$0x2], $0x380, s9, s8, $0x38;
	[tilespmem:$0x1480] =	vst v63  }
0x17d: {  	_ =	swait.ge [sflag:s6], $0x380  }
0x17e: {  	[sflag:s6] =	ssyncset.done $0x0  }
0x17f: {  	s5 =	sadd.s32 $0xFFFFFFFF, s5;
	[sflag:s6] =	ssyncadd.s32 $0xFFFFFC80  }
0x180: {  	_ =	sfence.sel $0x180000  }
0x181: {  	[bflag:$0x0] =	sbarrier.arrive $0xFFFF  }
0x182: {  	p0 =	sne.s32 s0, $0x0;
	_ =	strace $0x90000047  }
0x183: {  	s0 =	sadd.s32 @!p0 $0x100000, s1;
	[bflag:$0x2] =	sbarrier.arrive $0xFFFF  }
0x184: {  	[sflag:s0] =	ssyncadd.tile.s32 @!p0 $0x1;
	_ =	shalt  }
.Lfunc_end2:
_tile_overlayer_lowered:
.L_overlay_start_2:
0x185: {  	(tag) =	ssettag $0x2  }
0x186: {  	s0 =	rddreg [dreg:$0x0];
	s2 =	stileid.u32  }
0x187: {  	s1 =	rddreg [dreg:$0x1];
	p0 =	sne.s32 s2, $0x0  }
0x188: {  	s3 =	rddreg [dreg:$0x2];
	[bflag:$0x3] =	sbarrier.arrive $0xFFFF;
	s2 =	simm.s32 @!p0 $0x1C02  }
0x189: {  	[timem:s3], [sflag:s2] =	dma.local @!p0 [hbm:s0], s1  }
0x18a: {  	s0 =	simm.s32 @!p0 $0x2  }
0x18b: {  	_ =	swait.ge @!p0 [sflag:s0], s1  }
0x18c: {  	s1 =	ssub.s32 @!p0 $0x0, s1;
	[sflag:s0] =	ssyncset.done @!p0 $0x0  }
0x18d: {  	[sflag:s0] =	ssyncadd.s32 @!p0 s1  }
0x18e: {  	[bflag:$0x3] =	sbarrier.arrive $0xFFFF  }
0x18f: {  	_ =	shalt  }

</sc_bundles>
